<compile_context>
chip_gen: v7x
topology: tpu7x:2x2x1
jax: 0.10.2.dev20260603
libtpu: 0.0.44.dev20260713+nightly
codegen_flags: <defaults>
</compile_context>

<pallas_src>
import functools

import jax
import jax.numpy as jnp
from jax import lax
from jax.experimental import pallas as pl
from jax.experimental.pallas import tpu as pltpu
from jax.experimental.pallas import tpu_sc as plsc

N = 10000
E = 320000
D = 128

NC = 2
NS = 16
NW = NC * NS
CH = 88
CPW = 114
NCHUNK = NW * CPW
E_PAD = NCHUNK * CH
M_ROWS = 10016
BS = M_ROWS // 2
TILE_ROWS = 632
LAST_ROWS = N - (NS - 1) * TILE_ROWS
NB = 3
PF = 2


def _seg_sum_sc(m, src3d, dst3d):
    mesh = plsc.VectorSubcoreMesh(core_axis_name="c", subcore_axis_name="s")

    @functools.partial(
        pl.kernel,
        out_type=(
            jax.ShapeDtypeStruct((N, D), jnp.float32),
            jax.ShapeDtypeStruct((N, D), jnp.float32),
        ),
        mesh=mesh,
        scratch_types=[
            pltpu.VMEM((CPW, CH), jnp.int32),
            pltpu.VMEM((NB, CH), jnp.int32),
            pltpu.VMEM((NB, CH, D), jnp.float32),
            pltpu.VMEM_SHARED((N, D), jnp.float32),
        ] + [pltpu.SemaphoreType.DMA] * (2 * NB),
    )
    def seg_kernel(m_hbm, src_hbm, dst_hbm, p0_hbm, p1_hbm,
                   src_v, dst_v, rows_v, acc_sh, *sems):
        semg = sems[:NB]
        semd = sems[NB:2 * NB]
        c = lax.axis_index("c")
        s = lax.axis_index("s")
        wid = c * NS + s
        cbase = wid * CPW
        base = s * TILE_ROWS

        @pl.loop(0, CH)
        def _zero_rows(i):
            @pl.loop(0, D // 16)
            def _zero_lanes(k16):
                rows_v[0, i, pl.ds(k16 * 16, 16)] = jnp.zeros((16,),
                                                              jnp.float32)

        @pl.when(s < NS - 1)
        def _zero_full_tile():
            @pl.loop(0, TILE_ROWS // CH)
            def _zero_acc(t):
                pltpu.sync_copy(rows_v.at[0],
                                acc_sh.at[pl.ds(base + t * CH, CH)])
            pltpu.sync_copy(
                rows_v.at[0].at[pl.ds(0, TILE_ROWS % CH)],
                acc_sh.at[pl.ds(base + (TILE_ROWS // CH) * CH,
                                TILE_ROWS % CH)])

        @pl.when(s == NS - 1)
        def _zero_last_tile():
            @pl.loop(0, LAST_ROWS // CH)
            def _zero_acc(t):
                pltpu.sync_copy(rows_v.at[0],
                                acc_sh.at[pl.ds(base + t * CH, CH)])
            pltpu.sync_copy(
                rows_v.at[0].at[pl.ds(0, LAST_ROWS % CH)],
                acc_sh.at[pl.ds(base + (LAST_ROWS // CH) * CH,
                                LAST_ROWS % CH)])

        pltpu.sync_copy(src_hbm.at[wid], src_v)
        for j in range(PF):
            pltpu.async_copy(dst_hbm.at[cbase + j].at[0], dst_v.at[j],
                             semd[j])
            pltpu.async_copy(m_hbm.at[src_v.at[j]], rows_v.at[j], semg[j])
        plsc.subcore_barrier()

        @pl.loop(0, CPW, step=NB)
        def _edges(t):
            for k in range(NB):
                b = k
                bn = (k + PF) % NB
                cur = t + k
                pltpu.make_async_copy(
                    m_hbm.at[src_v.at[cur]], rows_v.at[b], semg[b]).wait()

                @pl.when(cur + PF < CPW)
                def _issue_gather():
                    pltpu.async_copy(
                        m_hbm.at[src_v.at[cur + PF]], rows_v.at[bn],
                        semg[bn])

                pltpu.make_async_copy(
                    dst_hbm.at[cbase + cur].at[0], dst_v.at[b],
                    semd[b]).wait()
                pltpu.sync_copy(rows_v.at[b], acc_sh.at[dst_v.at[b]],
                                add=True)

                @pl.when(cur + PF < CPW)
                def _issue_dst():
                    pltpu.async_copy(
                        dst_hbm.at[cbase + cur + PF].at[0],
                        dst_v.at[bn], semd[bn])
        plsc.subcore_barrier()

        @pl.when(jnp.logical_and(c == 0, s < NS - 1))
        def _out0():
            pltpu.sync_copy(acc_sh.at[pl.ds(base, TILE_ROWS)],
                            p0_hbm.at[pl.ds(base, TILE_ROWS)])

        @pl.when(jnp.logical_and(c == 0, s == NS - 1))
        def _out0_last():
            pltpu.sync_copy(acc_sh.at[pl.ds(base, LAST_ROWS)],
                            p0_hbm.at[pl.ds(base, LAST_ROWS)])

        @pl.when(jnp.logical_and(c == 1, s < NS - 1))
        def _out1():
            pltpu.sync_copy(acc_sh.at[pl.ds(base, TILE_ROWS)],
                            p1_hbm.at[pl.ds(base, TILE_ROWS)])

        @pl.when(jnp.logical_and(c == 1, s == NS - 1))
        def _out1_last():
            pltpu.sync_copy(acc_sh.at[pl.ds(base, LAST_ROWS)],
                            p1_hbm.at[pl.ds(base, LAST_ROWS)])

    return seg_kernel(m, src3d, dst3d)


def _row_mask(shape):
    i = pl.program_id(0)
    rows = i * BS + lax.broadcasted_iota(jnp.int32, shape, 0)
    return rows < N


def _mm_body(h, wr_ref, wo_ref, b_ref, m_ref, r_ref):
    dn = (((1,), (1,)), ((), ()))
    m_ref[...] = lax.dot_general(
        h, wr_ref[...], dn, preferred_element_type=jnp.float32,
        precision=lax.Precision.HIGHEST)
    r_ref[...] = lax.dot_general(
        h, wo_ref[...], dn, preferred_element_type=jnp.float32,
        precision=lax.Precision.HIGHEST) + b_ref[...]


def _tc_pre(x, W_rel, W_root, b):
    def body(x_ref, wr_ref, wo_ref, b_ref, m_ref, r_ref):
        h = jnp.where(_row_mask((BS, D)), x_ref[...], 0.0)
        _mm_body(h, wr_ref, wo_ref, b_ref, m_ref, r_ref)

    return pl.pallas_call(
        body,
        grid=(2,),
        in_specs=[
            pl.BlockSpec((BS, D), lambda i: (i, 0)),
            pl.BlockSpec((D, D), lambda i: (0, 0)),
            pl.BlockSpec((D, D), lambda i: (0, 0)),
            pl.BlockSpec((1, D), lambda i: (0, 0)),
        ],
        out_specs=[
            pl.BlockSpec((BS, D), lambda i: (i, 0)),
            pl.BlockSpec((BS, D), lambda i: (i, 0)),
        ],
        out_shape=(jax.ShapeDtypeStruct((M_ROWS, D), jnp.float32),
                   jax.ShapeDtypeStruct((N, D), jnp.float32)),
    )(x, W_rel, W_root, b.reshape(1, D))


def _tc_mid(p0, p1, r, W_rel, W_root, b):
    def body(p0_ref, p1_ref, r_ref, wr_ref, wo_ref, b_ref, m_ref, r2_ref):
        h = jnp.maximum(p0_ref[...] + p1_ref[...] + r_ref[...], 0.0)
        h = jnp.where(_row_mask((BS, D)), h, 0.0)
        _mm_body(h, wr_ref, wo_ref, b_ref, m_ref, r2_ref)

    return pl.pallas_call(
        body,
        grid=(2,),
        in_specs=[
            pl.BlockSpec((BS, D), lambda i: (i, 0)),
            pl.BlockSpec((BS, D), lambda i: (i, 0)),
            pl.BlockSpec((BS, D), lambda i: (i, 0)),
            pl.BlockSpec((D, D), lambda i: (0, 0)),
            pl.BlockSpec((D, D), lambda i: (0, 0)),
            pl.BlockSpec((1, D), lambda i: (0, 0)),
        ],
        out_specs=[
            pl.BlockSpec((BS, D), lambda i: (i, 0)),
            pl.BlockSpec((BS, D), lambda i: (i, 0)),
        ],
        out_shape=(jax.ShapeDtypeStruct((M_ROWS, D), jnp.float32),
                   jax.ShapeDtypeStruct((N, D), jnp.float32)),
    )(p0, p1, r, W_rel, W_root, b.reshape(1, D))


def _tc_final(p0, p1, r):
    def body(p0_ref, p1_ref, r_ref, o_ref):
        o_ref[...] = p0_ref[...] + p1_ref[...] + r_ref[...]

    return pl.pallas_call(
        body,
        out_shape=jax.ShapeDtypeStruct((N, D), jnp.float32),
    )(p0, p1, r)


def kernel(x, relationsedge_indices_relations, W_rel1, b_rel1, W_root1,
           W_rel2, b_rel2, W_root2):
    ei = relationsedge_indices_relations[-1]
    src, dst = ei[0], ei[1]
    pad = E_PAD - E
    src3d = jnp.concatenate(
        [src, jnp.full((pad,), N, jnp.int32)]).reshape(NW, CPW, CH)
    dst3d = jnp.concatenate(
        [dst, jnp.zeros((pad,), jnp.int32)]).reshape(NCHUNK, 1, CH)

    m1, r1 = _tc_pre(x, W_rel1, W_root1, b_rel1)
    p0, p1 = _seg_sum_sc(m1, src3d, dst3d)
    m2, r2 = _tc_mid(p0, p1, r1, W_rel2, W_root2, b_rel2)
    q0, q1 = _seg_sum_sc(m2, src3d, dst3d)
    out = _tc_final(q0, q1, r2)
    return out.reshape(N, 1, D)

# --- scband reference (transcript-rebuilt; emitter-appended) ---
"""Pipeline reference for scband-gcn-38560216384097 (READ-ONLY COPY).

The authoritative reference and input builder live on the scoring server;
editing this copy changes nothing except your own understanding.
"""

import jax, jax.numpy as jnp
import numpy as np

N, E, D_IN, D_HID, D_OUT = 10000, 320000, 128, 128, 128

def setup_inputs(seed: int = 0):
    key = jax.random.key(seed)
    ks = jax.random.split(key, 9)
    x = jax.random.normal(ks[0], (N, D_IN), dtype=jnp.float32)
    # module forward indexes relationsedge_indices_relations[-1]; a [1,2,E] tensor
    # indexed with [-1] yields the [2,E] edge_index
    edge_index = jax.random.randint(ks[1], (1, 2, E), 0, N, dtype=jnp.int32)
    s1 = 1.0 / np.sqrt(D_IN)
    s2 = 1.0 / np.sqrt(D_HID)
    # GraphConv layer 1: lin_rel (weight+bias) applied to aggregated neighbors, lin_root (no bias)
    W_rel1 = jax.random.uniform(ks[2], (D_HID, D_IN), dtype=jnp.float32, minval=-s1, maxval=s1)
    b_rel1 = jax.random.uniform(ks[3], (D_HID,), dtype=jnp.float32, minval=-s1, maxval=s1)
    W_root1 = jax.random.uniform(ks[4], (D_HID, D_IN), dtype=jnp.float32, minval=-s1, maxval=s1)
    # GraphConv layer 2
    W_rel2 = jax.random.uniform(ks[5], (D_OUT, D_HID), dtype=jnp.float32, minval=-s2, maxval=s2)
    b_rel2 = jax.random.uniform(ks[6], (D_OUT,), dtype=jnp.float32, minval=-s2, maxval=s2)
    W_root2 = jax.random.uniform(ks[7], (D_OUT, D_HID), dtype=jnp.float32, minval=-s2, maxval=s2)
    return {"x": x, "relationsedge_indices_relations": edge_index,
            "W_rel1": W_rel1, "b_rel1": b_rel1, "W_root1": W_root1,
            "W_rel2": W_rel2, "b_rel2": b_rel2, "W_root2": W_root2}

def _graph_conv(h, src, dst, W_rel, b_rel, W_root):
    # PyG GraphConv (aggr='add'): out = lin_rel(sum_{j in N(i)} x_j) + lin_root(x_i)
    agg = jax.ops.segment_sum(h[src], dst, num_segments=h.shape[0])
    return agg @ W_rel.T + b_rel + h @ W_root.T

def reference(x, relationsedge_indices_relations, W_rel1, b_rel1, W_root1, W_rel2, b_rel2, W_root2):
    ei = relationsedge_indices_relations[-1]
    src, dst = ei[0], ei[1]
    h = _graph_conv(x, src, dst, W_rel1, b_rel1, W_root1)
    h = jax.nn.relu(h)
    h = _graph_conv(h, src, dst, W_rel2, b_rel2, W_root2)
    out = h.reshape(-1, 1, D_OUT)  # single relation -> concat of one block
    return out

if __name__ == "__main__":
    import jax
    _d = setup_inputs()
    print(jax.jit(kernel)(*tuple(_d.values())))

</pallas_src>

<mosaic_0001>
#map = affine_map<(d0, d1) -> (0, 0)>
#map1 = affine_map<(d0, d1) -> (0, 0, 0)>
module attributes {stable_mosaic.version = 14 : i64} {
  func.func @seg_kernel(%arg0: i32, %arg1: i32, %arg2: memref<10016x128xf32, #tpu.memory_space<hbm>>, %arg3: memref<32x114x88xi32, #tpu.memory_space<hbm>>, %arg4: memref<3648x1x88xi32, #tpu.memory_space<hbm>>, %arg5: memref<10000x128xf32, #tpu.memory_space<hbm>>, %arg6: memref<10000x128xf32, #tpu.memory_space<hbm>>, %arg7: memref<114x88xi32, #tpu.memory_space<vmem>>, %arg8: memref<3x88xi32, #tpu.memory_space<vmem>>, %arg9: memref<3x88x128xf32, #tpu.memory_space<vmem>>, %arg10: memref<10000x128xf32, #tpu.memory_space<vmem_shared>>, %arg11: memref<!tpu.dma_semaphore, #tpu.memory_space<semaphore_mem>>, %arg12: memref<!tpu.dma_semaphore, #tpu.memory_space<semaphore_mem>>, %arg13: memref<!tpu.dma_semaphore, #tpu.memory_space<semaphore_mem>>, %arg14: memref<!tpu.dma_semaphore, #tpu.memory_space<semaphore_mem>>, %arg15: memref<!tpu.dma_semaphore, #tpu.memory_space<semaphore_mem>>, %arg16: memref<!tpu.dma_semaphore, #tpu.memory_space<semaphore_mem>>) attributes {dimension_semantics = [#tpu.dimension_semantics<core_parallel>, #tpu.dimension_semantics<subcore_parallel>], iteration_bounds = array<i64: 2, 16>, scalar_prefetch = 0 : i64, scratch_operands = 10 : i64, tpu.core_type = #tpu.core_type<sc_vector_subcore>, window_params = [{transform_indices = #map}, {transform_indices = #map1}, {transform_indices = #map1}, {transform_indices = #map}, {transform_indices = #map}]} {
    %mul3A = arith.constant 16 : i32
    %mul3A_0 = arith.muli %arg0, %mul3A : i32
    %add3A = arith.addi %mul3A_0, %arg1 : i32
    %mul3A_1 = arith.constant 114 : i32
    %mul3A_2 = arith.muli %add3A, %mul3A_1 : i32
    %mul3A_3 = arith.constant 632 : i32
    %mul3A_4 = arith.muli %arg1, %mul3A_3 : i32
    %scan3A = arith.constant 0 : i32
    %scan3A_5 = arith.constant 88 : i32
    %scan3A_6 = arith.addi %scan3A, %scan3A_5 : i32
    %scan3A_7 = arith.constant 1 : i32
    scf.for %scan3A_123 = %scan3A to %scan3A_6 step %scan3A_7  : i32 {
      %mul3A_124 = arith.constant 1 : i32
      %mul3A_125 = arith.muli %scan3A_123, %mul3A_124 : i32
      %add3A_126 = arith.constant 0 : i32
      %add3A_127 = arith.addi %add3A_126, %mul3A_125 : i32
      %scan3A_128 = arith.constant 0 : i32
      %scan3A_129 = arith.constant 8 : i32
      %scan3A_130 = arith.addi %scan3A_128, %scan3A_129 : i32
      %scan3A_131 = arith.constant 1 : i32
      scf.for %scan3A_133 = %scan3A_128 to %scan3A_130 step %scan3A_131  : i32 {
        %mul3A_134 = arith.constant 1 : i32
        %mul3A_135 = arith.muli %scan3A_133, %mul3A_134 : i32
        %add3A_136 = arith.constant 0 : i32
        %add3A_137 = arith.addi %add3A_136, %mul3A_135 : i32
        %broadcast_in_dim3A = arith.constant 0.000000e+00 : f32
        %broadcast_in_dim3A_138 = vector.broadcast %broadcast_in_dim3A : f32 to vector<16xf32>
        %mul3A_139 = arith.constant 16 : i32
        %mul3A_140 = arith.muli %add3A_137, %mul3A_139 : i32
        %swap3A = arith.constant 0 : i32
        %swap3A_141 = arith.index_cast %swap3A : i32 to index
        %swap3A_142 = arith.index_cast %add3A_127 : i32 to index
        %swap3A_143 = arith.index_cast %mul3A_140 : i32 to index
        %swap3A_144 = tpu.vector_load %arg9[%swap3A_141, %swap3A_142, %swap3A_143] {strides = array<i32>} : memref<3x88x128xf32, #tpu.memory_space<vmem>>, vector<1x1x16xf32>,
        %swap3A_145 = vector.shape_cast %swap3A_144 : vector<1x1x16xf32> to vector<16xf32>
        %swap3A_146 = vector.shape_cast %broadcast_in_dim3A_138 : vector<16xf32> to vector<1x1x16xf32>
        tpu.vector_store %arg9[%swap3A_141, %swap3A_142, %swap3A_143], %swap3A_146 {strides = array<i32>} : memref<3x88x128xf32, #tpu.memory_space<vmem>>, vector<1x1x16xf32>,
      }
      %scan3A_132 = arith.constant 8 : i32
    }
    %scan3A_8 = arith.constant 88 : i32
    %lt3A = arith.constant 15 : i32
    %lt3A_9 = arith.cmpi slt, %arg1, %lt3A : i32
    %convert_element_type3A = arith.extui %lt3A_9 : i1 to i32
    %cond3A = arith.constant 0 : i32
    %cond3A_10 = arith.cmpi ne, %convert_element_type3A, %cond3A : i32
    scf.if %cond3A_10 {
      %scan3A_123 = arith.constant 0 : i32
      %scan3A_124 = arith.constant 7 : i32
      %scan3A_125 = arith.addi %scan3A_123, %scan3A_124 : i32
      %scan3A_126 = arith.constant 1 : i32
      scf.for %scan3A_130 = %scan3A_123 to %scan3A_125 step %scan3A_126  : i32 {
        %mul3A_131 = arith.constant 1 : i32
        %mul3A_132 = arith.muli %scan3A_130, %mul3A_131 : i32
        %add3A_133 = arith.constant 0 : i32
        %add3A_134 = arith.addi %add3A_133, %mul3A_132 : i32
        %mul3A_135 = arith.constant 88 : i32
        %mul3A_136 = arith.muli %add3A_134, %mul3A_135 : i32
        %add3A_137 = arith.addi %mul3A_4, %mul3A_136 : i32
        %run_scoped3A_138 = arith.constant 0 : i32
        "tpu.region"() ({
          %run_scoped3A_139 = tpu.sem_alloc : memref<!tpu.dma_semaphore, #tpu.memory_space<semaphore_mem>>
          %dma_start3A_140 = arith.constant 0 : i32
          %dma_start3A_141 = arith.constant 0 : i32
          %dma_start3A_142 = tpu.memref_slice %arg9[%run_scoped3A_138, %dma_start3A_140, %dma_start3A_141] : memref<3x88x128xf32, #tpu.memory_space<vmem>> -> memref<1x88x128xf32, #tpu.memory_space<vmem>>
          %dma_start3A_143 = tpu.memref_squeeze %dma_start3A_142 : memref<1x88x128xf32, #tpu.memory_space<vmem>> -> memref<88x128xf32, #tpu.memory_space<vmem>>
          %dma_start3A_144 = arith.constant 0 : i32
          %dma_start3A_145 = tpu.memref_slice %arg10[%add3A_137, %dma_start3A_144] : memref<10000x128xf32, #tpu.memory_space<vmem_shared>> -> memref<88x128xf32, #tpu.memory_space<vmem_shared>>
          %dma_start3A_146 = arith.constant 0 : i32
          %dma_start3A_147 = tpu.memref_slice %arg10[%add3A_137, %dma_start3A_146] : memref<10000x128xf32, #tpu.memory_space<vmem_shared>> -> memref<88x128xf32, #tpu.memory_space<vmem_shared>>
          %dma_start3A_148 = arith.constant 0 : i32
          %dma_start3A_149 = arith.constant 0 : i32
          %dma_start3A_150 = tpu.memref_slice %arg9[%run_scoped3A_138, %dma_start3A_148, %dma_start3A_149] : memref<3x88x128xf32, #tpu.memory_space<vmem>> -> memref<1x88x128xf32, #tpu.memory_space<vmem>>
          %dma_start3A_151 = tpu.memref_squeeze %dma_start3A_150 : memref<1x88x128xf32, #tpu.memory_space<vmem>> -> memref<88x128xf32, #tpu.memory_space<vmem>>
          tpu.enqueue_dma source(%dma_start3A_151 : memref<88x128xf32, #tpu.memory_space<vmem>>) target(%dma_start3A_147 : memref<88x128xf32, #tpu.memory_space<vmem_shared>>) target_semaphore(%run_scoped3A_139 : memref<!tpu.dma_semaphore, #tpu.memory_space<semaphore_mem>>)
          %dma_wait3A = arith.constant 0 : i32
          %dma_wait3A_152 = arith.constant 0 : i32
          %dma_wait3A_153 = tpu.memref_slice %arg9[%run_scoped3A_138, %dma_wait3A, %dma_wait3A_152] : memref<3x88x128xf32, #tpu.memory_space<vmem>> -> memref<1x88x128xf32, #tpu.memory_space<vmem>>
          %dma_wait3A_154 = tpu.memref_squeeze %dma_wait3A_153 : memref<1x88x128xf32, #tpu.memory_space<vmem>> -> memref<88x128xf32, #tpu.memory_space<vmem>>
          %dma_wait3A_155 = arith.constant 0 : i32
          %dma_wait3A_156 = tpu.memref_slice %arg10[%add3A_137, %dma_wait3A_155] : memref<10000x128xf32, #tpu.memory_space<vmem_shared>> -> memref<88x128xf32, #tpu.memory_space<vmem_shared>>
          %dma_wait3A_157 = arith.constant 0 : i32
          %dma_wait3A_158 = tpu.memref_slice %arg10[%add3A_137, %dma_wait3A_157] : memref<10000x128xf32, #tpu.memory_space<vmem_shared>> -> memref<88x128xf32, #tpu.memory_space<vmem_shared>>
          %dma_wait3A_159 = arith.constant 0 : i32
          %dma_wait3A_160 = arith.constant 0 : i32
          %dma_wait3A_161 = tpu.memref_slice %arg9[%run_scoped3A_138, %dma_wait3A_159, %dma_wait3A_160] : memref<3x88x128xf32, #tpu.memory_space<vmem>> -> memref<1x88x128xf32, #tpu.memory_space<vmem>>
          %dma_wait3A_162 = tpu.memref_squeeze %dma_wait3A_161 : memref<1x88x128xf32, #tpu.memory_space<vmem>> -> memref<88x128xf32, #tpu.memory_space<vmem>>
          tpu.wait_dma2 semaphore(%run_scoped3A_139 : memref<!tpu.dma_semaphore, #tpu.memory_space<semaphore_mem>>) src(%dma_wait3A_162 : memref<88x128xf32, #tpu.memory_space<vmem>>) dst(%dma_wait3A_158 : memref<88x128xf32, #tpu.memory_space<vmem_shared>>)
          tpu.yield
        }) : () -> ()
      }
      %scan3A_127 = arith.constant 7 : i32
      %add3A_128 = arith.constant 616 : i32
      %add3A_129 = arith.addi %mul3A_4, %add3A_128 : i32
      %run_scoped3A = arith.constant 0 : i32
      "tpu.region"() ({
        %run_scoped3A_130 = tpu.sem_alloc : memref<!tpu.dma_semaphore, #tpu.memory_space<semaphore_mem>>
        %dma_start3A_131 = arith.constant 0 : i32
        %dma_start3A_132 = arith.constant 0 : i32
        %dma_start3A_133 = tpu.memref_slice %arg9[%run_scoped3A, %dma_start3A_131, %dma_start3A_132] : memref<3x88x128xf32, #tpu.memory_space<vmem>> -> memref<1x88x128xf32, #tpu.memory_space<vmem>>
        %dma_start3A_134 = tpu.memref_squeeze %dma_start3A_133 : memref<1x88x128xf32, #tpu.memory_space<vmem>> -> memref<88x128xf32, #tpu.memory_space<vmem>>
        %dma_start3A_135 = arith.constant 0 : i32
        %dma_start3A_136 = arith.constant 0 : i32
        %dma_start3A_137 = tpu.memref_slice %dma_start3A_134[%dma_start3A_135, %dma_start3A_136] : memref<88x128xf32, #tpu.memory_space<vmem>> -> memref<16x128xf32, #tpu.memory_space<vmem>>
        %dma_start3A_138 = arith.constant 0 : i32
        %dma_start3A_139 = tpu.memref_slice %arg10[%add3A_129, %dma_start3A_138] : memref<10000x128xf32, #tpu.memory_space<vmem_shared>> -> memref<16x128xf32, #tpu.memory_space<vmem_shared>>
        %dma_start3A_140 = arith.constant 0 : i32
        %dma_start3A_141 = tpu.memref_slice %arg10[%add3A_129, %dma_start3A_140] : memref<10000x128xf32, #tpu.memory_space<vmem_shared>> -> memref<16x128xf32, #tpu.memory_space<vmem_shared>>
        %dma_start3A_142 = arith.constant 0 : i32
        %dma_start3A_143 = arith.constant 0 : i32
        %dma_start3A_144 = tpu.memref_slice %arg9[%run_scoped3A, %dma_start3A_142, %dma_start3A_143] : memref<3x88x128xf32, #tpu.memory_space<vmem>> -> memref<1x88x128xf32, #tpu.memory_space<vmem>>
        %dma_start3A_145 = tpu.memref_squeeze %dma_start3A_144 : memref<1x88x128xf32, #tpu.memory_space<vmem>> -> memref<88x128xf32, #tpu.memory_space<vmem>>
        %dma_start3A_146 = arith.constant 0 : i32
        %dma_start3A_147 = arith.constant 0 : i32
        %dma_start3A_148 = tpu.memref_slice %dma_start3A_145[%dma_start3A_146, %dma_start3A_147] : memref<88x128xf32, #tpu.memory_space<vmem>> -> memref<16x128xf32, #tpu.memory_space<vmem>>
        tpu.enqueue_dma source(%dma_start3A_148 : memref<16x128xf32, #tpu.memory_space<vmem>>) target(%dma_start3A_141 : memref<16x128xf32, #tpu.memory_space<vmem_shared>>) target_semaphore(%run_scoped3A_130 : memref<!tpu.dma_semaphore, #tpu.memory_space<semaphore_mem>>)
        %dma_wait3A = arith.constant 0 : i32
        %dma_wait3A_149 = arith.constant 0 : i32
        %dma_wait3A_150 = tpu.memref_slice %arg9[%run_scoped3A, %dma_wait3A, %dma_wait3A_149] : memref<3x88x128xf32, #tpu.memory_space<vmem>> -> memref<1x88x128xf32, #tpu.memory_space<vmem>>
        %dma_wait3A_151 = tpu.memref_squeeze %dma_wait3A_150 : memref<1x88x128xf32, #tpu.memory_space<vmem>> -> memref<88x128xf32, #tpu.memory_space<vmem>>
        %dma_wait3A_152 = arith.constant 0 : i32
        %dma_wait3A_153 = arith.constant 0 : i32
        %dma_wait3A_154 = tpu.memref_slice %dma_wait3A_151[%dma_wait3A_152, %dma_wait3A_153] : memref<88x128xf32, #tpu.memory_space<vmem>> -> memref<16x128xf32, #tpu.memory_space<vmem>>
        %dma_wait3A_155 = arith.constant 0 : i32
        %dma_wait3A_156 = tpu.memref_slice %arg10[%add3A_129, %dma_wait3A_155] : memref<10000x128xf32, #tpu.memory_space<vmem_shared>> -> memref<16x128xf32, #tpu.memory_space<vmem_shared>>
        %dma_wait3A_157 = arith.constant 0 : i32
        %dma_wait3A_158 = tpu.memref_slice %arg10[%add3A_129, %dma_wait3A_157] : memref<10000x128xf32, #tpu.memory_space<vmem_shared>> -> memref<16x128xf32, #tpu.memory_space<vmem_shared>>
        %dma_wait3A_159 = arith.constant 0 : i32
        %dma_wait3A_160 = arith.constant 0 : i32
        %dma_wait3A_161 = tpu.memref_slice %arg9[%run_scoped3A, %dma_wait3A_159, %dma_wait3A_160] : memref<3x88x128xf32, #tpu.memory_space<vmem>> -> memref<1x88x128xf32, #tpu.memory_space<vmem>>
        %dma_wait3A_162 = tpu.memref_squeeze %dma_wait3A_161 : memref<1x88x128xf32, #tpu.memory_space<vmem>> -> memref<88x128xf32, #tpu.memory_space<vmem>>
        %dma_wait3A_163 = arith.constant 0 : i32
        %dma_wait3A_164 = arith.constant 0 : i32
        %dma_wait3A_165 = tpu.memref_slice %dma_wait3A_162[%dma_wait3A_163, %dma_wait3A_164] : memref<88x128xf32, #tpu.memory_space<vmem>> -> memref<16x128xf32, #tpu.memory_space<vmem>>
        tpu.wait_dma2 semaphore(%run_scoped3A_130 : memref<!tpu.dma_semaphore, #tpu.memory_space<semaphore_mem>>) src(%dma_wait3A_165 : memref<16x128xf32, #tpu.memory_space<vmem>>) dst(%dma_wait3A_158 : memref<16x128xf32, #tpu.memory_space<vmem_shared>>)
        tpu.yield
      }) : () -> ()
    } else {
    }
    %eq3A = arith.constant 15 : i32
    %eq3A_11 = arith.cmpi eq, %arg1, %eq3A : i32
    %convert_element_type3A_12 = arith.extui %eq3A_11 : i1 to i32
    %cond3A_13 = arith.constant 0 : i32
    %cond3A_14 = arith.cmpi ne, %convert_element_type3A_12, %cond3A_13 : i32
    scf.if %cond3A_14 {
      %scan3A_123 = arith.constant 0 : i32
      %scan3A_124 = arith.constant 5 : i32
      %scan3A_125 = arith.addi %scan3A_123, %scan3A_124 : i32
      %scan3A_126 = arith.constant 1 : i32
      scf.for %scan3A_130 = %scan3A_123 to %scan3A_125 step %scan3A_126  : i32 {
        %mul3A_131 = arith.constant 1 : i32
        %mul3A_132 = arith.muli %scan3A_130, %mul3A_131 : i32
        %add3A_133 = arith.constant 0 : i32
        %add3A_134 = arith.addi %add3A_133, %mul3A_132 : i32
        %mul3A_135 = arith.constant 88 : i32
        %mul3A_136 = arith.muli %add3A_134, %mul3A_135 : i32
        %add3A_137 = arith.addi %mul3A_4, %mul3A_136 : i32
        %run_scoped3A_138 = arith.constant 0 : i32
        "tpu.region"() ({
          %run_scoped3A_139 = tpu.sem_alloc : memref<!tpu.dma_semaphore, #tpu.memory_space<semaphore_mem>>
          %dma_start3A_140 = arith.constant 0 : i32
          %dma_start3A_141 = arith.constant 0 : i32
          %dma_start3A_142 = tpu.memref_slice %arg9[%run_scoped3A_138, %dma_start3A_140, %dma_start3A_141] : memref<3x88x128xf32, #tpu.memory_space<vmem>> -> memref<1x88x128xf32, #tpu.memory_space<vmem>>
          %dma_start3A_143 = tpu.memref_squeeze %dma_start3A_142 : memref<1x88x128xf32, #tpu.memory_space<vmem>> -> memref<88x128xf32, #tpu.memory_space<vmem>>
          %dma_start3A_144 = arith.constant 0 : i32
          %dma_start3A_145 = tpu.memref_slice %arg10[%add3A_137, %dma_start3A_144] : memref<10000x128xf32, #tpu.memory_space<vmem_shared>> -> memref<88x128xf32, #tpu.memory_space<vmem_shared>>
          %dma_start3A_146 = arith.constant 0 : i32
          %dma_start3A_147 = tpu.memref_slice %arg10[%add3A_137, %dma_start3A_146] : memref<10000x128xf32, #tpu.memory_space<vmem_shared>> -> memref<88x128xf32, #tpu.memory_space<vmem_shared>>
          %dma_start3A_148 = arith.constant 0 : i32
          %dma_start3A_149 = arith.constant 0 : i32
          %dma_start3A_150 = tpu.memref_slice %arg9[%run_scoped3A_138, %dma_start3A_148, %dma_start3A_149] : memref<3x88x128xf32, #tpu.memory_space<vmem>> -> memref<1x88x128xf32, #tpu.memory_space<vmem>>
          %dma_start3A_151 = tpu.memref_squeeze %dma_start3A_150 : memref<1x88x128xf32, #tpu.memory_space<vmem>> -> memref<88x128xf32, #tpu.memory_space<vmem>>
          tpu.enqueue_dma source(%dma_start3A_151 : memref<88x128xf32, #tpu.memory_space<vmem>>) target(%dma_start3A_147 : memref<88x128xf32, #tpu.memory_space<vmem_shared>>) target_semaphore(%run_scoped3A_139 : memref<!tpu.dma_semaphore, #tpu.memory_space<semaphore_mem>>)
          %dma_wait3A = arith.constant 0 : i32
          %dma_wait3A_152 = arith.constant 0 : i32
          %dma_wait3A_153 = tpu.memref_slice %arg9[%run_scoped3A_138, %dma_wait3A, %dma_wait3A_152] : memref<3x88x128xf32, #tpu.memory_space<vmem>> -> memref<1x88x128xf32, #tpu.memory_space<vmem>>
          %dma_wait3A_154 = tpu.memref_squeeze %dma_wait3A_153 : memref<1x88x128xf32, #tpu.memory_space<vmem>> -> memref<88x128xf32, #tpu.memory_space<vmem>>
          %dma_wait3A_155 = arith.constant 0 : i32
          %dma_wait3A_156 = tpu.memref_slice %arg10[%add3A_137, %dma_wait3A_155] : memref<10000x128xf32, #tpu.memory_space<vmem_shared>> -> memref<88x128xf32, #tpu.memory_space<vmem_shared>>
          %dma_wait3A_157 = arith.constant 0 : i32
          %dma_wait3A_158 = tpu.memref_slice %arg10[%add3A_137, %dma_wait3A_157] : memref<10000x128xf32, #tpu.memory_space<vmem_shared>> -> memref<88x128xf32, #tpu.memory_space<vmem_shared>>
          %dma_wait3A_159 = arith.constant 0 : i32
          %dma_wait3A_160 = arith.constant 0 : i32
          %dma_wait3A_161 = tpu.memref_slice %arg9[%run_scoped3A_138, %dma_wait3A_159, %dma_wait3A_160] : memref<3x88x128xf32, #tpu.memory_space<vmem>> -> memref<1x88x128xf32, #tpu.memory_space<vmem>>
          %dma_wait3A_162 = tpu.memref_squeeze %dma_wait3A_161 : memref<1x88x128xf32, #tpu.memory_space<vmem>> -> memref<88x128xf32, #tpu.memory_space<vmem>>
          tpu.wait_dma2 semaphore(%run_scoped3A_139 : memref<!tpu.dma_semaphore, #tpu.memory_space<semaphore_mem>>) src(%dma_wait3A_162 : memref<88x128xf32, #tpu.memory_space<vmem>>) dst(%dma_wait3A_158 : memref<88x128xf32, #tpu.memory_space<vmem_shared>>)
          tpu.yield
        }) : () -> ()
      }
      %scan3A_127 = arith.constant 5 : i32
      %add3A_128 = arith.constant 440 : i32
      %add3A_129 = arith.addi %mul3A_4, %add3A_128 : i32
      %run_scoped3A = arith.constant 0 : i32
      "tpu.region"() ({
        %run_scoped3A_130 = tpu.sem_alloc : memref<!tpu.dma_semaphore, #tpu.memory_space<semaphore_mem>>
        %dma_start3A_131 = arith.constant 0 : i32
        %dma_start3A_132 = arith.constant 0 : i32
        %dma_start3A_133 = tpu.memref_slice %arg9[%run_scoped3A, %dma_start3A_131, %dma_start3A_132] : memref<3x88x128xf32, #tpu.memory_space<vmem>> -> memref<1x88x128xf32, #tpu.memory_space<vmem>>
        %dma_start3A_134 = tpu.memref_squeeze %dma_start3A_133 : memref<1x88x128xf32, #tpu.memory_space<vmem>> -> memref<88x128xf32, #tpu.memory_space<vmem>>
        %dma_start3A_135 = arith.constant 0 : i32
        %dma_start3A_136 = arith.constant 0 : i32
        %dma_start3A_137 = tpu.memref_slice %dma_start3A_134[%dma_start3A_135, %dma_start3A_136] : memref<88x128xf32, #tpu.memory_space<vmem>> -> memref<80x128xf32, #tpu.memory_space<vmem>>
        %dma_start3A_138 = arith.constant 0 : i32
        %dma_start3A_139 = tpu.memref_slice %arg10[%add3A_129, %dma_start3A_138] : memref<10000x128xf32, #tpu.memory_space<vmem_shared>> -> memref<80x128xf32, #tpu.memory_space<vmem_shared>>
        %dma_start3A_140 = arith.constant 0 : i32
        %dma_start3A_141 = tpu.memref_slice %arg10[%add3A_129, %dma_start3A_140] : memref<10000x128xf32, #tpu.memory_space<vmem_shared>> -> memref<80x128xf32, #tpu.memory_space<vmem_shared>>
        %dma_start3A_142 = arith.constant 0 : i32
        %dma_start3A_143 = arith.constant 0 : i32
        %dma_start3A_144 = tpu.memref_slice %arg9[%run_scoped3A, %dma_start3A_142, %dma_start3A_143] : memref<3x88x128xf32, #tpu.memory_space<vmem>> -> memref<1x88x128xf32, #tpu.memory_space<vmem>>
        %dma_start3A_145 = tpu.memref_squeeze %dma_start3A_144 : memref<1x88x128xf32, #tpu.memory_space<vmem>> -> memref<88x128xf32, #tpu.memory_space<vmem>>
        %dma_start3A_146 = arith.constant 0 : i32
        %dma_start3A_147 = arith.constant 0 : i32
        %dma_start3A_148 = tpu.memref_slice %dma_start3A_145[%dma_start3A_146, %dma_start3A_147] : memref<88x128xf32, #tpu.memory_space<vmem>> -> memref<80x128xf32, #tpu.memory_space<vmem>>
        tpu.enqueue_dma source(%dma_start3A_148 : memref<80x128xf32, #tpu.memory_space<vmem>>) target(%dma_start3A_141 : memref<80x128xf32, #tpu.memory_space<vmem_shared>>) target_semaphore(%run_scoped3A_130 : memref<!tpu.dma_semaphore, #tpu.memory_space<semaphore_mem>>)
        %dma_wait3A = arith.constant 0 : i32
        %dma_wait3A_149 = arith.constant 0 : i32
        %dma_wait3A_150 = tpu.memref_slice %arg9[%run_scoped3A, %dma_wait3A, %dma_wait3A_149] : memref<3x88x128xf32, #tpu.memory_space<vmem>> -> memref<1x88x128xf32, #tpu.memory_space<vmem>>
        %dma_wait3A_151 = tpu.memref_squeeze %dma_wait3A_150 : memref<1x88x128xf32, #tpu.memory_space<vmem>> -> memref<88x128xf32, #tpu.memory_space<vmem>>
        %dma_wait3A_152 = arith.constant 0 : i32
        %dma_wait3A_153 = arith.constant 0 : i32
        %dma_wait3A_154 = tpu.memref_slice %dma_wait3A_151[%dma_wait3A_152, %dma_wait3A_153] : memref<88x128xf32, #tpu.memory_space<vmem>> -> memref<80x128xf32, #tpu.memory_space<vmem>>
        %dma_wait3A_155 = arith.constant 0 : i32
        %dma_wait3A_156 = tpu.memref_slice %arg10[%add3A_129, %dma_wait3A_155] : memref<10000x128xf32, #tpu.memory_space<vmem_shared>> -> memref<80x128xf32, #tpu.memory_space<vmem_shared>>
        %dma_wait3A_157 = arith.constant 0 : i32
        %dma_wait3A_158 = tpu.memref_slice %arg10[%add3A_129, %dma_wait3A_157] : memref<10000x128xf32, #tpu.memory_space<vmem_shared>> -> memref<80x128xf32, #tpu.memory_space<vmem_shared>>
        %dma_wait3A_159 = arith.constant 0 : i32
        %dma_wait3A_160 = arith.constant 0 : i32
        %dma_wait3A_161 = tpu.memref_slice %arg9[%run_scoped3A, %dma_wait3A_159, %dma_wait3A_160] : memref<3x88x128xf32, #tpu.memory_space<vmem>> -> memref<1x88x128xf32, #tpu.memory_space<vmem>>
        %dma_wait3A_162 = tpu.memref_squeeze %dma_wait3A_161 : memref<1x88x128xf32, #tpu.memory_space<vmem>> -> memref<88x128xf32, #tpu.memory_space<vmem>>
        %dma_wait3A_163 = arith.constant 0 : i32
        %dma_wait3A_164 = arith.constant 0 : i32
        %dma_wait3A_165 = tpu.memref_slice %dma_wait3A_162[%dma_wait3A_163, %dma_wait3A_164] : memref<88x128xf32, #tpu.memory_space<vmem>> -> memref<80x128xf32, #tpu.memory_space<vmem>>
        tpu.wait_dma2 semaphore(%run_scoped3A_130 : memref<!tpu.dma_semaphore, #tpu.memory_space<semaphore_mem>>) src(%dma_wait3A_165 : memref<80x128xf32, #tpu.memory_space<vmem>>) dst(%dma_wait3A_158 : memref<80x128xf32, #tpu.memory_space<vmem_shared>>)
        tpu.yield
      }) : () -> ()
    } else {
    }
    "tpu.region"() ({
      %run_scoped3A = tpu.sem_alloc : memref<!tpu.dma_semaphore, #tpu.memory_space<semaphore_mem>>
      %dma_start3A_123 = arith.constant 0 : i32
      %dma_start3A_124 = arith.constant 0 : i32
      %dma_start3A_125 = tpu.memref_slice %arg3[%add3A, %dma_start3A_123, %dma_start3A_124] : memref<32x114x88xi32, #tpu.memory_space<hbm>> -> memref<1x114x88xi32, #tpu.memory_space<hbm>>
      %dma_start3A_126 = tpu.memref_squeeze %dma_start3A_125 : memref<1x114x88xi32, #tpu.memory_space<hbm>> -> memref<114x88xi32, #tpu.memory_space<hbm>>
      %dma_start3A_127 = arith.constant 0 : i32
      %dma_start3A_128 = arith.constant 0 : i32
      %dma_start3A_129 = tpu.memref_slice %arg3[%add3A, %dma_start3A_127, %dma_start3A_128] : memref<32x114x88xi32, #tpu.memory_space<hbm>> -> memref<1x114x88xi32, #tpu.memory_space<hbm>>
      %dma_start3A_130 = tpu.memref_squeeze %dma_start3A_129 : memref<1x114x88xi32, #tpu.memory_space<hbm>> -> memref<114x88xi32, #tpu.memory_space<hbm>>
      tpu.enqueue_dma source(%dma_start3A_130 : memref<114x88xi32, #tpu.memory_space<hbm>>) target(%arg7 : memref<114x88xi32, #tpu.memory_space<vmem>>) target_semaphore(%run_scoped3A : memref<!tpu.dma_semaphore, #tpu.memory_space<semaphore_mem>>)
      %dma_wait3A = arith.constant 0 : i32
      %dma_wait3A_131 = arith.constant 0 : i32
      %dma_wait3A_132 = tpu.memref_slice %arg3[%add3A, %dma_wait3A, %dma_wait3A_131] : memref<32x114x88xi32, #tpu.memory_space<hbm>> -> memref<1x114x88xi32, #tpu.memory_space<hbm>>
      %dma_wait3A_133 = tpu.memref_squeeze %dma_wait3A_132 : memref<1x114x88xi32, #tpu.memory_space<hbm>> -> memref<114x88xi32, #tpu.memory_space<hbm>>
      %dma_wait3A_134 = arith.constant 0 : i32
      %dma_wait3A_135 = arith.constant 0 : i32
      %dma_wait3A_136 = tpu.memref_slice %arg3[%add3A, %dma_wait3A_134, %dma_wait3A_135] : memref<32x114x88xi32, #tpu.memory_space<hbm>> -> memref<1x114x88xi32, #tpu.memory_space<hbm>>
      %dma_wait3A_137 = tpu.memref_squeeze %dma_wait3A_136 : memref<1x114x88xi32, #tpu.memory_space<hbm>> -> memref<114x88xi32, #tpu.memory_space<hbm>>
      tpu.wait_dma2 semaphore(%run_scoped3A : memref<!tpu.dma_semaphore, #tpu.memory_space<semaphore_mem>>) src(%dma_wait3A_137 : memref<114x88xi32, #tpu.memory_space<hbm>>) dst(%arg7 : memref<114x88xi32, #tpu.memory_space<vmem>>)
      tpu.yield
    }) : () -> ()
    %add3A_15 = arith.constant 0 : i32
    %add3A_16 = arith.addi %mul3A_2, %add3A_15 : i32
    %dma_start3A = arith.constant 0 : i32
    %dma_start3A_17 = arith.constant 0 : i32
    %dma_start3A_18 = arith.constant 0 : i32
    %dma_start3A_19 = tpu.memref_slice %arg8[%dma_start3A_17, %dma_start3A_18] : memref<3x88xi32, #tpu.memory_space<vmem>> -> memref<1x88xi32, #tpu.memory_space<vmem>>
    %dma_start3A_20 = tpu.memref_squeeze %dma_start3A_19 : memref<1x88xi32, #tpu.memory_space<vmem>> -> memref<88xi32, #tpu.memory_space<vmem>>
    %dma_start3A_21 = arith.constant 0 : i32
    %dma_start3A_22 = arith.constant 0 : i32
    %dma_start3A_23 = tpu.memref_slice %arg4[%add3A_16, %dma_start3A_21, %dma_start3A_22] : memref<3648x1x88xi32, #tpu.memory_space<hbm>> -> memref<1x1x88xi32, #tpu.memory_space<hbm>>
    %dma_start3A_24 = tpu.memref_squeeze %dma_start3A_23 : memref<1x1x88xi32, #tpu.memory_space<hbm>> -> memref<1x88xi32, #tpu.memory_space<hbm>>
    %dma_start3A_25 = arith.constant 0 : i32
    %dma_start3A_26 = tpu.memref_slice %dma_start3A_24[%dma_start3A, %dma_start3A_25] : memref<1x88xi32, #tpu.memory_space<hbm>> -> memref<1x88xi32, #tpu.memory_space<hbm>>
    %dma_start3A_27 = tpu.memref_squeeze %dma_start3A_26 : memref<1x88xi32, #tpu.memory_space<hbm>> -> memref<88xi32, #tpu.memory_space<hbm>>
    %dma_start3A_28 = arith.constant 0 : i32
    %dma_start3A_29 = tpu.memref_slice %arg8[%dma_start3A_17, %dma_start3A_28] : memref<3x88xi32, #tpu.memory_space<vmem>> -> memref<1x88xi32, #tpu.memory_space<vmem>>
    %dma_start3A_30 = tpu.memref_squeeze %dma_start3A_29 : memref<1x88xi32, #tpu.memory_space<vmem>> -> memref<88xi32, #tpu.memory_space<vmem>>
    %dma_start3A_31 = arith.constant 0 : i32
    %dma_start3A_32 = arith.constant 0 : i32
    %dma_start3A_33 = tpu.memref_slice %arg4[%add3A_16, %dma_start3A_31, %dma_start3A_32] : memref<3648x1x88xi32, #tpu.memory_space<hbm>> -> memref<1x1x88xi32, #tpu.memory_space<hbm>>
    %dma_start3A_34 = tpu.memref_squeeze %dma_start3A_33 : memref<1x1x88xi32, #tpu.memory_space<hbm>> -> memref<1x88xi32, #tpu.memory_space<hbm>>
    %dma_start3A_35 = arith.constant 0 : i32
    %dma_start3A_36 = tpu.memref_slice %dma_start3A_34[%dma_start3A, %dma_start3A_35] : memref<1x88xi32, #tpu.memory_space<hbm>> -> memref<1x88xi32, #tpu.memory_space<hbm>>
    %dma_start3A_37 = tpu.memref_squeeze %dma_start3A_36 : memref<1x88xi32, #tpu.memory_space<hbm>> -> memref<88xi32, #tpu.memory_space<hbm>>
    tpu.enqueue_dma source(%dma_start3A_37 : memref<88xi32, #tpu.memory_space<hbm>>) target(%dma_start3A_30 : memref<88xi32, #tpu.memory_space<vmem>>) target_semaphore(%arg14 : memref<!tpu.dma_semaphore, #tpu.memory_space<semaphore_mem>>)
    %dma_start3A_38 = arith.constant 0 : i32
    %dma_start3A_39 = arith.constant 0 : i32
    %dma_start3A_40 = arith.constant 0 : i32
    %dma_start3A_41 = arith.constant 0 : i32
    %dma_start3A_42 = tpu.memref_slice %arg9[%dma_start3A_39, %dma_start3A_40, %dma_start3A_41] : memref<3x88x128xf32, #tpu.memory_space<vmem>> -> memref<1x88x128xf32, #tpu.memory_space<vmem>>
    %dma_start3A_43 = tpu.memref_squeeze %dma_start3A_42 : memref<1x88x128xf32, #tpu.memory_space<vmem>> -> memref<88x128xf32, #tpu.memory_space<vmem>>
    %dma_start3A_44 = arith.constant 0 : i32
    %dma_start3A_45 = tpu.memref_slice %arg7[%dma_start3A_38, %dma_start3A_44] : memref<114x88xi32, #tpu.memory_space<vmem>> -> memref<1x88xi32, #tpu.memory_space<vmem>>
    %dma_start3A_46 = tpu.memref_squeeze %dma_start3A_45 : memref<1x88xi32, #tpu.memory_space<vmem>> -> memref<88xi32, #tpu.memory_space<vmem>>
    %dma_start3A_47 = arith.constant 0 : i32
    %dma_start3A_48 = arith.constant 0 : i32
    %dma_start3A_49 = tpu.memref_slice %arg2[%dma_start3A_47, %dma_start3A_48] : memref<10016x128xf32, #tpu.memory_space<hbm>> -> memref<10016x128xf32, #tpu.memory_space<hbm>>
    tpu.enqueue_indirect_dma source(%dma_start3A_49 : memref<10016x128xf32, #tpu.memory_space<hbm>>) target(%dma_start3A_43 : memref<88x128xf32, #tpu.memory_space<vmem>>) offsets(%dma_start3A_46 : memref<88xi32, #tpu.memory_space<vmem>>) semaphore(%arg11 : memref<!tpu.dma_semaphore, #tpu.memory_space<semaphore_mem>>)
    %add3A_50 = arith.constant 1 : i32
    %add3A_51 = arith.addi %mul3A_2, %add3A_50 : i32
    %dma_start3A_52 = arith.constant 0 : i32
    %dma_start3A_53 = arith.constant 1 : i32
    %dma_start3A_54 = arith.constant 0 : i32
    %dma_start3A_55 = tpu.memref_slice %arg8[%dma_start3A_53, %dma_start3A_54] : memref<3x88xi32, #tpu.memory_space<vmem>> -> memref<1x88xi32, #tpu.memory_space<vmem>>
    %dma_start3A_56 = tpu.memref_squeeze %dma_start3A_55 : memref<1x88xi32, #tpu.memory_space<vmem>> -> memref<88xi32, #tpu.memory_space<vmem>>
    %dma_start3A_57 = arith.constant 0 : i32
    %dma_start3A_58 = arith.constant 0 : i32
    %dma_start3A_59 = tpu.memref_slice %arg4[%add3A_51, %dma_start3A_57, %dma_start3A_58] : memref<3648x1x88xi32, #tpu.memory_space<hbm>> -> memref<1x1x88xi32, #tpu.memory_space<hbm>>
    %dma_start3A_60 = tpu.memref_squeeze %dma_start3A_59 : memref<1x1x88xi32, #tpu.memory_space<hbm>> -> memref<1x88xi32, #tpu.memory_space<hbm>>
    %dma_start3A_61 = arith.constant 0 : i32
    %dma_start3A_62 = tpu.memref_slice %dma_start3A_60[%dma_start3A_52, %dma_start3A_61] : memref<1x88xi32, #tpu.memory_space<hbm>> -> memref<1x88xi32, #tpu.memory_space<hbm>>
    %dma_start3A_63 = tpu.memref_squeeze %dma_start3A_62 : memref<1x88xi32, #tpu.memory_space<hbm>> -> memref<88xi32, #tpu.memory_space<hbm>>
    %dma_start3A_64 = arith.constant 0 : i32
    %dma_start3A_65 = tpu.memref_slice %arg8[%dma_start3A_53, %dma_start3A_64] : memref<3x88xi32, #tpu.memory_space<vmem>> -> memref<1x88xi32, #tpu.memory_space<vmem>>
    %dma_start3A_66 = tpu.memref_squeeze %dma_start3A_65 : memref<1x88xi32, #tpu.memory_space<vmem>> -> memref<88xi32, #tpu.memory_space<vmem>>
    %dma_start3A_67 = arith.constant 0 : i32
    %dma_start3A_68 = arith.constant 0 : i32
    %dma_start3A_69 = tpu.memref_slice %arg4[%add3A_51, %dma_start3A_67, %dma_start3A_68] : memref<3648x1x88xi32, #tpu.memory_space<hbm>> -> memref<1x1x88xi32, #tpu.memory_space<hbm>>
    %dma_start3A_70 = tpu.memref_squeeze %dma_start3A_69 : memref<1x1x88xi32, #tpu.memory_space<hbm>> -> memref<1x88xi32, #tpu.memory_space<hbm>>
    %dma_start3A_71 = arith.constant 0 : i32
    %dma_start3A_72 = tpu.memref_slice %dma_start3A_70[%dma_start3A_52, %dma_start3A_71] : memref<1x88xi32, #tpu.memory_space<hbm>> -> memref<1x88xi32, #tpu.memory_space<hbm>>
    %dma_start3A_73 = tpu.memref_squeeze %dma_start3A_72 : memref<1x88xi32, #tpu.memory_space<hbm>> -> memref<88xi32, #tpu.memory_space<hbm>>
    tpu.enqueue_dma source(%dma_start3A_73 : memref<88xi32, #tpu.memory_space<hbm>>) target(%dma_start3A_66 : memref<88xi32, #tpu.memory_space<vmem>>) target_semaphore(%arg15 : memref<!tpu.dma_semaphore, #tpu.memory_space<semaphore_mem>>)
    %dma_start3A_74 = arith.constant 1 : i32
    %dma_start3A_75 = arith.constant 1 : i32
    %dma_start3A_76 = arith.constant 0 : i32
    %dma_start3A_77 = arith.constant 0 : i32
    %dma_start3A_78 = tpu.memref_slice %arg9[%dma_start3A_75, %dma_start3A_76, %dma_start3A_77] : memref<3x88x128xf32, #tpu.memory_space<vmem>> -> memref<1x88x128xf32, #tpu.memory_space<vmem>>
    %dma_start3A_79 = tpu.memref_squeeze %dma_start3A_78 : memref<1x88x128xf32, #tpu.memory_space<vmem>> -> memref<88x128xf32, #tpu.memory_space<vmem>>
    %dma_start3A_80 = arith.constant 0 : i32
    %dma_start3A_81 = tpu.memref_slice %arg7[%dma_start3A_74, %dma_start3A_80] : memref<114x88xi32, #tpu.memory_space<vmem>> -> memref<1x88xi32, #tpu.memory_space<vmem>>
    %dma_start3A_82 = tpu.memref_squeeze %dma_start3A_81 : memref<1x88xi32, #tpu.memory_space<vmem>> -> memref<88xi32, #tpu.memory_space<vmem>>
    %dma_start3A_83 = arith.constant 0 : i32
    %dma_start3A_84 = arith.constant 0 : i32
    %dma_start3A_85 = tpu.memref_slice %arg2[%dma_start3A_83, %dma_start3A_84] : memref<10016x128xf32, #tpu.memory_space<hbm>> -> memref<10016x128xf32, #tpu.memory_space<hbm>>
    tpu.enqueue_indirect_dma source(%dma_start3A_85 : memref<10016x128xf32, #tpu.memory_space<hbm>>) target(%dma_start3A_79 : memref<88x128xf32, #tpu.memory_space<vmem>>) offsets(%dma_start3A_82 : memref<88xi32, #tpu.memory_space<vmem>>) semaphore(%arg12 : memref<!tpu.dma_semaphore, #tpu.memory_space<semaphore_mem>>)
    %barrier3A = arith.constant 0 : index
    tpu.barrier barrier_id(%barrier3A)
    %scan3A_86 = arith.constant 0 : i32
    %scan3A_87 = arith.constant 38 : i32
    %scan3A_88 = arith.addi %scan3A_86, %scan3A_87 : i32
    %scan3A_89 = arith.constant 1 : i32
    scf.for %scan3A_123 = %scan3A_86 to %scan3A_88 step %scan3A_89  : i32 {
      %mul3A_124 = arith.constant 3 : i32
      %mul3A_125 = arith.muli %scan3A_123, %mul3A_124 : i32
      %add3A_126 = arith.constant 0 : i32
      %add3A_127 = arith.addi %add3A_126, %mul3A_125 : i32
      %add3A_128 = arith.constant 0 : i32
      %add3A_129 = arith.addi %add3A_127, %add3A_128 : i32
      %dma_wait3A = arith.constant 0 : i32
      %dma_wait3A_130 = arith.constant 0 : i32
      %dma_wait3A_131 = arith.constant 0 : i32
      %dma_wait3A_132 = tpu.memref_slice %arg9[%dma_wait3A, %dma_wait3A_130, %dma_wait3A_131] : memref<3x88x128xf32, #tpu.memory_space<vmem>> -> memref<1x88x128xf32, #tpu.memory_space<vmem>>
      %dma_wait3A_133 = tpu.memref_squeeze %dma_wait3A_132 : memref<1x88x128xf32, #tpu.memory_space<vmem>> -> memref<88x128xf32, #tpu.memory_space<vmem>>
      %dma_wait3A_134 = arith.constant 0 : i32
      %dma_wait3A_135 = tpu.memref_slice %arg7[%add3A_129, %dma_wait3A_134] : memref<114x88xi32, #tpu.memory_space<vmem>> -> memref<1x88xi32, #tpu.memory_space<vmem>>
      %dma_wait3A_136 = tpu.memref_squeeze %dma_wait3A_135 : memref<1x88xi32, #tpu.memory_space<vmem>> -> memref<88xi32, #tpu.memory_space<vmem>>
      %dma_wait3A_137 = arith.constant 0 : i32
      %dma_wait3A_138 = arith.constant 0 : i32
      %dma_wait3A_139 = tpu.memref_slice %arg2[%dma_wait3A_137, %dma_wait3A_138] : memref<10016x128xf32, #tpu.memory_space<hbm>> -> memref<10016x128xf32, #tpu.memory_space<hbm>>
      tpu.wait_indirect_dma semaphore(%arg11 : memref<!tpu.dma_semaphore, #tpu.memory_space<semaphore_mem>>) src(%dma_wait3A_139 : memref<10016x128xf32, #tpu.memory_space<hbm>>) dst(%dma_wait3A_133 : memref<88x128xf32, #tpu.memory_space<vmem>>)
      %add3A_140 = arith.constant 2 : i32
      %add3A_141 = arith.addi %add3A_129, %add3A_140 : i32
      %lt3A_142 = arith.constant 114 : i32
      %lt3A_143 = arith.cmpi slt, %add3A_141, %lt3A_142 : i32
      %convert_element_type3A_144 = arith.extui %lt3A_143 : i1 to i32
      %cond3A_145 = arith.constant 0 : i32
      %cond3A_146 = arith.cmpi ne, %convert_element_type3A_144, %cond3A_145 : i32
      scf.if %cond3A_146 {
        %add3A_282 = arith.constant 2 : i32
        %add3A_283 = arith.addi %add3A_129, %add3A_282 : i32
        %dma_start3A_284 = arith.constant 2 : i32
        %dma_start3A_285 = arith.constant 0 : i32
        %dma_start3A_286 = arith.constant 0 : i32
        %dma_start3A_287 = tpu.memref_slice %arg9[%dma_start3A_284, %dma_start3A_285, %dma_start3A_286] : memref<3x88x128xf32, #tpu.memory_space<vmem>> -> memref<1x88x128xf32, #tpu.memory_space<vmem>>
        %dma_start3A_288 = tpu.memref_squeeze %dma_start3A_287 : memref<1x88x128xf32, #tpu.memory_space<vmem>> -> memref<88x128xf32, #tpu.memory_space<vmem>>
        %dma_start3A_289 = arith.constant 0 : i32
        %dma_start3A_290 = tpu.memref_slice %arg7[%add3A_283, %dma_start3A_289] : memref<114x88xi32, #tpu.memory_space<vmem>> -> memref<1x88xi32, #tpu.memory_space<vmem>>
        %dma_start3A_291 = tpu.memref_squeeze %dma_start3A_290 : memref<1x88xi32, #tpu.memory_space<vmem>> -> memref<88xi32, #tpu.memory_space<vmem>>
        %dma_start3A_292 = arith.constant 0 : i32
        %dma_start3A_293 = arith.constant 0 : i32
        %dma_start3A_294 = tpu.memref_slice %arg2[%dma_start3A_292, %dma_start3A_293] : memref<10016x128xf32, #tpu.memory_space<hbm>> -> memref<10016x128xf32, #tpu.memory_space<hbm>>
        tpu.enqueue_indirect_dma source(%dma_start3A_294 : memref<10016x128xf32, #tpu.memory_space<hbm>>) target(%dma_start3A_288 : memref<88x128xf32, #tpu.memory_space<vmem>>) offsets(%dma_start3A_291 : memref<88xi32, #tpu.memory_space<vmem>>) semaphore(%arg13 : memref<!tpu.dma_semaphore, #tpu.memory_space<semaphore_mem>>)
      } else {
      }
      %add3A_147 = arith.addi %mul3A_2, %add3A_129 : i32
      %dma_wait3A_148 = arith.constant 0 : i32
      %dma_wait3A_149 = arith.constant 0 : i32
      %dma_wait3A_150 = arith.constant 0 : i32
      %dma_wait3A_151 = tpu.memref_slice %arg8[%dma_wait3A_149, %dma_wait3A_150] : memref<3x88xi32, #tpu.memory_space<vmem>> -> memref<1x88xi32, #tpu.memory_space<vmem>>
      %dma_wait3A_152 = tpu.memref_squeeze %dma_wait3A_151 : memref<1x88xi32, #tpu.memory_space<vmem>> -> memref<88xi32, #tpu.memory_space<vmem>>
      %dma_wait3A_153 = arith.constant 0 : i32
      %dma_wait3A_154 = arith.constant 0 : i32
      %dma_wait3A_155 = tpu.memref_slice %arg4[%add3A_147, %dma_wait3A_153, %dma_wait3A_154] : memref<3648x1x88xi32, #tpu.memory_space<hbm>> -> memref<1x1x88xi32, #tpu.memory_space<hbm>>
      %dma_wait3A_156 = tpu.memref_squeeze %dma_wait3A_155 : memref<1x1x88xi32, #tpu.memory_space<hbm>> -> memref<1x88xi32, #tpu.memory_space<hbm>>
      %dma_wait3A_157 = arith.constant 0 : i32
      %dma_wait3A_158 = tpu.memref_slice %dma_wait3A_156[%dma_wait3A_148, %dma_wait3A_157] : memref<1x88xi32, #tpu.memory_space<hbm>> -> memref<1x88xi32, #tpu.memory_space<hbm>>
      %dma_wait3A_159 = tpu.memref_squeeze %dma_wait3A_158 : memref<1x88xi32, #tpu.memory_space<hbm>> -> memref<88xi32, #tpu.memory_space<hbm>>
      %dma_wait3A_160 = arith.constant 0 : i32
      %dma_wait3A_161 = tpu.memref_slice %arg8[%dma_wait3A_149, %dma_wait3A_160] : memref<3x88xi32, #tpu.memory_space<vmem>> -> memref<1x88xi32, #tpu.memory_space<vmem>>
      %dma_wait3A_162 = tpu.memref_squeeze %dma_wait3A_161 : memref<1x88xi32, #tpu.memory_space<vmem>> -> memref<88xi32, #tpu.memory_space<vmem>>
      %dma_wait3A_163 = arith.constant 0 : i32
      %dma_wait3A_164 = arith.constant 0 : i32
      %dma_wait3A_165 = tpu.memref_slice %arg4[%add3A_147, %dma_wait3A_163, %dma_wait3A_164] : memref<3648x1x88xi32, #tpu.memory_space<hbm>> -> memref<1x1x88xi32, #tpu.memory_space<hbm>>
      %dma_wait3A_166 = tpu.memref_squeeze %dma_wait3A_165 : memref<1x1x88xi32, #tpu.memory_space<hbm>> -> memref<1x88xi32, #tpu.memory_space<hbm>>
      %dma_wait3A_167 = arith.constant 0 : i32
      %dma_wait3A_168 = tpu.memref_slice %dma_wait3A_166[%dma_wait3A_148, %dma_wait3A_167] : memref<1x88xi32, #tpu.memory_space<hbm>> -> memref<1x88xi32, #tpu.memory_space<hbm>>
      %dma_wait3A_169 = tpu.memref_squeeze %dma_wait3A_168 : memref<1x88xi32, #tpu.memory_space<hbm>> -> memref<88xi32, #tpu.memory_space<hbm>>
      tpu.wait_dma2 semaphore(%arg14 : memref<!tpu.dma_semaphore, #tpu.memory_space<semaphore_mem>>) src(%dma_wait3A_169 : memref<88xi32, #tpu.memory_space<hbm>>) dst(%dma_wait3A_162 : memref<88xi32, #tpu.memory_space<vmem>>)
      %run_scoped3A = arith.constant 0 : i32
      %run_scoped3A_170 = arith.constant 0 : i32
      "tpu.region"() ({
        %run_scoped3A_282 = tpu.sem_alloc : memref<!tpu.dma_semaphore, #tpu.memory_space<semaphore_mem>>
        %dma_start3A_283 = arith.constant 0 : i32
        %dma_start3A_284 = arith.constant 0 : i32
        %dma_start3A_285 = tpu.memref_slice %arg9[%run_scoped3A, %dma_start3A_283, %dma_start3A_284] : memref<3x88x128xf32, #tpu.memory_space<vmem>> -> memref<1x88x128xf32, #tpu.memory_space<vmem>>
        %dma_start3A_286 = tpu.memref_squeeze %dma_start3A_285 : memref<1x88x128xf32, #tpu.memory_space<vmem>> -> memref<88x128xf32, #tpu.memory_space<vmem>>
        %dma_start3A_287 = arith.constant 0 : i32
        %dma_start3A_288 = tpu.memref_slice %arg8[%run_scoped3A_170, %dma_start3A_287] : memref<3x88xi32, #tpu.memory_space<vmem>> -> memref<1x88xi32, #tpu.memory_space<vmem>>
        %dma_start3A_289 = tpu.memref_squeeze %dma_start3A_288 : memref<1x88xi32, #tpu.memory_space<vmem>> -> memref<88xi32, #tpu.memory_space<vmem>>
        %dma_start3A_290 = arith.constant 0 : i32
        %dma_start3A_291 = arith.constant 0 : i32
        %dma_start3A_292 = tpu.memref_slice %arg10[%dma_start3A_290, %dma_start3A_291] : memref<10000x128xf32, #tpu.memory_space<vmem_shared>> -> memref<10000x128xf32, #tpu.memory_space<vmem_shared>>
        tpu.enqueue_indirect_dma source(%dma_start3A_286 : memref<88x128xf32, #tpu.memory_space<vmem>>) target(%dma_start3A_292 : memref<10000x128xf32, #tpu.memory_space<vmem_shared>>) offsets(%dma_start3A_289 : memref<88xi32, #tpu.memory_space<vmem>>) semaphore(%run_scoped3A_282 : memref<!tpu.dma_semaphore, #tpu.memory_space<semaphore_mem>>) {add = true}
        %dma_wait3A_293 = arith.constant 0 : i32
        %dma_wait3A_294 = arith.constant 0 : i32
        %dma_wait3A_295 = tpu.memref_slice %arg9[%run_scoped3A, %dma_wait3A_293, %dma_wait3A_294] : memref<3x88x128xf32, #tpu.memory_space<vmem>> -> memref<1x88x128xf32, #tpu.memory_space<vmem>>
        %dma_wait3A_296 = tpu.memref_squeeze %dma_wait3A_295 : memref<1x88x128xf32, #tpu.memory_space<vmem>> -> memref<88x128xf32, #tpu.memory_space<vmem>>
        %dma_wait3A_297 = arith.constant 0 : i32
        %dma_wait3A_298 = tpu.memref_slice %arg8[%run_scoped3A_170, %dma_wait3A_297] : memref<3x88xi32, #tpu.memory_space<vmem>> -> memref<1x88xi32, #tpu.memory_space<vmem>>
        %dma_wait3A_299 = tpu.memref_squeeze %dma_wait3A_298 : memref<1x88xi32, #tpu.memory_space<vmem>> -> memref<88xi32, #tpu.memory_space<vmem>>
        %dma_wait3A_300 = arith.constant 0 : i32
        %dma_wait3A_301 = arith.constant 0 : i32
        %dma_wait3A_302 = tpu.memref_slice %arg10[%dma_wait3A_300, %dma_wait3A_301] : memref<10000x128xf32, #tpu.memory_space<vmem_shared>> -> memref<10000x128xf32, #tpu.memory_space<vmem_shared>>
        tpu.wait_indirect_dma semaphore(%run_scoped3A_282 : memref<!tpu.dma_semaphore, #tpu.memory_space<semaphore_mem>>) src(%dma_wait3A_296 : memref<88x128xf32, #tpu.memory_space<vmem>>) dst(%dma_wait3A_302 : memref<10000x128xf32, #tpu.memory_space<vmem_shared>>)
        tpu.yield
      }) : () -> ()
      %add3A_171 = arith.constant 2 : i32
      %add3A_172 = arith.addi %add3A_129, %add3A_171 : i32
      %lt3A_173 = arith.constant 114 : i32
      %lt3A_174 = arith.cmpi slt, %add3A_172, %lt3A_173 : i32
      %convert_element_type3A_175 = arith.extui %lt3A_174 : i1 to i32
      %cond3A_176 = arith.constant 0 : i32
      %cond3A_177 = arith.cmpi ne, %convert_element_type3A_175, %cond3A_176 : i32
      scf.if %cond3A_177 {
        %add3A_282 = arith.addi %mul3A_2, %add3A_129 : i32
        %add3A_283 = arith.constant 2 : i32
        %add3A_284 = arith.addi %add3A_282, %add3A_283 : i32
        %dma_start3A_285 = arith.constant 0 : i32
        %dma_start3A_286 = arith.constant 2 : i32
        %dma_start3A_287 = arith.constant 0 : i32
        %dma_start3A_288 = tpu.memref_slice %arg8[%dma_start3A_286, %dma_start3A_287] : memref<3x88xi32, #tpu.memory_space<vmem>> -> memref<1x88xi32, #tpu.memory_space<vmem>>
        %dma_start3A_289 = tpu.memref_squeeze %dma_start3A_288 : memref<1x88xi32, #tpu.memory_space<vmem>> -> memref<88xi32, #tpu.memory_space<vmem>>
        %dma_start3A_290 = arith.constant 0 : i32
        %dma_start3A_291 = arith.constant 0 : i32
        %dma_start3A_292 = tpu.memref_slice %arg4[%add3A_284, %dma_start3A_290, %dma_start3A_291] : memref<3648x1x88xi32, #tpu.memory_space<hbm>> -> memref<1x1x88xi32, #tpu.memory_space<hbm>>
        %dma_start3A_293 = tpu.memref_squeeze %dma_start3A_292 : memref<1x1x88xi32, #tpu.memory_space<hbm>> -> memref<1x88xi32, #tpu.memory_space<hbm>>
        %dma_start3A_294 = arith.constant 0 : i32
        %dma_start3A_295 = tpu.memref_slice %dma_start3A_293[%dma_start3A_285, %dma_start3A_294] : memref<1x88xi32, #tpu.memory_space<hbm>> -> memref<1x88xi32, #tpu.memory_space<hbm>>
        %dma_start3A_296 = tpu.memref_squeeze %dma_start3A_295 : memref<1x88xi32, #tpu.memory_space<hbm>> -> memref<88xi32, #tpu.memory_space<hbm>>
        %dma_start3A_297 = arith.constant 0 : i32
        %dma_start3A_298 = tpu.memref_slice %arg8[%dma_start3A_286, %dma_start3A_297] : memref<3x88xi32, #tpu.memory_space<vmem>> -> memref<1x88xi32, #tpu.memory_space<vmem>>
        %dma_start3A_299 = tpu.memref_squeeze %dma_start3A_298 : memref<1x88xi32, #tpu.memory_space<vmem>> -> memref<88xi32, #tpu.memory_space<vmem>>
        %dma_start3A_300 = arith.constant 0 : i32
        %dma_start3A_301 = arith.constant 0 : i32
        %dma_start3A_302 = tpu.memref_slice %arg4[%add3A_284, %dma_start3A_300, %dma_start3A_301] : memref<3648x1x88xi32, #tpu.memory_space<hbm>> -> memref<1x1x88xi32, #tpu.memory_space<hbm>>
        %dma_start3A_303 = tpu.memref_squeeze %dma_start3A_302 : memref<1x1x88xi32, #tpu.memory_space<hbm>> -> memref<1x88xi32, #tpu.memory_space<hbm>>
        %dma_start3A_304 = arith.constant 0 : i32
        %dma_start3A_305 = tpu.memref_slice %dma_start3A_303[%dma_start3A_285, %dma_start3A_304] : memref<1x88xi32, #tpu.memory_space<hbm>> -> memref<1x88xi32, #tpu.memory_space<hbm>>
        %dma_start3A_306 = tpu.memref_squeeze %dma_start3A_305 : memref<1x88xi32, #tpu.memory_space<hbm>> -> memref<88xi32, #tpu.memory_space<hbm>>
        tpu.enqueue_dma source(%dma_start3A_306 : memref<88xi32, #tpu.memory_space<hbm>>) target(%dma_start3A_299 : memref<88xi32, #tpu.memory_space<vmem>>) target_semaphore(%arg16 : memref<!tpu.dma_semaphore, #tpu.memory_space<semaphore_mem>>)
      } else {
      }
      %add3A_178 = arith.constant 1 : i32
      %add3A_179 = arith.addi %add3A_127, %add3A_178 : i32
      %dma_wait3A_180 = arith.constant 1 : i32
      %dma_wait3A_181 = arith.constant 0 : i32
      %dma_wait3A_182 = arith.constant 0 : i32
      %dma_wait3A_183 = tpu.memref_slice %arg9[%dma_wait3A_180, %dma_wait3A_181, %dma_wait3A_182] : memref<3x88x128xf32, #tpu.memory_space<vmem>> -> memref<1x88x128xf32, #tpu.memory_space<vmem>>
      %dma_wait3A_184 = tpu.memref_squeeze %dma_wait3A_183 : memref<1x88x128xf32, #tpu.memory_space<vmem>> -> memref<88x128xf32, #tpu.memory_space<vmem>>
      %dma_wait3A_185 = arith.constant 0 : i32
      %dma_wait3A_186 = tpu.memref_slice %arg7[%add3A_179, %dma_wait3A_185] : memref<114x88xi32, #tpu.memory_space<vmem>> -> memref<1x88xi32, #tpu.memory_space<vmem>>
      %dma_wait3A_187 = tpu.memref_squeeze %dma_wait3A_186 : memref<1x88xi32, #tpu.memory_space<vmem>> -> memref<88xi32, #tpu.memory_space<vmem>>
      %dma_wait3A_188 = arith.constant 0 : i32
      %dma_wait3A_189 = arith.constant 0 : i32
      %dma_wait3A_190 = tpu.memref_slice %arg2[%dma_wait3A_188, %dma_wait3A_189] : memref<10016x128xf32, #tpu.memory_space<hbm>> -> memref<10016x128xf32, #tpu.memory_space<hbm>>
      tpu.wait_indirect_dma semaphore(%arg12 : memref<!tpu.dma_semaphore, #tpu.memory_space<semaphore_mem>>) src(%dma_wait3A_190 : memref<10016x128xf32, #tpu.memory_space<hbm>>) dst(%dma_wait3A_184 : memref<88x128xf32, #tpu.memory_space<vmem>>)
      %add3A_191 = arith.constant 2 : i32
      %add3A_192 = arith.addi %add3A_179, %add3A_191 : i32
      %lt3A_193 = arith.constant 114 : i32
      %lt3A_194 = arith.cmpi slt, %add3A_192, %lt3A_193 : i32
      %convert_element_type3A_195 = arith.extui %lt3A_194 : i1 to i32
      %cond3A_196 = arith.constant 0 : i32
      %cond3A_197 = arith.cmpi ne, %convert_element_type3A_195, %cond3A_196 : i32
      scf.if %cond3A_197 {
        %add3A_282 = arith.constant 2 : i32
        %add3A_283 = arith.addi %add3A_179, %add3A_282 : i32
        %dma_start3A_284 = arith.constant 0 : i32
        %dma_start3A_285 = arith.constant 0 : i32
        %dma_start3A_286 = arith.constant 0 : i32
        %dma_start3A_287 = tpu.memref_slice %arg9[%dma_start3A_284, %dma_start3A_285, %dma_start3A_286] : memref<3x88x128xf32, #tpu.memory_space<vmem>> -> memref<1x88x128xf32, #tpu.memory_space<vmem>>
        %dma_start3A_288 = tpu.memref_squeeze %dma_start3A_287 : memref<1x88x128xf32, #tpu.memory_space<vmem>> -> memref<88x128xf32, #tpu.memory_space<vmem>>
        %dma_start3A_289 = arith.constant 0 : i32
        %dma_start3A_290 = tpu.memref_slice %arg7[%add3A_283, %dma_start3A_289] : memref<114x88xi32, #tpu.memory_space<vmem>> -> memref<1x88xi32, #tpu.memory_space<vmem>>
        %dma_start3A_291 = tpu.memref_squeeze %dma_start3A_290 : memref<1x88xi32, #tpu.memory_space<vmem>> -> memref<88xi32, #tpu.memory_space<vmem>>
        %dma_start3A_292 = arith.constant 0 : i32
        %dma_start3A_293 = arith.constant 0 : i32
        %dma_start3A_294 = tpu.memref_slice %arg2[%dma_start3A_292, %dma_start3A_293] : memref<10016x128xf32, #tpu.memory_space<hbm>> -> memref<10016x128xf32, #tpu.memory_space<hbm>>
        tpu.enqueue_indirect_dma source(%dma_start3A_294 : memref<10016x128xf32, #tpu.memory_space<hbm>>) target(%dma_start3A_288 : memref<88x128xf32, #tpu.memory_space<vmem>>) offsets(%dma_start3A_291 : memref<88xi32, #tpu.memory_space<vmem>>) semaphore(%arg11 : memref<!tpu.dma_semaphore, #tpu.memory_space<semaphore_mem>>)
      } else {
      }
      %add3A_198 = arith.addi %mul3A_2, %add3A_179 : i32
      %dma_wait3A_199 = arith.constant 0 : i32
      %dma_wait3A_200 = arith.constant 1 : i32
      %dma_wait3A_201 = arith.constant 0 : i32
      %dma_wait3A_202 = tpu.memref_slice %arg8[%dma_wait3A_200, %dma_wait3A_201] : memref<3x88xi32, #tpu.memory_space<vmem>> -> memref<1x88xi32, #tpu.memory_space<vmem>>
      %dma_wait3A_203 = tpu.memref_squeeze %dma_wait3A_202 : memref<1x88xi32, #tpu.memory_space<vmem>> -> memref<88xi32, #tpu.memory_space<vmem>>
      %dma_wait3A_204 = arith.constant 0 : i32
      %dma_wait3A_205 = arith.constant 0 : i32
      %dma_wait3A_206 = tpu.memref_slice %arg4[%add3A_198, %dma_wait3A_204, %dma_wait3A_205] : memref<3648x1x88xi32, #tpu.memory_space<hbm>> -> memref<1x1x88xi32, #tpu.memory_space<hbm>>
      %dma_wait3A_207 = tpu.memref_squeeze %dma_wait3A_206 : memref<1x1x88xi32, #tpu.memory_space<hbm>> -> memref<1x88xi32, #tpu.memory_space<hbm>>
      %dma_wait3A_208 = arith.constant 0 : i32
      %dma_wait3A_209 = tpu.memref_slice %dma_wait3A_207[%dma_wait3A_199, %dma_wait3A_208] : memref<1x88xi32, #tpu.memory_space<hbm>> -> memref<1x88xi32, #tpu.memory_space<hbm>>
      %dma_wait3A_210 = tpu.memref_squeeze %dma_wait3A_209 : memref<1x88xi32, #tpu.memory_space<hbm>> -> memref<88xi32, #tpu.memory_space<hbm>>
      %dma_wait3A_211 = arith.constant 0 : i32
      %dma_wait3A_212 = tpu.memref_slice %arg8[%dma_wait3A_200, %dma_wait3A_211] : memref<3x88xi32, #tpu.memory_space<vmem>> -> memref<1x88xi32, #tpu.memory_space<vmem>>
      %dma_wait3A_213 = tpu.memref_squeeze %dma_wait3A_212 : memref<1x88xi32, #tpu.memory_space<vmem>> -> memref<88xi32, #tpu.memory_space<vmem>>
      %dma_wait3A_214 = arith.constant 0 : i32
      %dma_wait3A_215 = arith.constant 0 : i32
      %dma_wait3A_216 = tpu.memref_slice %arg4[%add3A_198, %dma_wait3A_214, %dma_wait3A_215] : memref<3648x1x88xi32, #tpu.memory_space<hbm>> -> memref<1x1x88xi32, #tpu.memory_space<hbm>>
      %dma_wait3A_217 = tpu.memref_squeeze %dma_wait3A_216 : memref<1x1x88xi32, #tpu.memory_space<hbm>> -> memref<1x88xi32, #tpu.memory_space<hbm>>
      %dma_wait3A_218 = arith.constant 0 : i32
      %dma_wait3A_219 = tpu.memref_slice %dma_wait3A_217[%dma_wait3A_199, %dma_wait3A_218] : memref<1x88xi32, #tpu.memory_space<hbm>> -> memref<1x88xi32, #tpu.memory_space<hbm>>
      %dma_wait3A_220 = tpu.memref_squeeze %dma_wait3A_219 : memref<1x88xi32, #tpu.memory_space<hbm>> -> memref<88xi32, #tpu.memory_space<hbm>>
      tpu.wait_dma2 semaphore(%arg15 : memref<!tpu.dma_semaphore, #tpu.memory_space<semaphore_mem>>) src(%dma_wait3A_220 : memref<88xi32, #tpu.memory_space<hbm>>) dst(%dma_wait3A_213 : memref<88xi32, #tpu.memory_space<vmem>>)
      %run_scoped3A_221 = arith.constant 1 : i32
      %run_scoped3A_222 = arith.constant 1 : i32
      "tpu.region"() ({
        %run_scoped3A_282 = tpu.sem_alloc : memref<!tpu.dma_semaphore, #tpu.memory_space<semaphore_mem>>
        %dma_start3A_283 = arith.constant 0 : i32
        %dma_start3A_284 = arith.constant 0 : i32
        %dma_start3A_285 = tpu.memref_slice %arg9[%run_scoped3A_221, %dma_start3A_283, %dma_start3A_284] : memref<3x88x128xf32, #tpu.memory_space<vmem>> -> memref<1x88x128xf32, #tpu.memory_space<vmem>>
        %dma_start3A_286 = tpu.memref_squeeze %dma_start3A_285 : memref<1x88x128xf32, #tpu.memory_space<vmem>> -> memref<88x128xf32, #tpu.memory_space<vmem>>
        %dma_start3A_287 = arith.constant 0 : i32
        %dma_start3A_288 = tpu.memref_slice %arg8[%run_scoped3A_222, %dma_start3A_287] : memref<3x88xi32, #tpu.memory_space<vmem>> -> memref<1x88xi32, #tpu.memory_space<vmem>>
        %dma_start3A_289 = tpu.memref_squeeze %dma_start3A_288 : memref<1x88xi32, #tpu.memory_space<vmem>> -> memref<88xi32, #tpu.memory_space<vmem>>
        %dma_start3A_290 = arith.constant 0 : i32
        %dma_start3A_291 = arith.constant 0 : i32
        %dma_start3A_292 = tpu.memref_slice %arg10[%dma_start3A_290, %dma_start3A_291] : memref<10000x128xf32, #tpu.memory_space<vmem_shared>> -> memref<10000x128xf32, #tpu.memory_space<vmem_shared>>
        tpu.enqueue_indirect_dma source(%dma_start3A_286 : memref<88x128xf32, #tpu.memory_space<vmem>>) target(%dma_start3A_292 : memref<10000x128xf32, #tpu.memory_space<vmem_shared>>) offsets(%dma_start3A_289 : memref<88xi32, #tpu.memory_space<vmem>>) semaphore(%run_scoped3A_282 : memref<!tpu.dma_semaphore, #tpu.memory_space<semaphore_mem>>) {add = true}
        %dma_wait3A_293 = arith.constant 0 : i32
        %dma_wait3A_294 = arith.constant 0 : i32
        %dma_wait3A_295 = tpu.memref_slice %arg9[%run_scoped3A_221, %dma_wait3A_293, %dma_wait3A_294] : memref<3x88x128xf32, #tpu.memory_space<vmem>> -> memref<1x88x128xf32, #tpu.memory_space<vmem>>
        %dma_wait3A_296 = tpu.memref_squeeze %dma_wait3A_295 : memref<1x88x128xf32, #tpu.memory_space<vmem>> -> memref<88x128xf32, #tpu.memory_space<vmem>>
        %dma_wait3A_297 = arith.constant 0 : i32
        %dma_wait3A_298 = tpu.memref_slice %arg8[%run_scoped3A_222, %dma_wait3A_297] : memref<3x88xi32, #tpu.memory_space<vmem>> -> memref<1x88xi32, #tpu.memory_space<vmem>>
        %dma_wait3A_299 = tpu.memref_squeeze %dma_wait3A_298 : memref<1x88xi32, #tpu.memory_space<vmem>> -> memref<88xi32, #tpu.memory_space<vmem>>
        %dma_wait3A_300 = arith.constant 0 : i32
        %dma_wait3A_301 = arith.constant 0 : i32
        %dma_wait3A_302 = tpu.memref_slice %arg10[%dma_wait3A_300, %dma_wait3A_301] : memref<10000x128xf32, #tpu.memory_space<vmem_shared>> -> memref<10000x128xf32, #tpu.memory_space<vmem_shared>>
        tpu.wait_indirect_dma semaphore(%run_scoped3A_282 : memref<!tpu.dma_semaphore, #tpu.memory_space<semaphore_mem>>) src(%dma_wait3A_296 : memref<88x128xf32, #tpu.memory_space<vmem>>) dst(%dma_wait3A_302 : memref<10000x128xf32, #tpu.memory_space<vmem_shared>>)
        tpu.yield
      }) : () -> ()
      %add3A_223 = arith.constant 2 : i32
      %add3A_224 = arith.addi %add3A_179, %add3A_223 : i32
      %lt3A_225 = arith.constant 114 : i32
      %lt3A_226 = arith.cmpi slt, %add3A_224, %lt3A_225 : i32
      %convert_element_type3A_227 = arith.extui %lt3A_226 : i1 to i32
      %cond3A_228 = arith.constant 0 : i32
      %cond3A_229 = arith.cmpi ne, %convert_element_type3A_227, %cond3A_228 : i32
      scf.if %cond3A_229 {
        %add3A_282 = arith.addi %mul3A_2, %add3A_179 : i32
        %add3A_283 = arith.constant 2 : i32
        %add3A_284 = arith.addi %add3A_282, %add3A_283 : i32
        %dma_start3A_285 = arith.constant 0 : i32
        %dma_start3A_286 = arith.constant 0 : i32
        %dma_start3A_287 = arith.constant 0 : i32
        %dma_start3A_288 = tpu.memref_slice %arg8[%dma_start3A_286, %dma_start3A_287] : memref<3x88xi32, #tpu.memory_space<vmem>> -> memref<1x88xi32, #tpu.memory_space<vmem>>
        %dma_start3A_289 = tpu.memref_squeeze %dma_start3A_288 : memref<1x88xi32, #tpu.memory_space<vmem>> -> memref<88xi32, #tpu.memory_space<vmem>>
        %dma_start3A_290 = arith.constant 0 : i32
        %dma_start3A_291 = arith.constant 0 : i32
        %dma_start3A_292 = tpu.memref_slice %arg4[%add3A_284, %dma_start3A_290, %dma_start3A_291] : memref<3648x1x88xi32, #tpu.memory_space<hbm>> -> memref<1x1x88xi32, #tpu.memory_space<hbm>>
        %dma_start3A_293 = tpu.memref_squeeze %dma_start3A_292 : memref<1x1x88xi32, #tpu.memory_space<hbm>> -> memref<1x88xi32, #tpu.memory_space<hbm>>
        %dma_start3A_294 = arith.constant 0 : i32
        %dma_start3A_295 = tpu.memref_slice %dma_start3A_293[%dma_start3A_285, %dma_start3A_294] : memref<1x88xi32, #tpu.memory_space<hbm>> -> memref<1x88xi32, #tpu.memory_space<hbm>>
        %dma_start3A_296 = tpu.memref_squeeze %dma_start3A_295 : memref<1x88xi32, #tpu.memory_space<hbm>> -> memref<88xi32, #tpu.memory_space<hbm>>
        %dma_start3A_297 = arith.constant 0 : i32
        %dma_start3A_298 = tpu.memref_slice %arg8[%dma_start3A_286, %dma_start3A_297] : memref<3x88xi32, #tpu.memory_space<vmem>> -> memref<1x88xi32, #tpu.memory_space<vmem>>
        %dma_start3A_299 = tpu.memref_squeeze %dma_start3A_298 : memref<1x88xi32, #tpu.memory_space<vmem>> -> memref<88xi32, #tpu.memory_space<vmem>>
        %dma_start3A_300 = arith.constant 0 : i32
        %dma_start3A_301 = arith.constant 0 : i32
        %dma_start3A_302 = tpu.memref_slice %arg4[%add3A_284, %dma_start3A_300, %dma_start3A_301] : memref<3648x1x88xi32, #tpu.memory_space<hbm>> -> memref<1x1x88xi32, #tpu.memory_space<hbm>>
        %dma_start3A_303 = tpu.memref_squeeze %dma_start3A_302 : memref<1x1x88xi32, #tpu.memory_space<hbm>> -> memref<1x88xi32, #tpu.memory_space<hbm>>
        %dma_start3A_304 = arith.constant 0 : i32
        %dma_start3A_305 = tpu.memref_slice %dma_start3A_303[%dma_start3A_285, %dma_start3A_304] : memref<1x88xi32, #tpu.memory_space<hbm>> -> memref<1x88xi32, #tpu.memory_space<hbm>>
        %dma_start3A_306 = tpu.memref_squeeze %dma_start3A_305 : memref<1x88xi32, #tpu.memory_space<hbm>> -> memref<88xi32, #tpu.memory_space<hbm>>
        tpu.enqueue_dma source(%dma_start3A_306 : memref<88xi32, #tpu.memory_space<hbm>>) target(%dma_start3A_299 : memref<88xi32, #tpu.memory_space<vmem>>) target_semaphore(%arg14 : memref<!tpu.dma_semaphore, #tpu.memory_space<semaphore_mem>>)
      } else {
      }
      %add3A_230 = arith.constant 2 : i32
      %add3A_231 = arith.addi %add3A_127, %add3A_230 : i32
      %dma_wait3A_232 = arith.constant 2 : i32
      %dma_wait3A_233 = arith.constant 0 : i32
      %dma_wait3A_234 = arith.constant 0 : i32
      %dma_wait3A_235 = tpu.memref_slice %arg9[%dma_wait3A_232, %dma_wait3A_233, %dma_wait3A_234] : memref<3x88x128xf32, #tpu.memory_space<vmem>> -> memref<1x88x128xf32, #tpu.memory_space<vmem>>
      %dma_wait3A_236 = tpu.memref_squeeze %dma_wait3A_235 : memref<1x88x128xf32, #tpu.memory_space<vmem>> -> memref<88x128xf32, #tpu.memory_space<vmem>>
      %dma_wait3A_237 = arith.constant 0 : i32
      %dma_wait3A_238 = tpu.memref_slice %arg7[%add3A_231, %dma_wait3A_237] : memref<114x88xi32, #tpu.memory_space<vmem>> -> memref<1x88xi32, #tpu.memory_space<vmem>>
      %dma_wait3A_239 = tpu.memref_squeeze %dma_wait3A_238 : memref<1x88xi32, #tpu.memory_space<vmem>> -> memref<88xi32, #tpu.memory_space<vmem>>
      %dma_wait3A_240 = arith.constant 0 : i32
      %dma_wait3A_241 = arith.constant 0 : i32
      %dma_wait3A_242 = tpu.memref_slice %arg2[%dma_wait3A_240, %dma_wait3A_241] : memref<10016x128xf32, #tpu.memory_space<hbm>> -> memref<10016x128xf32, #tpu.memory_space<hbm>>
      tpu.wait_indirect_dma semaphore(%arg13 : memref<!tpu.dma_semaphore, #tpu.memory_space<semaphore_mem>>) src(%dma_wait3A_242 : memref<10016x128xf32, #tpu.memory_space<hbm>>) dst(%dma_wait3A_236 : memref<88x128xf32, #tpu.memory_space<vmem>>)
      %add3A_243 = arith.constant 2 : i32
      %add3A_244 = arith.addi %add3A_231, %add3A_243 : i32
      %lt3A_245 = arith.constant 114 : i32
      %lt3A_246 = arith.cmpi slt, %add3A_244, %lt3A_245 : i32
      %convert_element_type3A_247 = arith.extui %lt3A_246 : i1 to i32
      %cond3A_248 = arith.constant 0 : i32
      %cond3A_249 = arith.cmpi ne, %convert_element_type3A_247, %cond3A_248 : i32
      scf.if %cond3A_249 {
        %add3A_282 = arith.constant 2 : i32
        %add3A_283 = arith.addi %add3A_231, %add3A_282 : i32
        %dma_start3A_284 = arith.constant 1 : i32
        %dma_start3A_285 = arith.constant 0 : i32
        %dma_start3A_286 = arith.constant 0 : i32
        %dma_start3A_287 = tpu.memref_slice %arg9[%dma_start3A_284, %dma_start3A_285, %dma_start3A_286] : memref<3x88x128xf32, #tpu.memory_space<vmem>> -> memref<1x88x128xf32, #tpu.memory_space<vmem>>
        %dma_start3A_288 = tpu.memref_squeeze %dma_start3A_287 : memref<1x88x128xf32, #tpu.memory_space<vmem>> -> memref<88x128xf32, #tpu.memory_space<vmem>>
        %dma_start3A_289 = arith.constant 0 : i32
        %dma_start3A_290 = tpu.memref_slice %arg7[%add3A_283, %dma_start3A_289] : memref<114x88xi32, #tpu.memory_space<vmem>> -> memref<1x88xi32, #tpu.memory_space<vmem>>
        %dma_start3A_291 = tpu.memref_squeeze %dma_start3A_290 : memref<1x88xi32, #tpu.memory_space<vmem>> -> memref<88xi32, #tpu.memory_space<vmem>>
        %dma_start3A_292 = arith.constant 0 : i32
        %dma_start3A_293 = arith.constant 0 : i32
        %dma_start3A_294 = tpu.memref_slice %arg2[%dma_start3A_292, %dma_start3A_293] : memref<10016x128xf32, #tpu.memory_space<hbm>> -> memref<10016x128xf32, #tpu.memory_space<hbm>>
        tpu.enqueue_indirect_dma source(%dma_start3A_294 : memref<10016x128xf32, #tpu.memory_space<hbm>>) target(%dma_start3A_288 : memref<88x128xf32, #tpu.memory_space<vmem>>) offsets(%dma_start3A_291 : memref<88xi32, #tpu.memory_space<vmem>>) semaphore(%arg12 : memref<!tpu.dma_semaphore, #tpu.memory_space<semaphore_mem>>)
      } else {
      }
      %add3A_250 = arith.addi %mul3A_2, %add3A_231 : i32
      %dma_wait3A_251 = arith.constant 0 : i32
      %dma_wait3A_252 = arith.constant 2 : i32
      %dma_wait3A_253 = arith.constant 0 : i32
      %dma_wait3A_254 = tpu.memref_slice %arg8[%dma_wait3A_252, %dma_wait3A_253] : memref<3x88xi32, #tpu.memory_space<vmem>> -> memref<1x88xi32, #tpu.memory_space<vmem>>
      %dma_wait3A_255 = tpu.memref_squeeze %dma_wait3A_254 : memref<1x88xi32, #tpu.memory_space<vmem>> -> memref<88xi32, #tpu.memory_space<vmem>>
      %dma_wait3A_256 = arith.constant 0 : i32
      %dma_wait3A_257 = arith.constant 0 : i32
      %dma_wait3A_258 = tpu.memref_slice %arg4[%add3A_250, %dma_wait3A_256, %dma_wait3A_257] : memref<3648x1x88xi32, #tpu.memory_space<hbm>> -> memref<1x1x88xi32, #tpu.memory_space<hbm>>
      %dma_wait3A_259 = tpu.memref_squeeze %dma_wait3A_258 : memref<1x1x88xi32, #tpu.memory_space<hbm>> -> memref<1x88xi32, #tpu.memory_space<hbm>>
      %dma_wait3A_260 = arith.constant 0 : i32
      %dma_wait3A_261 = tpu.memref_slice %dma_wait3A_259[%dma_wait3A_251, %dma_wait3A_260] : memref<1x88xi32, #tpu.memory_space<hbm>> -> memref<1x88xi32, #tpu.memory_space<hbm>>
      %dma_wait3A_262 = tpu.memref_squeeze %dma_wait3A_261 : memref<1x88xi32, #tpu.memory_space<hbm>> -> memref<88xi32, #tpu.memory_space<hbm>>
      %dma_wait3A_263 = arith.constant 0 : i32
      %dma_wait3A_264 = tpu.memref_slice %arg8[%dma_wait3A_252, %dma_wait3A_263] : memref<3x88xi32, #tpu.memory_space<vmem>> -> memref<1x88xi32, #tpu.memory_space<vmem>>
      %dma_wait3A_265 = tpu.memref_squeeze %dma_wait3A_264 : memref<1x88xi32, #tpu.memory_space<vmem>> -> memref<88xi32, #tpu.memory_space<vmem>>
      %dma_wait3A_266 = arith.constant 0 : i32
      %dma_wait3A_267 = arith.constant 0 : i32
      %dma_wait3A_268 = tpu.memref_slice %arg4[%add3A_250, %dma_wait3A_266, %dma_wait3A_267] : memref<3648x1x88xi32, #tpu.memory_space<hbm>> -> memref<1x1x88xi32, #tpu.memory_space<hbm>>
      %dma_wait3A_269 = tpu.memref_squeeze %dma_wait3A_268 : memref<1x1x88xi32, #tpu.memory_space<hbm>> -> memref<1x88xi32, #tpu.memory_space<hbm>>
      %dma_wait3A_270 = arith.constant 0 : i32
      %dma_wait3A_271 = tpu.memref_slice %dma_wait3A_269[%dma_wait3A_251, %dma_wait3A_270] : memref<1x88xi32, #tpu.memory_space<hbm>> -> memref<1x88xi32, #tpu.memory_space<hbm>>
      %dma_wait3A_272 = tpu.memref_squeeze %dma_wait3A_271 : memref<1x88xi32, #tpu.memory_space<hbm>> -> memref<88xi32, #tpu.memory_space<hbm>>
      tpu.wait_dma2 semaphore(%arg16 : memref<!tpu.dma_semaphore, #tpu.memory_space<semaphore_mem>>) src(%dma_wait3A_272 : memref<88xi32, #tpu.memory_space<hbm>>) dst(%dma_wait3A_265 : memref<88xi32, #tpu.memory_space<vmem>>)
      %run_scoped3A_273 = arith.constant 2 : i32
      %run_scoped3A_274 = arith.constant 2 : i32
      "tpu.region"() ({
        %run_scoped3A_282 = tpu.sem_alloc : memref<!tpu.dma_semaphore, #tpu.memory_space<semaphore_mem>>
        %dma_start3A_283 = arith.constant 0 : i32
        %dma_start3A_284 = arith.constant 0 : i32
        %dma_start3A_285 = tpu.memref_slice %arg9[%run_scoped3A_273, %dma_start3A_283, %dma_start3A_284] : memref<3x88x128xf32, #tpu.memory_space<vmem>> -> memref<1x88x128xf32, #tpu.memory_space<vmem>>
        %dma_start3A_286 = tpu.memref_squeeze %dma_start3A_285 : memref<1x88x128xf32, #tpu.memory_space<vmem>> -> memref<88x128xf32, #tpu.memory_space<vmem>>
        %dma_start3A_287 = arith.constant 0 : i32
        %dma_start3A_288 = tpu.memref_slice %arg8[%run_scoped3A_274, %dma_start3A_287] : memref<3x88xi32, #tpu.memory_space<vmem>> -> memref<1x88xi32, #tpu.memory_space<vmem>>
        %dma_start3A_289 = tpu.memref_squeeze %dma_start3A_288 : memref<1x88xi32, #tpu.memory_space<vmem>> -> memref<88xi32, #tpu.memory_space<vmem>>
        %dma_start3A_290 = arith.constant 0 : i32
        %dma_start3A_291 = arith.constant 0 : i32
        %dma_start3A_292 = tpu.memref_slice %arg10[%dma_start3A_290, %dma_start3A_291] : memref<10000x128xf32, #tpu.memory_space<vmem_shared>> -> memref<10000x128xf32, #tpu.memory_space<vmem_shared>>
        tpu.enqueue_indirect_dma source(%dma_start3A_286 : memref<88x128xf32, #tpu.memory_space<vmem>>) target(%dma_start3A_292 : memref<10000x128xf32, #tpu.memory_space<vmem_shared>>) offsets(%dma_start3A_289 : memref<88xi32, #tpu.memory_space<vmem>>) semaphore(%run_scoped3A_282 : memref<!tpu.dma_semaphore, #tpu.memory_space<semaphore_mem>>) {add = true}
        %dma_wait3A_293 = arith.constant 0 : i32
        %dma_wait3A_294 = arith.constant 0 : i32
        %dma_wait3A_295 = tpu.memref_slice %arg9[%run_scoped3A_273, %dma_wait3A_293, %dma_wait3A_294] : memref<3x88x128xf32, #tpu.memory_space<vmem>> -> memref<1x88x128xf32, #tpu.memory_space<vmem>>
        %dma_wait3A_296 = tpu.memref_squeeze %dma_wait3A_295 : memref<1x88x128xf32, #tpu.memory_space<vmem>> -> memref<88x128xf32, #tpu.memory_space<vmem>>
        %dma_wait3A_297 = arith.constant 0 : i32
        %dma_wait3A_298 = tpu.memref_slice %arg8[%run_scoped3A_274, %dma_wait3A_297] : memref<3x88xi32, #tpu.memory_space<vmem>> -> memref<1x88xi32, #tpu.memory_space<vmem>>
        %dma_wait3A_299 = tpu.memref_squeeze %dma_wait3A_298 : memref<1x88xi32, #tpu.memory_space<vmem>> -> memref<88xi32, #tpu.memory_space<vmem>>
        %dma_wait3A_300 = arith.constant 0 : i32
        %dma_wait3A_301 = arith.constant 0 : i32
        %dma_wait3A_302 = tpu.memref_slice %arg10[%dma_wait3A_300, %dma_wait3A_301] : memref<10000x128xf32, #tpu.memory_space<vmem_shared>> -> memref<10000x128xf32, #tpu.memory_space<vmem_shared>>
        tpu.wait_indirect_dma semaphore(%run_scoped3A_282 : memref<!tpu.dma_semaphore, #tpu.memory_space<semaphore_mem>>) src(%dma_wait3A_296 : memref<88x128xf32, #tpu.memory_space<vmem>>) dst(%dma_wait3A_302 : memref<10000x128xf32, #tpu.memory_space<vmem_shared>>)
        tpu.yield
      }) : () -> ()
      %add3A_275 = arith.constant 2 : i32
      %add3A_276 = arith.addi %add3A_231, %add3A_275 : i32
      %lt3A_277 = arith.constant 114 : i32
      %lt3A_278 = arith.cmpi slt, %add3A_276, %lt3A_277 : i32
      %convert_element_type3A_279 = arith.extui %lt3A_278 : i1 to i32
      %cond3A_280 = arith.constant 0 : i32
      %cond3A_281 = arith.cmpi ne, %convert_element_type3A_279, %cond3A_280 : i32
      scf.if %cond3A_281 {
        %add3A_282 = arith.addi %mul3A_2, %add3A_231 : i32
        %add3A_283 = arith.constant 2 : i32
        %add3A_284 = arith.addi %add3A_282, %add3A_283 : i32
        %dma_start3A_285 = arith.constant 0 : i32
        %dma_start3A_286 = arith.constant 1 : i32
        %dma_start3A_287 = arith.constant 0 : i32
        %dma_start3A_288 = tpu.memref_slice %arg8[%dma_start3A_286, %dma_start3A_287] : memref<3x88xi32, #tpu.memory_space<vmem>> -> memref<1x88xi32, #tpu.memory_space<vmem>>
        %dma_start3A_289 = tpu.memref_squeeze %dma_start3A_288 : memref<1x88xi32, #tpu.memory_space<vmem>> -> memref<88xi32, #tpu.memory_space<vmem>>
        %dma_start3A_290 = arith.constant 0 : i32
        %dma_start3A_291 = arith.constant 0 : i32
        %dma_start3A_292 = tpu.memref_slice %arg4[%add3A_284, %dma_start3A_290, %dma_start3A_291] : memref<3648x1x88xi32, #tpu.memory_space<hbm>> -> memref<1x1x88xi32, #tpu.memory_space<hbm>>
        %dma_start3A_293 = tpu.memref_squeeze %dma_start3A_292 : memref<1x1x88xi32, #tpu.memory_space<hbm>> -> memref<1x88xi32, #tpu.memory_space<hbm>>
        %dma_start3A_294 = arith.constant 0 : i32
        %dma_start3A_295 = tpu.memref_slice %dma_start3A_293[%dma_start3A_285, %dma_start3A_294] : memref<1x88xi32, #tpu.memory_space<hbm>> -> memref<1x88xi32, #tpu.memory_space<hbm>>
        %dma_start3A_296 = tpu.memref_squeeze %dma_start3A_295 : memref<1x88xi32, #tpu.memory_space<hbm>> -> memref<88xi32, #tpu.memory_space<hbm>>
        %dma_start3A_297 = arith.constant 0 : i32
        %dma_start3A_298 = tpu.memref_slice %arg8[%dma_start3A_286, %dma_start3A_297] : memref<3x88xi32, #tpu.memory_space<vmem>> -> memref<1x88xi32, #tpu.memory_space<vmem>>
        %dma_start3A_299 = tpu.memref_squeeze %dma_start3A_298 : memref<1x88xi32, #tpu.memory_space<vmem>> -> memref<88xi32, #tpu.memory_space<vmem>>
        %dma_start3A_300 = arith.constant 0 : i32
        %dma_start3A_301 = arith.constant 0 : i32
        %dma_start3A_302 = tpu.memref_slice %arg4[%add3A_284, %dma_start3A_300, %dma_start3A_301] : memref<3648x1x88xi32, #tpu.memory_space<hbm>> -> memref<1x1x88xi32, #tpu.memory_space<hbm>>
        %dma_start3A_303 = tpu.memref_squeeze %dma_start3A_302 : memref<1x1x88xi32, #tpu.memory_space<hbm>> -> memref<1x88xi32, #tpu.memory_space<hbm>>
        %dma_start3A_304 = arith.constant 0 : i32
        %dma_start3A_305 = tpu.memref_slice %dma_start3A_303[%dma_start3A_285, %dma_start3A_304] : memref<1x88xi32, #tpu.memory_space<hbm>> -> memref<1x88xi32, #tpu.memory_space<hbm>>
        %dma_start3A_306 = tpu.memref_squeeze %dma_start3A_305 : memref<1x88xi32, #tpu.memory_space<hbm>> -> memref<88xi32, #tpu.memory_space<hbm>>
        tpu.enqueue_dma source(%dma_start3A_306 : memref<88xi32, #tpu.memory_space<hbm>>) target(%dma_start3A_299 : memref<88xi32, #tpu.memory_space<vmem>>) target_semaphore(%arg15 : memref<!tpu.dma_semaphore, #tpu.memory_space<semaphore_mem>>)
      } else {
      }
    }
    %scan3A_90 = arith.constant 38 : i32
    %barrier3A_91 = arith.constant 0 : index
    tpu.barrier barrier_id(%barrier3A_91)
    %eq3A_92 = arith.constant 0 : i32
    %eq3A_93 = arith.cmpi eq, %arg0, %eq3A_92 : i32
    %lt3A_94 = arith.constant 15 : i32
    %lt3A_95 = arith.cmpi slt, %arg1, %lt3A_94 : i32
    %and3A = arith.andi %eq3A_93, %lt3A_95 : i1
    %convert_element_type3A_96 = arith.extui %and3A : i1 to i32
    %cond3A_97 = arith.constant 0 : i32
    %cond3A_98 = arith.cmpi ne, %convert_element_type3A_96, %cond3A_97 : i32
    scf.if %cond3A_98 {
      "tpu.region"() ({
        %run_scoped3A = tpu.sem_alloc : memref<!tpu.dma_semaphore, #tpu.memory_space<semaphore_mem>>
        %dma_start3A_123 = arith.constant 0 : i32
        %dma_start3A_124 = tpu.memref_slice %arg5[%mul3A_4, %dma_start3A_123] : memref<10000x128xf32, #tpu.memory_space<hbm>> -> memref<632x128xf32, #tpu.memory_space<hbm>>
        %dma_start3A_125 = arith.constant 0 : i32
        %dma_start3A_126 = tpu.memref_slice %arg10[%mul3A_4, %dma_start3A_125] : memref<10000x128xf32, #tpu.memory_space<vmem_shared>> -> memref<632x128xf32, #tpu.memory_space<vmem_shared>>
        tpu.enqueue_dma source(%dma_start3A_126 : memref<632x128xf32, #tpu.memory_space<vmem_shared>>) target(%dma_start3A_124 : memref<632x128xf32, #tpu.memory_space<hbm>>) target_semaphore(%run_scoped3A : memref<!tpu.dma_semaphore, #tpu.memory_space<semaphore_mem>>)
        %dma_wait3A = arith.constant 0 : i32
        %dma_wait3A_127 = tpu.memref_slice %arg5[%mul3A_4, %dma_wait3A] : memref<10000x128xf32, #tpu.memory_space<hbm>> -> memref<632x128xf32, #tpu.memory_space<hbm>>
        %dma_wait3A_128 = arith.constant 0 : i32
        %dma_wait3A_129 = tpu.memref_slice %arg10[%mul3A_4, %dma_wait3A_128] : memref<10000x128xf32, #tpu.memory_space<vmem_shared>> -> memref<632x128xf32, #tpu.memory_space<vmem_shared>>
        tpu.wait_dma2 semaphore(%run_scoped3A : memref<!tpu.dma_semaphore, #tpu.memory_space<semaphore_mem>>) src(%dma_wait3A_129 : memref<632x128xf32, #tpu.memory_space<vmem_shared>>) dst(%dma_wait3A_127 : memref<632x128xf32, #tpu.memory_space<hbm>>)
        tpu.yield
      }) : () -> ()
    } else {
    }
    %eq3A_99 = arith.constant 0 : i32
    %eq3A_100 = arith.cmpi eq, %arg0, %eq3A_99 : i32
    %eq3A_101 = arith.constant 15 : i32
    %eq3A_102 = arith.cmpi eq, %arg1, %eq3A_101 : i32
    %and3A_103 = arith.andi %eq3A_100, %eq3A_102 : i1
    %convert_element_type3A_104 = arith.extui %and3A_103 : i1 to i32
    %cond3A_105 = arith.constant 0 : i32
    %cond3A_106 = arith.cmpi ne, %convert_element_type3A_104, %cond3A_105 : i32
    scf.if %cond3A_106 {
      "tpu.region"() ({
        %run_scoped3A = tpu.sem_alloc : memref<!tpu.dma_semaphore, #tpu.memory_space<semaphore_mem>>
        %dma_start3A_123 = arith.constant 0 : i32
        %dma_start3A_124 = tpu.memref_slice %arg5[%mul3A_4, %dma_start3A_123] : memref<10000x128xf32, #tpu.memory_space<hbm>> -> memref<520x128xf32, #tpu.memory_space<hbm>>
        %dma_start3A_125 = arith.constant 0 : i32
        %dma_start3A_126 = tpu.memref_slice %arg10[%mul3A_4, %dma_start3A_125] : memref<10000x128xf32, #tpu.memory_space<vmem_shared>> -> memref<520x128xf32, #tpu.memory_space<vmem_shared>>
        tpu.enqueue_dma source(%dma_start3A_126 : memref<520x128xf32, #tpu.memory_space<vmem_shared>>) target(%dma_start3A_124 : memref<520x128xf32, #tpu.memory_space<hbm>>) target_semaphore(%run_scoped3A : memref<!tpu.dma_semaphore, #tpu.memory_space<semaphore_mem>>)
        %dma_wait3A = arith.constant 0 : i32
        %dma_wait3A_127 = tpu.memref_slice %arg5[%mul3A_4, %dma_wait3A] : memref<10000x128xf32, #tpu.memory_space<hbm>> -> memref<520x128xf32, #tpu.memory_space<hbm>>
        %dma_wait3A_128 = arith.constant 0 : i32
        %dma_wait3A_129 = tpu.memref_slice %arg10[%mul3A_4, %dma_wait3A_128] : memref<10000x128xf32, #tpu.memory_space<vmem_shared>> -> memref<520x128xf32, #tpu.memory_space<vmem_shared>>
        tpu.wait_dma2 semaphore(%run_scoped3A : memref<!tpu.dma_semaphore, #tpu.memory_space<semaphore_mem>>) src(%dma_wait3A_129 : memref<520x128xf32, #tpu.memory_space<vmem_shared>>) dst(%dma_wait3A_127 : memref<520x128xf32, #tpu.memory_space<hbm>>)
        tpu.yield
      }) : () -> ()
    } else {
    }
    %eq3A_107 = arith.constant 1 : i32
    %eq3A_108 = arith.cmpi eq, %arg0, %eq3A_107 : i32
    %lt3A_109 = arith.constant 15 : i32
    %lt3A_110 = arith.cmpi slt, %arg1, %lt3A_109 : i32
    %and3A_111 = arith.andi %eq3A_108, %lt3A_110 : i1
    %convert_element_type3A_112 = arith.extui %and3A_111 : i1 to i32
    %cond3A_113 = arith.constant 0 : i32
    %cond3A_114 = arith.cmpi ne, %convert_element_type3A_112, %cond3A_113 : i32
    scf.if %cond3A_114 {
      "tpu.region"() ({
        %run_scoped3A = tpu.sem_alloc : memref<!tpu.dma_semaphore, #tpu.memory_space<semaphore_mem>>
        %dma_start3A_123 = arith.constant 0 : i32
        %dma_start3A_124 = tpu.memref_slice %arg6[%mul3A_4, %dma_start3A_123] : memref<10000x128xf32, #tpu.memory_space<hbm>> -> memref<632x128xf32, #tpu.memory_space<hbm>>
        %dma_start3A_125 = arith.constant 0 : i32
        %dma_start3A_126 = tpu.memref_slice %arg10[%mul3A_4, %dma_start3A_125] : memref<10000x128xf32, #tpu.memory_space<vmem_shared>> -> memref<632x128xf32, #tpu.memory_space<vmem_shared>>
        tpu.enqueue_dma source(%dma_start3A_126 : memref<632x128xf32, #tpu.memory_space<vmem_shared>>) target(%dma_start3A_124 : memref<632x128xf32, #tpu.memory_space<hbm>>) target_semaphore(%run_scoped3A : memref<!tpu.dma_semaphore, #tpu.memory_space<semaphore_mem>>)
        %dma_wait3A = arith.constant 0 : i32
        %dma_wait3A_127 = tpu.memref_slice %arg6[%mul3A_4, %dma_wait3A] : memref<10000x128xf32, #tpu.memory_space<hbm>> -> memref<632x128xf32, #tpu.memory_space<hbm>>
        %dma_wait3A_128 = arith.constant 0 : i32
        %dma_wait3A_129 = tpu.memref_slice %arg10[%mul3A_4, %dma_wait3A_128] : memref<10000x128xf32, #tpu.memory_space<vmem_shared>> -> memref<632x128xf32, #tpu.memory_space<vmem_shared>>
        tpu.wait_dma2 semaphore(%run_scoped3A : memref<!tpu.dma_semaphore, #tpu.memory_space<semaphore_mem>>) src(%dma_wait3A_129 : memref<632x128xf32, #tpu.memory_space<vmem_shared>>) dst(%dma_wait3A_127 : memref<632x128xf32, #tpu.memory_space<hbm>>)
        tpu.yield
      }) : () -> ()
    } else {
    }
    %eq3A_115 = arith.constant 1 : i32
    %eq3A_116 = arith.cmpi eq, %arg0, %eq3A_115 : i32
    %eq3A_117 = arith.constant 15 : i32
    %eq3A_118 = arith.cmpi eq, %arg1, %eq3A_117 : i32
    %and3A_119 = arith.andi %eq3A_116, %eq3A_118 : i1
    %convert_element_type3A_120 = arith.extui %and3A_119 : i1 to i32
    %cond3A_121 = arith.constant 0 : i32
    %cond3A_122 = arith.cmpi ne, %convert_element_type3A_120, %cond3A_121 : i32
    scf.if %cond3A_122 {
      "tpu.region"() ({
        %run_scoped3A = tpu.sem_alloc : memref<!tpu.dma_semaphore, #tpu.memory_space<semaphore_mem>>
        %dma_start3A_123 = arith.constant 0 : i32
        %dma_start3A_124 = tpu.memref_slice %arg6[%mul3A_4, %dma_start3A_123] : memref<10000x128xf32, #tpu.memory_space<hbm>> -> memref<520x128xf32, #tpu.memory_space<hbm>>
        %dma_start3A_125 = arith.constant 0 : i32
        %dma_start3A_126 = tpu.memref_slice %arg10[%mul3A_4, %dma_start3A_125] : memref<10000x128xf32, #tpu.memory_space<vmem_shared>> -> memref<520x128xf32, #tpu.memory_space<vmem_shared>>
        tpu.enqueue_dma source(%dma_start3A_126 : memref<520x128xf32, #tpu.memory_space<vmem_shared>>) target(%dma_start3A_124 : memref<520x128xf32, #tpu.memory_space<hbm>>) target_semaphore(%run_scoped3A : memref<!tpu.dma_semaphore, #tpu.memory_space<semaphore_mem>>)
        %dma_wait3A = arith.constant 0 : i32
        %dma_wait3A_127 = tpu.memref_slice %arg6[%mul3A_4, %dma_wait3A] : memref<10000x128xf32, #tpu.memory_space<hbm>> -> memref<520x128xf32, #tpu.memory_space<hbm>>
        %dma_wait3A_128 = arith.constant 0 : i32
        %dma_wait3A_129 = tpu.memref_slice %arg10[%mul3A_4, %dma_wait3A_128] : memref<10000x128xf32, #tpu.memory_space<vmem_shared>> -> memref<520x128xf32, #tpu.memory_space<vmem_shared>>
        tpu.wait_dma2 semaphore(%run_scoped3A : memref<!tpu.dma_semaphore, #tpu.memory_space<semaphore_mem>>) src(%dma_wait3A_129 : memref<520x128xf32, #tpu.memory_space<vmem_shared>>) dst(%dma_wait3A_127 : memref<520x128xf32, #tpu.memory_space<hbm>>)
        tpu.yield
      }) : () -> ()
    } else {
    }
    return
  }
}

#map = affine_map<(d0, d1) -> (0, 0)>
#map1 = affine_map<(d0, d1) -> (0, 0, 0)>
module attributes {stable_mosaic.version = 14 : i64} {
  func.func @seg_kernel(%arg0: i32, %arg1: i32, %arg2: memref<10016x128xf32, #tpu.memory_space<hbm>>, %arg3: memref<32x114x88xi32, #tpu.memory_space<hbm>>, %arg4: memref<3648x1x88xi32, #tpu.memory_space<hbm>>, %arg5: memref<10000x128xf32, #tpu.memory_space<hbm>>, %arg6: memref<10000x128xf32, #tpu.memory_space<hbm>>, %arg7: memref<114x88xi32, #tpu.memory_space<vmem>>, %arg8: memref<3x88xi32, #tpu.memory_space<vmem>>, %arg9: memref<3x88x128xf32, #tpu.memory_space<vmem>>, %arg10: memref<10000x128xf32, #tpu.memory_space<vmem_shared>>, %arg11: memref<!tpu.dma_semaphore, #tpu.memory_space<semaphore_mem>>, %arg12: memref<!tpu.dma_semaphore, #tpu.memory_space<semaphore_mem>>, %arg13: memref<!tpu.dma_semaphore, #tpu.memory_space<semaphore_mem>>, %arg14: memref<!tpu.dma_semaphore, #tpu.memory_space<semaphore_mem>>, %arg15: memref<!tpu.dma_semaphore, #tpu.memory_space<semaphore_mem>>, %arg16: memref<!tpu.dma_semaphore, #tpu.memory_space<semaphore_mem>>) attributes {dimension_semantics = [#tpu.dimension_semantics<core_parallel>, #tpu.dimension_semantics<subcore_parallel>], iteration_bounds = array<i64: 2, 16>, scalar_prefetch = 0 : i64, scratch_operands = 10 : i64, tpu.core_type = #tpu.core_type<sc_vector_subcore>, window_params = [{transform_indices = #map}, {transform_indices = #map1}, {transform_indices = #map1}, {transform_indices = #map}, {transform_indices = #map}]} {
    %mul3A = arith.constant 16 : i32
    %mul3A_0 = arith.muli %arg0, %mul3A : i32
    %add3A = arith.addi %mul3A_0, %arg1 : i32
    %mul3A_1 = arith.constant 114 : i32
    %mul3A_2 = arith.muli %add3A, %mul3A_1 : i32
    %mul3A_3 = arith.constant 632 : i32
    %mul3A_4 = arith.muli %arg1, %mul3A_3 : i32
    %scan3A = arith.constant 0 : i32
    %scan3A_5 = arith.constant 88 : i32
    %scan3A_6 = arith.addi %scan3A, %scan3A_5 : i32
    %scan3A_7 = arith.constant 1 : i32
    scf.for %scan3A_123 = %scan3A to %scan3A_6 step %scan3A_7  : i32 {
      %mul3A_124 = arith.constant 1 : i32
      %mul3A_125 = arith.muli %scan3A_123, %mul3A_124 : i32
      %add3A_126 = arith.constant 0 : i32
      %add3A_127 = arith.addi %add3A_126, %mul3A_125 : i32
      %scan3A_128 = arith.constant 0 : i32
      %scan3A_129 = arith.constant 8 : i32
      %scan3A_130 = arith.addi %scan3A_128, %scan3A_129 : i32
      %scan3A_131 = arith.constant 1 : i32
      scf.for %scan3A_133 = %scan3A_128 to %scan3A_130 step %scan3A_131  : i32 {
        %mul3A_134 = arith.constant 1 : i32
        %mul3A_135 = arith.muli %scan3A_133, %mul3A_134 : i32
        %add3A_136 = arith.constant 0 : i32
        %add3A_137 = arith.addi %add3A_136, %mul3A_135 : i32
        %broadcast_in_dim3A = arith.constant 0.000000e+00 : f32
        %broadcast_in_dim3A_138 = vector.broadcast %broadcast_in_dim3A : f32 to vector<16xf32>
        %mul3A_139 = arith.constant 16 : i32
        %mul3A_140 = arith.muli %add3A_137, %mul3A_139 : i32
        %swap3A = arith.constant 0 : i32
        %swap3A_141 = arith.index_cast %swap3A : i32 to index
        %swap3A_142 = arith.index_cast %add3A_127 : i32 to index
        %swap3A_143 = arith.index_cast %mul3A_140 : i32 to index
        %swap3A_144 = tpu.vector_load %arg9[%swap3A_141, %swap3A_142, %swap3A_143] {strides = array<i32>} : memref<3x88x128xf32, #tpu.memory_space<vmem>>, vector<1x1x16xf32>,
        %swap3A_145 = vector.shape_cast %swap3A_144 : vector<1x1x16xf32> to vector<16xf32>
        %swap3A_146 = vector.shape_cast %broadcast_in_dim3A_138 : vector<16xf32> to vector<1x1x16xf32>
        tpu.vector_store %arg9[%swap3A_141, %swap3A_142, %swap3A_143], %swap3A_146 {strides = array<i32>} : memref<3x88x128xf32, #tpu.memory_space<vmem>>, vector<1x1x16xf32>,
      }
      %scan3A_132 = arith.constant 8 : i32
    }
    %scan3A_8 = arith.constant 88 : i32
    %lt3A = arith.constant 15 : i32
    %lt3A_9 = arith.cmpi slt, %arg1, %lt3A : i32
    %convert_element_type3A = arith.extui %lt3A_9 : i1 to i32
    %cond3A = arith.constant 0 : i32
    %cond3A_10 = arith.cmpi ne, %convert_element_type3A, %cond3A : i32
    scf.if %cond3A_10 {
      %scan3A_123 = arith.constant 0 : i32
      %scan3A_124 = arith.constant 7 : i32
      %scan3A_125 = arith.addi %scan3A_123, %scan3A_124 : i32
      %scan3A_126 = arith.constant 1 : i32
      scf.for %scan3A_130 = %scan3A_123 to %scan3A_125 step %scan3A_126  : i32 {
        %mul3A_131 = arith.constant 1 : i32
        %mul3A_132 = arith.muli %scan3A_130, %mul3A_131 : i32
        %add3A_133 = arith.constant 0 : i32
        %add3A_134 = arith.addi %add3A_133, %mul3A_132 : i32
        %mul3A_135 = arith.constant 88 : i32
        %mul3A_136 = arith.muli %add3A_134, %mul3A_135 : i32
        %add3A_137 = arith.addi %mul3A_4, %mul3A_136 : i32
        %run_scoped3A_138 = arith.constant 0 : i32
        "tpu.region"() ({
          %run_scoped3A_139 = tpu.sem_alloc : memref<!tpu.dma_semaphore, #tpu.memory_space<semaphore_mem>>
          %dma_start3A_140 = arith.constant 0 : i32
          %dma_start3A_141 = arith.constant 0 : i32
          %dma_start3A_142 = tpu.memref_slice %arg9[%run_scoped3A_138, %dma_start3A_140, %dma_start3A_141] : memref<3x88x128xf32, #tpu.memory_space<vmem>> -> memref<1x88x128xf32, #tpu.memory_space<vmem>>
          %dma_start3A_143 = tpu.memref_squeeze %dma_start3A_142 : memref<1x88x128xf32, #tpu.memory_space<vmem>> -> memref<88x128xf32, #tpu.memory_space<vmem>>
          %dma_start3A_144 = arith.constant 0 : i32
          %dma_start3A_145 = tpu.memref_slice %arg10[%add3A_137, %dma_start3A_144] : memref<10000x128xf32, #tpu.memory_space<vmem_shared>> -> memref<88x128xf32, #tpu.memory_space<vmem_shared>>
          %dma_start3A_146 = arith.constant 0 : i32
          %dma_start3A_147 = tpu.memref_slice %arg10[%add3A_137, %dma_start3A_146] : memref<10000x128xf32, #tpu.memory_space<vmem_shared>> -> memref<88x128xf32, #tpu.memory_space<vmem_shared>>
          %dma_start3A_148 = arith.constant 0 : i32
          %dma_start3A_149 = arith.constant 0 : i32
          %dma_start3A_150 = tpu.memref_slice %arg9[%run_scoped3A_138, %dma_start3A_148, %dma_start3A_149] : memref<3x88x128xf32, #tpu.memory_space<vmem>> -> memref<1x88x128xf32, #tpu.memory_space<vmem>>
          %dma_start3A_151 = tpu.memref_squeeze %dma_start3A_150 : memref<1x88x128xf32, #tpu.memory_space<vmem>> -> memref<88x128xf32, #tpu.memory_space<vmem>>
          tpu.enqueue_dma source(%dma_start3A_151 : memref<88x128xf32, #tpu.memory_space<vmem>>) target(%dma_start3A_147 : memref<88x128xf32, #tpu.memory_space<vmem_shared>>) target_semaphore(%run_scoped3A_139 : memref<!tpu.dma_semaphore, #tpu.memory_space<semaphore_mem>>)
          %dma_wait3A = arith.constant 0 : i32
          %dma_wait3A_152 = arith.constant 0 : i32
          %dma_wait3A_153 = tpu.memref_slice %arg9[%run_scoped3A_138, %dma_wait3A, %dma_wait3A_152] : memref<3x88x128xf32, #tpu.memory_space<vmem>> -> memref<1x88x128xf32, #tpu.memory_space<vmem>>
          %dma_wait3A_154 = tpu.memref_squeeze %dma_wait3A_153 : memref<1x88x128xf32, #tpu.memory_space<vmem>> -> memref<88x128xf32, #tpu.memory_space<vmem>>
          %dma_wait3A_155 = arith.constant 0 : i32
          %dma_wait3A_156 = tpu.memref_slice %arg10[%add3A_137, %dma_wait3A_155] : memref<10000x128xf32, #tpu.memory_space<vmem_shared>> -> memref<88x128xf32, #tpu.memory_space<vmem_shared>>
          %dma_wait3A_157 = arith.constant 0 : i32
          %dma_wait3A_158 = tpu.memref_slice %arg10[%add3A_137, %dma_wait3A_157] : memref<10000x128xf32, #tpu.memory_space<vmem_shared>> -> memref<88x128xf32, #tpu.memory_space<vmem_shared>>
          %dma_wait3A_159 = arith.constant 0 : i32
          %dma_wait3A_160 = arith.constant 0 : i32
          %dma_wait3A_161 = tpu.memref_slice %arg9[%run_scoped3A_138, %dma_wait3A_159, %dma_wait3A_160] : memref<3x88x128xf32, #tpu.memory_space<vmem>> -> memref<1x88x128xf32, #tpu.memory_space<vmem>>
          %dma_wait3A_162 = tpu.memref_squeeze %dma_wait3A_161 : memref<1x88x128xf32, #tpu.memory_space<vmem>> -> memref<88x128xf32, #tpu.memory_space<vmem>>
          tpu.wait_dma2 semaphore(%run_scoped3A_139 : memref<!tpu.dma_semaphore, #tpu.memory_space<semaphore_mem>>) src(%dma_wait3A_162 : memref<88x128xf32, #tpu.memory_space<vmem>>) dst(%dma_wait3A_158 : memref<88x128xf32, #tpu.memory_space<vmem_shared>>)
          tpu.yield
        }) : () -> ()
      }
      %scan3A_127 = arith.constant 7 : i32
      %add3A_128 = arith.constant 616 : i32
      %add3A_129 = arith.addi %mul3A_4, %add3A_128 : i32
      %run_scoped3A = arith.constant 0 : i32
      "tpu.region"() ({
        %run_scoped3A_130 = tpu.sem_alloc : memref<!tpu.dma_semaphore, #tpu.memory_space<semaphore_mem>>
        %dma_start3A_131 = arith.constant 0 : i32
        %dma_start3A_132 = arith.constant 0 : i32
        %dma_start3A_133 = tpu.memref_slice %arg9[%run_scoped3A, %dma_start3A_131, %dma_start3A_132] : memref<3x88x128xf32, #tpu.memory_space<vmem>> -> memref<1x88x128xf32, #tpu.memory_space<vmem>>
        %dma_start3A_134 = tpu.memref_squeeze %dma_start3A_133 : memref<1x88x128xf32, #tpu.memory_space<vmem>> -> memref<88x128xf32, #tpu.memory_space<vmem>>
        %dma_start3A_135 = arith.constant 0 : i32
        %dma_start3A_136 = arith.constant 0 : i32
        %dma_start3A_137 = tpu.memref_slice %dma_start3A_134[%dma_start3A_135, %dma_start3A_136] : memref<88x128xf32, #tpu.memory_space<vmem>> -> memref<16x128xf32, #tpu.memory_space<vmem>>
        %dma_start3A_138 = arith.constant 0 : i32
        %dma_start3A_139 = tpu.memref_slice %arg10[%add3A_129, %dma_start3A_138] : memref<10000x128xf32, #tpu.memory_space<vmem_shared>> -> memref<16x128xf32, #tpu.memory_space<vmem_shared>>
        %dma_start3A_140 = arith.constant 0 : i32
        %dma_start3A_141 = tpu.memref_slice %arg10[%add3A_129, %dma_start3A_140] : memref<10000x128xf32, #tpu.memory_space<vmem_shared>> -> memref<16x128xf32, #tpu.memory_space<vmem_shared>>
        %dma_start3A_142 = arith.constant 0 : i32
        %dma_start3A_143 = arith.constant 0 : i32
        %dma_start3A_144 = tpu.memref_slice %arg9[%run_scoped3A, %dma_start3A_142, %dma_start3A_143] : memref<3x88x128xf32, #tpu.memory_space<vmem>> -> memref<1x88x128xf32, #tpu.memory_space<vmem>>
        %dma_start3A_145 = tpu.memref_squeeze %dma_start3A_144 : memref<1x88x128xf32, #tpu.memory_space<vmem>> -> memref<88x128xf32, #tpu.memory_space<vmem>>
        %dma_start3A_146 = arith.constant 0 : i32
        %dma_start3A_147 = arith.constant 0 : i32
        %dma_start3A_148 = tpu.memref_slice %dma_start3A_145[%dma_start3A_146, %dma_start3A_147] : memref<88x128xf32, #tpu.memory_space<vmem>> -> memref<16x128xf32, #tpu.memory_space<vmem>>
        tpu.enqueue_dma source(%dma_start3A_148 : memref<16x128xf32, #tpu.memory_space<vmem>>) target(%dma_start3A_141 : memref<16x128xf32, #tpu.memory_space<vmem_shared>>) target_semaphore(%run_scoped3A_130 : memref<!tpu.dma_semaphore, #tpu.memory_space<semaphore_mem>>)
        %dma_wait3A = arith.constant 0 : i32
        %dma_wait3A_149 = arith.constant 0 : i32
        %dma_wait3A_150 = tpu.memref_slice %arg9[%run_scoped3A, %dma_wait3A, %dma_wait3A_149] : memref<3x88x128xf32, #tpu.memory_space<vmem>> -> memref<1x88x128xf32, #tpu.memory_space<vmem>>
        %dma_wait3A_151 = tpu.memref_squeeze %dma_wait3A_150 : memref<1x88x128xf32, #tpu.memory_space<vmem>> -> memref<88x128xf32, #tpu.memory_space<vmem>>
        %dma_wait3A_152 = arith.constant 0 : i32
        %dma_wait3A_153 = arith.constant 0 : i32
        %dma_wait3A_154 = tpu.memref_slice %dma_wait3A_151[%dma_wait3A_152, %dma_wait3A_153] : memref<88x128xf32, #tpu.memory_space<vmem>> -> memref<16x128xf32, #tpu.memory_space<vmem>>
        %dma_wait3A_155 = arith.constant 0 : i32
        %dma_wait3A_156 = tpu.memref_slice %arg10[%add3A_129, %dma_wait3A_155] : memref<10000x128xf32, #tpu.memory_space<vmem_shared>> -> memref<16x128xf32, #tpu.memory_space<vmem_shared>>
        %dma_wait3A_157 = arith.constant 0 : i32
        %dma_wait3A_158 = tpu.memref_slice %arg10[%add3A_129, %dma_wait3A_157] : memref<10000x128xf32, #tpu.memory_space<vmem_shared>> -> memref<16x128xf32, #tpu.memory_space<vmem_shared>>
        %dma_wait3A_159 = arith.constant 0 : i32
        %dma_wait3A_160 = arith.constant 0 : i32
        %dma_wait3A_161 = tpu.memref_slice %arg9[%run_scoped3A, %dma_wait3A_159, %dma_wait3A_160] : memref<3x88x128xf32, #tpu.memory_space<vmem>> -> memref<1x88x128xf32, #tpu.memory_space<vmem>>
        %dma_wait3A_162 = tpu.memref_squeeze %dma_wait3A_161 : memref<1x88x128xf32, #tpu.memory_space<vmem>> -> memref<88x128xf32, #tpu.memory_space<vmem>>
        %dma_wait3A_163 = arith.constant 0 : i32
        %dma_wait3A_164 = arith.constant 0 : i32
        %dma_wait3A_165 = tpu.memref_slice %dma_wait3A_162[%dma_wait3A_163, %dma_wait3A_164] : memref<88x128xf32, #tpu.memory_space<vmem>> -> memref<16x128xf32, #tpu.memory_space<vmem>>
        tpu.wait_dma2 semaphore(%run_scoped3A_130 : memref<!tpu.dma_semaphore, #tpu.memory_space<semaphore_mem>>) src(%dma_wait3A_165 : memref<16x128xf32, #tpu.memory_space<vmem>>) dst(%dma_wait3A_158 : memref<16x128xf32, #tpu.memory_space<vmem_shared>>)
        tpu.yield
      }) : () -> ()
    } else {
    }
    %eq3A = arith.constant 15 : i32
    %eq3A_11 = arith.cmpi eq, %arg1, %eq3A : i32
    %convert_element_type3A_12 = arith.extui %eq3A_11 : i1 to i32
    %cond3A_13 = arith.constant 0 : i32
    %cond3A_14 = arith.cmpi ne, %convert_element_type3A_12, %cond3A_13 : i32
    scf.if %cond3A_14 {
      %scan3A_123 = arith.constant 0 : i32
      %scan3A_124 = arith.constant 5 : i32
      %scan3A_125 = arith.addi %scan3A_123, %scan3A_124 : i32
      %scan3A_126 = arith.constant 1 : i32
      scf.for %scan3A_130 = %scan3A_123 to %scan3A_125 step %scan3A_126  : i32 {
        %mul3A_131 = arith.constant 1 : i32
        %mul3A_132 = arith.muli %scan3A_130, %mul3A_131 : i32
        %add3A_133 = arith.constant 0 : i32
        %add3A_134 = arith.addi %add3A_133, %mul3A_132 : i32
        %mul3A_135 = arith.constant 88 : i32
        %mul3A_136 = arith.muli %add3A_134, %mul3A_135 : i32
        %add3A_137 = arith.addi %mul3A_4, %mul3A_136 : i32
        %run_scoped3A_138 = arith.constant 0 : i32
        "tpu.region"() ({
          %run_scoped3A_139 = tpu.sem_alloc : memref<!tpu.dma_semaphore, #tpu.memory_space<semaphore_mem>>
          %dma_start3A_140 = arith.constant 0 : i32
          %dma_start3A_141 = arith.constant 0 : i32
          %dma_start3A_142 = tpu.memref_slice %arg9[%run_scoped3A_138, %dma_start3A_140, %dma_start3A_141] : memref<3x88x128xf32, #tpu.memory_space<vmem>> -> memref<1x88x128xf32, #tpu.memory_space<vmem>>
          %dma_start3A_143 = tpu.memref_squeeze %dma_start3A_142 : memref<1x88x128xf32, #tpu.memory_space<vmem>> -> memref<88x128xf32, #tpu.memory_space<vmem>>
          %dma_start3A_144 = arith.constant 0 : i32
          %dma_start3A_145 = tpu.memref_slice %arg10[%add3A_137, %dma_start3A_144] : memref<10000x128xf32, #tpu.memory_space<vmem_shared>> -> memref<88x128xf32, #tpu.memory_space<vmem_shared>>
          %dma_start3A_146 = arith.constant 0 : i32
          %dma_start3A_147 = tpu.memref_slice %arg10[%add3A_137, %dma_start3A_146] : memref<10000x128xf32, #tpu.memory_space<vmem_shared>> -> memref<88x128xf32, #tpu.memory_space<vmem_shared>>
          %dma_start3A_148 = arith.constant 0 : i32
          %dma_start3A_149 = arith.constant 0 : i32
          %dma_start3A_150 = tpu.memref_slice %arg9[%run_scoped3A_138, %dma_start3A_148, %dma_start3A_149] : memref<3x88x128xf32, #tpu.memory_space<vmem>> -> memref<1x88x128xf32, #tpu.memory_space<vmem>>
          %dma_start3A_151 = tpu.memref_squeeze %dma_start3A_150 : memref<1x88x128xf32, #tpu.memory_space<vmem>> -> memref<88x128xf32, #tpu.memory_space<vmem>>
          tpu.enqueue_dma source(%dma_start3A_151 : memref<88x128xf32, #tpu.memory_space<vmem>>) target(%dma_start3A_147 : memref<88x128xf32, #tpu.memory_space<vmem_shared>>) target_semaphore(%run_scoped3A_139 : memref<!tpu.dma_semaphore, #tpu.memory_space<semaphore_mem>>)
          %dma_wait3A = arith.constant 0 : i32
          %dma_wait3A_152 = arith.constant 0 : i32
          %dma_wait3A_153 = tpu.memref_slice %arg9[%run_scoped3A_138, %dma_wait3A, %dma_wait3A_152] : memref<3x88x128xf32, #tpu.memory_space<vmem>> -> memref<1x88x128xf32, #tpu.memory_space<vmem>>
          %dma_wait3A_154 = tpu.memref_squeeze %dma_wait3A_153 : memref<1x88x128xf32, #tpu.memory_space<vmem>> -> memref<88x128xf32, #tpu.memory_space<vmem>>
          %dma_wait3A_155 = arith.constant 0 : i32
          %dma_wait3A_156 = tpu.memref_slice %arg10[%add3A_137, %dma_wait3A_155] : memref<10000x128xf32, #tpu.memory_space<vmem_shared>> -> memref<88x128xf32, #tpu.memory_space<vmem_shared>>
          %dma_wait3A_157 = arith.constant 0 : i32
          %dma_wait3A_158 = tpu.memref_slice %arg10[%add3A_137, %dma_wait3A_157] : memref<10000x128xf32, #tpu.memory_space<vmem_shared>> -> memref<88x128xf32, #tpu.memory_space<vmem_shared>>
          %dma_wait3A_159 = arith.constant 0 : i32
          %dma_wait3A_160 = arith.constant 0 : i32
          %dma_wait3A_161 = tpu.memref_slice %arg9[%run_scoped3A_138, %dma_wait3A_159, %dma_wait3A_160] : memref<3x88x128xf32, #tpu.memory_space<vmem>> -> memref<1x88x128xf32, #tpu.memory_space<vmem>>
          %dma_wait3A_162 = tpu.memref_squeeze %dma_wait3A_161 : memref<1x88x128xf32, #tpu.memory_space<vmem>> -> memref<88x128xf32, #tpu.memory_space<vmem>>
          tpu.wait_dma2 semaphore(%run_scoped3A_139 : memref<!tpu.dma_semaphore, #tpu.memory_space<semaphore_mem>>) src(%dma_wait3A_162 : memref<88x128xf32, #tpu.memory_space<vmem>>) dst(%dma_wait3A_158 : memref<88x128xf32, #tpu.memory_space<vmem_shared>>)
          tpu.yield
        }) : () -> ()
      }
      %scan3A_127 = arith.constant 5 : i32
      %add3A_128 = arith.constant 440 : i32
      %add3A_129 = arith.addi %mul3A_4, %add3A_128 : i32
      %run_scoped3A = arith.constant 0 : i32
      "tpu.region"() ({
        %run_scoped3A_130 = tpu.sem_alloc : memref<!tpu.dma_semaphore, #tpu.memory_space<semaphore_mem>>
        %dma_start3A_131 = arith.constant 0 : i32
        %dma_start3A_132 = arith.constant 0 : i32
        %dma_start3A_133 = tpu.memref_slice %arg9[%run_scoped3A, %dma_start3A_131, %dma_start3A_132] : memref<3x88x128xf32, #tpu.memory_space<vmem>> -> memref<1x88x128xf32, #tpu.memory_space<vmem>>
        %dma_start3A_134 = tpu.memref_squeeze %dma_start3A_133 : memref<1x88x128xf32, #tpu.memory_space<vmem>> -> memref<88x128xf32, #tpu.memory_space<vmem>>
        %dma_start3A_135 = arith.constant 0 : i32
        %dma_start3A_136 = arith.constant 0 : i32
        %dma_start3A_137 = tpu.memref_slice %dma_start3A_134[%dma_start3A_135, %dma_start3A_136] : memref<88x128xf32, #tpu.memory_space<vmem>> -> memref<80x128xf32, #tpu.memory_space<vmem>>
        %dma_start3A_138 = arith.constant 0 : i32
        %dma_start3A_139 = tpu.memref_slice %arg10[%add3A_129, %dma_start3A_138] : memref<10000x128xf32, #tpu.memory_space<vmem_shared>> -> memref<80x128xf32, #tpu.memory_space<vmem_shared>>
        %dma_start3A_140 = arith.constant 0 : i32
        %dma_start3A_141 = tpu.memref_slice %arg10[%add3A_129, %dma_start3A_140] : memref<10000x128xf32, #tpu.memory_space<vmem_shared>> -> memref<80x128xf32, #tpu.memory_space<vmem_shared>>
        %dma_start3A_142 = arith.constant 0 : i32
        %dma_start3A_143 = arith.constant 0 : i32
        %dma_start3A_144 = tpu.memref_slice %arg9[%run_scoped3A, %dma_start3A_142, %dma_start3A_143] : memref<3x88x128xf32, #tpu.memory_space<vmem>> -> memref<1x88x128xf32, #tpu.memory_space<vmem>>
        %dma_start3A_145 = tpu.memref_squeeze %dma_start3A_144 : memref<1x88x128xf32, #tpu.memory_space<vmem>> -> memref<88x128xf32, #tpu.memory_space<vmem>>
        %dma_start3A_146 = arith.constant 0 : i32
        %dma_start3A_147 = arith.constant 0 : i32
        %dma_start3A_148 = tpu.memref_slice %dma_start3A_145[%dma_start3A_146, %dma_start3A_147] : memref<88x128xf32, #tpu.memory_space<vmem>> -> memref<80x128xf32, #tpu.memory_space<vmem>>
        tpu.enqueue_dma source(%dma_start3A_148 : memref<80x128xf32, #tpu.memory_space<vmem>>) target(%dma_start3A_141 : memref<80x128xf32, #tpu.memory_space<vmem_shared>>) target_semaphore(%run_scoped3A_130 : memref<!tpu.dma_semaphore, #tpu.memory_space<semaphore_mem>>)
        %dma_wait3A = arith.constant 0 : i32
        %dma_wait3A_149 = arith.constant 0 : i32
        %dma_wait3A_150 = tpu.memref_slice %arg9[%run_scoped3A, %dma_wait3A, %dma_wait3A_149] : memref<3x88x128xf32, #tpu.memory_space<vmem>> -> memref<1x88x128xf32, #tpu.memory_space<vmem>>
        %dma_wait3A_151 = tpu.memref_squeeze %dma_wait3A_150 : memref<1x88x128xf32, #tpu.memory_space<vmem>> -> memref<88x128xf32, #tpu.memory_space<vmem>>
        %dma_wait3A_152 = arith.constant 0 : i32
        %dma_wait3A_153 = arith.constant 0 : i32
        %dma_wait3A_154 = tpu.memref_slice %dma_wait3A_151[%dma_wait3A_152, %dma_wait3A_153] : memref<88x128xf32, #tpu.memory_space<vmem>> -> memref<80x128xf32, #tpu.memory_space<vmem>>
        %dma_wait3A_155 = arith.constant 0 : i32
        %dma_wait3A_156 = tpu.memref_slice %arg10[%add3A_129, %dma_wait3A_155] : memref<10000x128xf32, #tpu.memory_space<vmem_shared>> -> memref<80x128xf32, #tpu.memory_space<vmem_shared>>
        %dma_wait3A_157 = arith.constant 0 : i32
        %dma_wait3A_158 = tpu.memref_slice %arg10[%add3A_129, %dma_wait3A_157] : memref<10000x128xf32, #tpu.memory_space<vmem_shared>> -> memref<80x128xf32, #tpu.memory_space<vmem_shared>>
        %dma_wait3A_159 = arith.constant 0 : i32
        %dma_wait3A_160 = arith.constant 0 : i32
        %dma_wait3A_161 = tpu.memref_slice %arg9[%run_scoped3A, %dma_wait3A_159, %dma_wait3A_160] : memref<3x88x128xf32, #tpu.memory_space<vmem>> -> memref<1x88x128xf32, #tpu.memory_space<vmem>>
        %dma_wait3A_162 = tpu.memref_squeeze %dma_wait3A_161 : memref<1x88x128xf32, #tpu.memory_space<vmem>> -> memref<88x128xf32, #tpu.memory_space<vmem>>
        %dma_wait3A_163 = arith.constant 0 : i32
        %dma_wait3A_164 = arith.constant 0 : i32
        %dma_wait3A_165 = tpu.memref_slice %dma_wait3A_162[%dma_wait3A_163, %dma_wait3A_164] : memref<88x128xf32, #tpu.memory_space<vmem>> -> memref<80x128xf32, #tpu.memory_space<vmem>>
        tpu.wait_dma2 semaphore(%run_scoped3A_130 : memref<!tpu.dma_semaphore, #tpu.memory_space<semaphore_mem>>) src(%dma_wait3A_165 : memref<80x128xf32, #tpu.memory_space<vmem>>) dst(%dma_wait3A_158 : memref<80x128xf32, #tpu.memory_space<vmem_shared>>)
        tpu.yield
      }) : () -> ()
    } else {
    }
    "tpu.region"() ({
      %run_scoped3A = tpu.sem_alloc : memref<!tpu.dma_semaphore, #tpu.memory_space<semaphore_mem>>
      %dma_start3A_123 = arith.constant 0 : i32
      %dma_start3A_124 = arith.constant 0 : i32
      %dma_start3A_125 = tpu.memref_slice %arg3[%add3A, %dma_start3A_123, %dma_start3A_124] : memref<32x114x88xi32, #tpu.memory_space<hbm>> -> memref<1x114x88xi32, #tpu.memory_space<hbm>>
      %dma_start3A_126 = tpu.memref_squeeze %dma_start3A_125 : memref<1x114x88xi32, #tpu.memory_space<hbm>> -> memref<114x88xi32, #tpu.memory_space<hbm>>
      %dma_start3A_127 = arith.constant 0 : i32
      %dma_start3A_128 = arith.constant 0 : i32
      %dma_start3A_129 = tpu.memref_slice %arg3[%add3A, %dma_start3A_127, %dma_start3A_128] : memref<32x114x88xi32, #tpu.memory_space<hbm>> -> memref<1x114x88xi32, #tpu.memory_space<hbm>>
      %dma_start3A_130 = tpu.memref_squeeze %dma_start3A_129 : memref<1x114x88xi32, #tpu.memory_space<hbm>> -> memref<114x88xi32, #tpu.memory_space<hbm>>
      tpu.enqueue_dma source(%dma_start3A_130 : memref<114x88xi32, #tpu.memory_space<hbm>>) target(%arg7 : memref<114x88xi32, #tpu.memory_space<vmem>>) target_semaphore(%run_scoped3A : memref<!tpu.dma_semaphore, #tpu.memory_space<semaphore_mem>>)
      %dma_wait3A = arith.constant 0 : i32
      %dma_wait3A_131 = arith.constant 0 : i32
      %dma_wait3A_132 = tpu.memref_slice %arg3[%add3A, %dma_wait3A, %dma_wait3A_131] : memref<32x114x88xi32, #tpu.memory_space<hbm>> -> memref<1x114x88xi32, #tpu.memory_space<hbm>>
      %dma_wait3A_133 = tpu.memref_squeeze %dma_wait3A_132 : memref<1x114x88xi32, #tpu.memory_space<hbm>> -> memref<114x88xi32, #tpu.memory_space<hbm>>
      %dma_wait3A_134 = arith.constant 0 : i32
      %dma_wait3A_135 = arith.constant 0 : i32
      %dma_wait3A_136 = tpu.memref_slice %arg3[%add3A, %dma_wait3A_134, %dma_wait3A_135] : memref<32x114x88xi32, #tpu.memory_space<hbm>> -> memref<1x114x88xi32, #tpu.memory_space<hbm>>
      %dma_wait3A_137 = tpu.memref_squeeze %dma_wait3A_136 : memref<1x114x88xi32, #tpu.memory_space<hbm>> -> memref<114x88xi32, #tpu.memory_space<hbm>>
      tpu.wait_dma2 semaphore(%run_scoped3A : memref<!tpu.dma_semaphore, #tpu.memory_space<semaphore_mem>>) src(%dma_wait3A_137 : memref<114x88xi32, #tpu.memory_space<hbm>>) dst(%arg7 : memref<114x88xi32, #tpu.memory_space<vmem>>)
      tpu.yield
    }) : () -> ()
    %add3A_15 = arith.constant 0 : i32
    %add3A_16 = arith.addi %mul3A_2, %add3A_15 : i32
    %dma_start3A = arith.constant 0 : i32
    %dma_start3A_17 = arith.constant 0 : i32
    %dma_start3A_18 = arith.constant 0 : i32
    %dma_start3A_19 = tpu.memref_slice %arg8[%dma_start3A_17, %dma_start3A_18] : memref<3x88xi32, #tpu.memory_space<vmem>> -> memref<1x88xi32, #tpu.memory_space<vmem>>
    %dma_start3A_20 = tpu.memref_squeeze %dma_start3A_19 : memref<1x88xi32, #tpu.memory_space<vmem>> -> memref<88xi32, #tpu.memory_space<vmem>>
    %dma_start3A_21 = arith.constant 0 : i32
    %dma_start3A_22 = arith.constant 0 : i32
    %dma_start3A_23 = tpu.memref_slice %arg4[%add3A_16, %dma_start3A_21, %dma_start3A_22] : memref<3648x1x88xi32, #tpu.memory_space<hbm>> -> memref<1x1x88xi32, #tpu.memory_space<hbm>>
    %dma_start3A_24 = tpu.memref_squeeze %dma_start3A_23 : memref<1x1x88xi32, #tpu.memory_space<hbm>> -> memref<1x88xi32, #tpu.memory_space<hbm>>
    %dma_start3A_25 = arith.constant 0 : i32
    %dma_start3A_26 = tpu.memref_slice %dma_start3A_24[%dma_start3A, %dma_start3A_25] : memref<1x88xi32, #tpu.memory_space<hbm>> -> memref<1x88xi32, #tpu.memory_space<hbm>>
    %dma_start3A_27 = tpu.memref_squeeze %dma_start3A_26 : memref<1x88xi32, #tpu.memory_space<hbm>> -> memref<88xi32, #tpu.memory_space<hbm>>
    %dma_start3A_28 = arith.constant 0 : i32
    %dma_start3A_29 = tpu.memref_slice %arg8[%dma_start3A_17, %dma_start3A_28] : memref<3x88xi32, #tpu.memory_space<vmem>> -> memref<1x88xi32, #tpu.memory_space<vmem>>
    %dma_start3A_30 = tpu.memref_squeeze %dma_start3A_29 : memref<1x88xi32, #tpu.memory_space<vmem>> -> memref<88xi32, #tpu.memory_space<vmem>>
    %dma_start3A_31 = arith.constant 0 : i32
    %dma_start3A_32 = arith.constant 0 : i32
    %dma_start3A_33 = tpu.memref_slice %arg4[%add3A_16, %dma_start3A_31, %dma_start3A_32] : memref<3648x1x88xi32, #tpu.memory_space<hbm>> -> memref<1x1x88xi32, #tpu.memory_space<hbm>>
    %dma_start3A_34 = tpu.memref_squeeze %dma_start3A_33 : memref<1x1x88xi32, #tpu.memory_space<hbm>> -> memref<1x88xi32, #tpu.memory_space<hbm>>
    %dma_start3A_35 = arith.constant 0 : i32
    %dma_start3A_36 = tpu.memref_slice %dma_start3A_34[%dma_start3A, %dma_start3A_35] : memref<1x88xi32, #tpu.memory_space<hbm>> -> memref<1x88xi32, #tpu.memory_space<hbm>>
    %dma_start3A_37 = tpu.memref_squeeze %dma_start3A_36 : memref<1x88xi32, #tpu.memory_space<hbm>> -> memref<88xi32, #tpu.memory_space<hbm>>
    tpu.enqueue_dma source(%dma_start3A_37 : memref<88xi32, #tpu.memory_space<hbm>>) target(%dma_start3A_30 : memref<88xi32, #tpu.memory_space<vmem>>) target_semaphore(%arg14 : memref<!tpu.dma_semaphore, #tpu.memory_space<semaphore_mem>>)
    %dma_start3A_38 = arith.constant 0 : i32
    %dma_start3A_39 = arith.constant 0 : i32
    %dma_start3A_40 = arith.constant 0 : i32
    %dma_start3A_41 = arith.constant 0 : i32
    %dma_start3A_42 = tpu.memref_slice %arg9[%dma_start3A_39, %dma_start3A_40, %dma_start3A_41] : memref<3x88x128xf32, #tpu.memory_space<vmem>> -> memref<1x88x128xf32, #tpu.memory_space<vmem>>
    %dma_start3A_43 = tpu.memref_squeeze %dma_start3A_42 : memref<1x88x128xf32, #tpu.memory_space<vmem>> -> memref<88x128xf32, #tpu.memory_space<vmem>>
    %dma_start3A_44 = arith.constant 0 : i32
    %dma_start3A_45 = tpu.memref_slice %arg7[%dma_start3A_38, %dma_start3A_44] : memref<114x88xi32, #tpu.memory_space<vmem>> -> memref<1x88xi32, #tpu.memory_space<vmem>>
    %dma_start3A_46 = tpu.memref_squeeze %dma_start3A_45 : memref<1x88xi32, #tpu.memory_space<vmem>> -> memref<88xi32, #tpu.memory_space<vmem>>
    %dma_start3A_47 = arith.constant 0 : i32
    %dma_start3A_48 = arith.constant 0 : i32
    %dma_start3A_49 = tpu.memref_slice %arg2[%dma_start3A_47, %dma_start3A_48] : memref<10016x128xf32, #tpu.memory_space<hbm>> -> memref<10016x128xf32, #tpu.memory_space<hbm>>
    tpu.enqueue_indirect_dma source(%dma_start3A_49 : memref<10016x128xf32, #tpu.memory_space<hbm>>) target(%dma_start3A_43 : memref<88x128xf32, #tpu.memory_space<vmem>>) offsets(%dma_start3A_46 : memref<88xi32, #tpu.memory_space<vmem>>) semaphore(%arg11 : memref<!tpu.dma_semaphore, #tpu.memory_space<semaphore_mem>>)
    %add3A_50 = arith.constant 1 : i32
    %add3A_51 = arith.addi %mul3A_2, %add3A_50 : i32
    %dma_start3A_52 = arith.constant 0 : i32
    %dma_start3A_53 = arith.constant 1 : i32
    %dma_start3A_54 = arith.constant 0 : i32
    %dma_start3A_55 = tpu.memref_slice %arg8[%dma_start3A_53, %dma_start3A_54] : memref<3x88xi32, #tpu.memory_space<vmem>> -> memref<1x88xi32, #tpu.memory_space<vmem>>
    %dma_start3A_56 = tpu.memref_squeeze %dma_start3A_55 : memref<1x88xi32, #tpu.memory_space<vmem>> -> memref<88xi32, #tpu.memory_space<vmem>>
    %dma_start3A_57 = arith.constant 0 : i32
    %dma_start3A_58 = arith.constant 0 : i32
    %dma_start3A_59 = tpu.memref_slice %arg4[%add3A_51, %dma_start3A_57, %dma_start3A_58] : memref<3648x1x88xi32, #tpu.memory_space<hbm>> -> memref<1x1x88xi32, #tpu.memory_space<hbm>>
    %dma_start3A_60 = tpu.memref_squeeze %dma_start3A_59 : memref<1x1x88xi32, #tpu.memory_space<hbm>> -> memref<1x88xi32, #tpu.memory_space<hbm>>
    %dma_start3A_61 = arith.constant 0 : i32
    %dma_start3A_62 = tpu.memref_slice %dma_start3A_60[%dma_start3A_52, %dma_start3A_61] : memref<1x88xi32, #tpu.memory_space<hbm>> -> memref<1x88xi32, #tpu.memory_space<hbm>>
    %dma_start3A_63 = tpu.memref_squeeze %dma_start3A_62 : memref<1x88xi32, #tpu.memory_space<hbm>> -> memref<88xi32, #tpu.memory_space<hbm>>
    %dma_start3A_64 = arith.constant 0 : i32
    %dma_start3A_65 = tpu.memref_slice %arg8[%dma_start3A_53, %dma_start3A_64] : memref<3x88xi32, #tpu.memory_space<vmem>> -> memref<1x88xi32, #tpu.memory_space<vmem>>
    %dma_start3A_66 = tpu.memref_squeeze %dma_start3A_65 : memref<1x88xi32, #tpu.memory_space<vmem>> -> memref<88xi32, #tpu.memory_space<vmem>>
    %dma_start3A_67 = arith.constant 0 : i32
    %dma_start3A_68 = arith.constant 0 : i32
    %dma_start3A_69 = tpu.memref_slice %arg4[%add3A_51, %dma_start3A_67, %dma_start3A_68] : memref<3648x1x88xi32, #tpu.memory_space<hbm>> -> memref<1x1x88xi32, #tpu.memory_space<hbm>>
    %dma_start3A_70 = tpu.memref_squeeze %dma_start3A_69 : memref<1x1x88xi32, #tpu.memory_space<hbm>> -> memref<1x88xi32, #tpu.memory_space<hbm>>
    %dma_start3A_71 = arith.constant 0 : i32
    %dma_start3A_72 = tpu.memref_slice %dma_start3A_70[%dma_start3A_52, %dma_start3A_71] : memref<1x88xi32, #tpu.memory_space<hbm>> -> memref<1x88xi32, #tpu.memory_space<hbm>>
    %dma_start3A_73 = tpu.memref_squeeze %dma_start3A_72 : memref<1x88xi32, #tpu.memory_space<hbm>> -> memref<88xi32, #tpu.memory_space<hbm>>
    tpu.enqueue_dma source(%dma_start3A_73 : memref<88xi32, #tpu.memory_space<hbm>>) target(%dma_start3A_66 : memref<88xi32, #tpu.memory_space<vmem>>) target_semaphore(%arg15 : memref<!tpu.dma_semaphore, #tpu.memory_space<semaphore_mem>>)
    %dma_start3A_74 = arith.constant 1 : i32
    %dma_start3A_75 = arith.constant 1 : i32
    %dma_start3A_76 = arith.constant 0 : i32
    %dma_start3A_77 = arith.constant 0 : i32
    %dma_start3A_78 = tpu.memref_slice %arg9[%dma_start3A_75, %dma_start3A_76, %dma_start3A_77] : memref<3x88x128xf32, #tpu.memory_space<vmem>> -> memref<1x88x128xf32, #tpu.memory_space<vmem>>
    %dma_start3A_79 = tpu.memref_squeeze %dma_start3A_78 : memref<1x88x128xf32, #tpu.memory_space<vmem>> -> memref<88x128xf32, #tpu.memory_space<vmem>>
    %dma_start3A_80 = arith.constant 0 : i32
    %dma_start3A_81 = tpu.memref_slice %arg7[%dma_start3A_74, %dma_start3A_80] : memref<114x88xi32, #tpu.memory_space<vmem>> -> memref<1x88xi32, #tpu.memory_space<vmem>>
    %dma_start3A_82 = tpu.memref_squeeze %dma_start3A_81 : memref<1x88xi32, #tpu.memory_space<vmem>> -> memref<88xi32, #tpu.memory_space<vmem>>
    %dma_start3A_83 = arith.constant 0 : i32
    %dma_start3A_84 = arith.constant 0 : i32
    %dma_start3A_85 = tpu.memref_slice %arg2[%dma_start3A_83, %dma_start3A_84] : memref<10016x128xf32, #tpu.memory_space<hbm>> -> memref<10016x128xf32, #tpu.memory_space<hbm>>
    tpu.enqueue_indirect_dma source(%dma_start3A_85 : memref<10016x128xf32, #tpu.memory_space<hbm>>) target(%dma_start3A_79 : memref<88x128xf32, #tpu.memory_space<vmem>>) offsets(%dma_start3A_82 : memref<88xi32, #tpu.memory_space<vmem>>) semaphore(%arg12 : memref<!tpu.dma_semaphore, #tpu.memory_space<semaphore_mem>>)
    %barrier3A = arith.constant 0 : index
    tpu.barrier barrier_id(%barrier3A)
    %scan3A_86 = arith.constant 0 : i32
    %scan3A_87 = arith.constant 38 : i32
    %scan3A_88 = arith.addi %scan3A_86, %scan3A_87 : i32
    %scan3A_89 = arith.constant 1 : i32
    scf.for %scan3A_123 = %scan3A_86 to %scan3A_88 step %scan3A_89  : i32 {
      %mul3A_124 = arith.constant 3 : i32
      %mul3A_125 = arith.muli %scan3A_123, %mul3A_124 : i32
      %add3A_126 = arith.constant 0 : i32
      %add3A_127 = arith.addi %add3A_126, %mul3A_125 : i32
      %add3A_128 = arith.constant 0 : i32
      %add3A_129 = arith.addi %add3A_127, %add3A_128 : i32
      %dma_wait3A = arith.constant 0 : i32
      %dma_wait3A_130 = arith.constant 0 : i32
      %dma_wait3A_131 = arith.constant 0 : i32
      %dma_wait3A_132 = tpu.memref_slice %arg9[%dma_wait3A, %dma_wait3A_130, %dma_wait3A_131] : memref<3x88x128xf32, #tpu.memory_space<vmem>> -> memref<1x88x128xf32, #tpu.memory_space<vmem>>
      %dma_wait3A_133 = tpu.memref_squeeze %dma_wait3A_132 : memref<1x88x128xf32, #tpu.memory_space<vmem>> -> memref<88x128xf32, #tpu.memory_space<vmem>>
      %dma_wait3A_134 = arith.constant 0 : i32
      %dma_wait3A_135 = tpu.memref_slice %arg7[%add3A_129, %dma_wait3A_134] : memref<114x88xi32, #tpu.memory_space<vmem>> -> memref<1x88xi32, #tpu.memory_space<vmem>>
      %dma_wait3A_136 = tpu.memref_squeeze %dma_wait3A_135 : memref<1x88xi32, #tpu.memory_space<vmem>> -> memref<88xi32, #tpu.memory_space<vmem>>
      %dma_wait3A_137 = arith.constant 0 : i32
      %dma_wait3A_138 = arith.constant 0 : i32
      %dma_wait3A_139 = tpu.memref_slice %arg2[%dma_wait3A_137, %dma_wait3A_138] : memref<10016x128xf32, #tpu.memory_space<hbm>> -> memref<10016x128xf32, #tpu.memory_space<hbm>>
      tpu.wait_indirect_dma semaphore(%arg11 : memref<!tpu.dma_semaphore, #tpu.memory_space<semaphore_mem>>) src(%dma_wait3A_139 : memref<10016x128xf32, #tpu.memory_space<hbm>>) dst(%dma_wait3A_133 : memref<88x128xf32, #tpu.memory_space<vmem>>)
      %add3A_140 = arith.constant 2 : i32
      %add3A_141 = arith.addi %add3A_129, %add3A_140 : i32
      %lt3A_142 = arith.constant 114 : i32
      %lt3A_143 = arith.cmpi slt, %add3A_141, %lt3A_142 : i32
      %convert_element_type3A_144 = arith.extui %lt3A_143 : i1 to i32
      %cond3A_145 = arith.constant 0 : i32
      %cond3A_146 = arith.cmpi ne, %convert_element_type3A_144, %cond3A_145 : i32
      scf.if %cond3A_146 {
        %add3A_282 = arith.constant 2 : i32
        %add3A_283 = arith.addi %add3A_129, %add3A_282 : i32
        %dma_start3A_284 = arith.constant 2 : i32
        %dma_start3A_285 = arith.constant 0 : i32
        %dma_start3A_286 = arith.constant 0 : i32
        %dma_start3A_287 = tpu.memref_slice %arg9[%dma_start3A_284, %dma_start3A_285, %dma_start3A_286] : memref<3x88x128xf32, #tpu.memory_space<vmem>> -> memref<1x88x128xf32, #tpu.memory_space<vmem>>
        %dma_start3A_288 = tpu.memref_squeeze %dma_start3A_287 : memref<1x88x128xf32, #tpu.memory_space<vmem>> -> memref<88x128xf32, #tpu.memory_space<vmem>>
        %dma_start3A_289 = arith.constant 0 : i32
        %dma_start3A_290 = tpu.memref_slice %arg7[%add3A_283, %dma_start3A_289] : memref<114x88xi32, #tpu.memory_space<vmem>> -> memref<1x88xi32, #tpu.memory_space<vmem>>
        %dma_start3A_291 = tpu.memref_squeeze %dma_start3A_290 : memref<1x88xi32, #tpu.memory_space<vmem>> -> memref<88xi32, #tpu.memory_space<vmem>>
        %dma_start3A_292 = arith.constant 0 : i32
        %dma_start3A_293 = arith.constant 0 : i32
        %dma_start3A_294 = tpu.memref_slice %arg2[%dma_start3A_292, %dma_start3A_293] : memref<10016x128xf32, #tpu.memory_space<hbm>> -> memref<10016x128xf32, #tpu.memory_space<hbm>>
        tpu.enqueue_indirect_dma source(%dma_start3A_294 : memref<10016x128xf32, #tpu.memory_space<hbm>>) target(%dma_start3A_288 : memref<88x128xf32, #tpu.memory_space<vmem>>) offsets(%dma_start3A_291 : memref<88xi32, #tpu.memory_space<vmem>>) semaphore(%arg13 : memref<!tpu.dma_semaphore, #tpu.memory_space<semaphore_mem>>)
      } else {
      }
      %add3A_147 = arith.addi %mul3A_2, %add3A_129 : i32
      %dma_wait3A_148 = arith.constant 0 : i32
      %dma_wait3A_149 = arith.constant 0 : i32
      %dma_wait3A_150 = arith.constant 0 : i32
      %dma_wait3A_151 = tpu.memref_slice %arg8[%dma_wait3A_149, %dma_wait3A_150] : memref<3x88xi32, #tpu.memory_space<vmem>> -> memref<1x88xi32, #tpu.memory_space<vmem>>
      %dma_wait3A_152 = tpu.memref_squeeze %dma_wait3A_151 : memref<1x88xi32, #tpu.memory_space<vmem>> -> memref<88xi32, #tpu.memory_space<vmem>>
      %dma_wait3A_153 = arith.constant 0 : i32
      %dma_wait3A_154 = arith.constant 0 : i32
      %dma_wait3A_155 = tpu.memref_slice %arg4[%add3A_147, %dma_wait3A_153, %dma_wait3A_154] : memref<3648x1x88xi32, #tpu.memory_space<hbm>> -> memref<1x1x88xi32, #tpu.memory_space<hbm>>
      %dma_wait3A_156 = tpu.memref_squeeze %dma_wait3A_155 : memref<1x1x88xi32, #tpu.memory_space<hbm>> -> memref<1x88xi32, #tpu.memory_space<hbm>>
      %dma_wait3A_157 = arith.constant 0 : i32
      %dma_wait3A_158 = tpu.memref_slice %dma_wait3A_156[%dma_wait3A_148, %dma_wait3A_157] : memref<1x88xi32, #tpu.memory_space<hbm>> -> memref<1x88xi32, #tpu.memory_space<hbm>>
      %dma_wait3A_159 = tpu.memref_squeeze %dma_wait3A_158 : memref<1x88xi32, #tpu.memory_space<hbm>> -> memref<88xi32, #tpu.memory_space<hbm>>
      %dma_wait3A_160 = arith.constant 0 : i32
      %dma_wait3A_161 = tpu.memref_slice %arg8[%dma_wait3A_149, %dma_wait3A_160] : memref<3x88xi32, #tpu.memory_space<vmem>> -> memref<1x88xi32, #tpu.memory_space<vmem>>
      %dma_wait3A_162 = tpu.memref_squeeze %dma_wait3A_161 : memref<1x88xi32, #tpu.memory_space<vmem>> -> memref<88xi32, #tpu.memory_space<vmem>>
      %dma_wait3A_163 = arith.constant 0 : i32
      %dma_wait3A_164 = arith.constant 0 : i32
      %dma_wait3A_165 = tpu.memref_slice %arg4[%add3A_147, %dma_wait3A_163, %dma_wait3A_164] : memref<3648x1x88xi32, #tpu.memory_space<hbm>> -> memref<1x1x88xi32, #tpu.memory_space<hbm>>
      %dma_wait3A_166 = tpu.memref_squeeze %dma_wait3A_165 : memref<1x1x88xi32, #tpu.memory_space<hbm>> -> memref<1x88xi32, #tpu.memory_space<hbm>>
      %dma_wait3A_167 = arith.constant 0 : i32
      %dma_wait3A_168 = tpu.memref_slice %dma_wait3A_166[%dma_wait3A_148, %dma_wait3A_167] : memref<1x88xi32, #tpu.memory_space<hbm>> -> memref<1x88xi32, #tpu.memory_space<hbm>>
      %dma_wait3A_169 = tpu.memref_squeeze %dma_wait3A_168 : memref<1x88xi32, #tpu.memory_space<hbm>> -> memref<88xi32, #tpu.memory_space<hbm>>
      tpu.wait_dma2 semaphore(%arg14 : memref<!tpu.dma_semaphore, #tpu.memory_space<semaphore_mem>>) src(%dma_wait3A_169 : memref<88xi32, #tpu.memory_space<hbm>>) dst(%dma_wait3A_162 : memref<88xi32, #tpu.memory_space<vmem>>)
      %run_scoped3A = arith.constant 0 : i32
      %run_scoped3A_170 = arith.constant 0 : i32
      "tpu.region"() ({
        %run_scoped3A_282 = tpu.sem_alloc : memref<!tpu.dma_semaphore, #tpu.memory_space<semaphore_mem>>
        %dma_start3A_283 = arith.constant 0 : i32
        %dma_start3A_284 = arith.constant 0 : i32
        %dma_start3A_285 = tpu.memref_slice %arg9[%run_scoped3A, %dma_start3A_283, %dma_start3A_284] : memref<3x88x128xf32, #tpu.memory_space<vmem>> -> memref<1x88x128xf32, #tpu.memory_space<vmem>>
        %dma_start3A_286 = tpu.memref_squeeze %dma_start3A_285 : memref<1x88x128xf32, #tpu.memory_space<vmem>> -> memref<88x128xf32, #tpu.memory_space<vmem>>
        %dma_start3A_287 = arith.constant 0 : i32
        %dma_start3A_288 = tpu.memref_slice %arg8[%run_scoped3A_170, %dma_start3A_287] : memref<3x88xi32, #tpu.memory_space<vmem>> -> memref<1x88xi32, #tpu.memory_space<vmem>>
        %dma_start3A_289 = tpu.memref_squeeze %dma_start3A_288 : memref<1x88xi32, #tpu.memory_space<vmem>> -> memref<88xi32, #tpu.memory_space<vmem>>
        %dma_start3A_290 = arith.constant 0 : i32
        %dma_start3A_291 = arith.constant 0 : i32
        %dma_start3A_292 = tpu.memref_slice %arg10[%dma_start3A_290, %dma_start3A_291] : memref<10000x128xf32, #tpu.memory_space<vmem_shared>> -> memref<10000x128xf32, #tpu.memory_space<vmem_shared>>
        tpu.enqueue_indirect_dma source(%dma_start3A_286 : memref<88x128xf32, #tpu.memory_space<vmem>>) target(%dma_start3A_292 : memref<10000x128xf32, #tpu.memory_space<vmem_shared>>) offsets(%dma_start3A_289 : memref<88xi32, #tpu.memory_space<vmem>>) semaphore(%run_scoped3A_282 : memref<!tpu.dma_semaphore, #tpu.memory_space<semaphore_mem>>) {add = true}
        %dma_wait3A_293 = arith.constant 0 : i32
        %dma_wait3A_294 = arith.constant 0 : i32
        %dma_wait3A_295 = tpu.memref_slice %arg9[%run_scoped3A, %dma_wait3A_293, %dma_wait3A_294] : memref<3x88x128xf32, #tpu.memory_space<vmem>> -> memref<1x88x128xf32, #tpu.memory_space<vmem>>
        %dma_wait3A_296 = tpu.memref_squeeze %dma_wait3A_295 : memref<1x88x128xf32, #tpu.memory_space<vmem>> -> memref<88x128xf32, #tpu.memory_space<vmem>>
        %dma_wait3A_297 = arith.constant 0 : i32
        %dma_wait3A_298 = tpu.memref_slice %arg8[%run_scoped3A_170, %dma_wait3A_297] : memref<3x88xi32, #tpu.memory_space<vmem>> -> memref<1x88xi32, #tpu.memory_space<vmem>>
        %dma_wait3A_299 = tpu.memref_squeeze %dma_wait3A_298 : memref<1x88xi32, #tpu.memory_space<vmem>> -> memref<88xi32, #tpu.memory_space<vmem>>
        %dma_wait3A_300 = arith.constant 0 : i32
        %dma_wait3A_301 = arith.constant 0 : i32
        %dma_wait3A_302 = tpu.memref_slice %arg10[%dma_wait3A_300, %dma_wait3A_301] : memref<10000x128xf32, #tpu.memory_space<vmem_shared>> -> memref<10000x128xf32, #tpu.memory_space<vmem_shared>>
        tpu.wait_indirect_dma semaphore(%run_scoped3A_282 : memref<!tpu.dma_semaphore, #tpu.memory_space<semaphore_mem>>) src(%dma_wait3A_296 : memref<88x128xf32, #tpu.memory_space<vmem>>) dst(%dma_wait3A_302 : memref<10000x128xf32, #tpu.memory_space<vmem_shared>>)
        tpu.yield
      }) : () -> ()
      %add3A_171 = arith.constant 2 : i32
      %add3A_172 = arith.addi %add3A_129, %add3A_171 : i32
      %lt3A_173 = arith.constant 114 : i32
      %lt3A_174 = arith.cmpi slt, %add3A_172, %lt3A_173 : i32
      %convert_element_type3A_175 = arith.extui %lt3A_174 : i1 to i32
      %cond3A_176 = arith.constant 0 : i32
      %cond3A_177 = arith.cmpi ne, %convert_element_type3A_175, %cond3A_176 : i32
      scf.if %cond3A_177 {
        %add3A_282 = arith.addi %mul3A_2, %add3A_129 : i32
        %add3A_283 = arith.constant 2 : i32
        %add3A_284 = arith.addi %add3A_282, %add3A_283 : i32
        %dma_start3A_285 = arith.constant 0 : i32
        %dma_start3A_286 = arith.constant 2 : i32
        %dma_start3A_287 = arith.constant 0 : i32
        %dma_start3A_288 = tpu.memref_slice %arg8[%dma_start3A_286, %dma_start3A_287] : memref<3x88xi32, #tpu.memory_space<vmem>> -> memref<1x88xi32, #tpu.memory_space<vmem>>
        %dma_start3A_289 = tpu.memref_squeeze %dma_start3A_288 : memref<1x88xi32, #tpu.memory_space<vmem>> -> memref<88xi32, #tpu.memory_space<vmem>>
        %dma_start3A_290 = arith.constant 0 : i32
        %dma_start3A_291 = arith.constant 0 : i32
        %dma_start3A_292 = tpu.memref_slice %arg4[%add3A_284, %dma_start3A_290, %dma_start3A_291] : memref<3648x1x88xi32, #tpu.memory_space<hbm>> -> memref<1x1x88xi32, #tpu.memory_space<hbm>>
        %dma_start3A_293 = tpu.memref_squeeze %dma_start3A_292 : memref<1x1x88xi32, #tpu.memory_space<hbm>> -> memref<1x88xi32, #tpu.memory_space<hbm>>
        %dma_start3A_294 = arith.constant 0 : i32
        %dma_start3A_295 = tpu.memref_slice %dma_start3A_293[%dma_start3A_285, %dma_start3A_294] : memref<1x88xi32, #tpu.memory_space<hbm>> -> memref<1x88xi32, #tpu.memory_space<hbm>>
        %dma_start3A_296 = tpu.memref_squeeze %dma_start3A_295 : memref<1x88xi32, #tpu.memory_space<hbm>> -> memref<88xi32, #tpu.memory_space<hbm>>
        %dma_start3A_297 = arith.constant 0 : i32
        %dma_start3A_298 = tpu.memref_slice %arg8[%dma_start3A_286, %dma_start3A_297] : memref<3x88xi32, #tpu.memory_space<vmem>> -> memref<1x88xi32, #tpu.memory_space<vmem>>
        %dma_start3A_299 = tpu.memref_squeeze %dma_start3A_298 : memref<1x88xi32, #tpu.memory_space<vmem>> -> memref<88xi32, #tpu.memory_space<vmem>>
        %dma_start3A_300 = arith.constant 0 : i32
        %dma_start3A_301 = arith.constant 0 : i32
        %dma_start3A_302 = tpu.memref_slice %arg4[%add3A_284, %dma_start3A_300, %dma_start3A_301] : memref<3648x1x88xi32, #tpu.memory_space<hbm>> -> memref<1x1x88xi32, #tpu.memory_space<hbm>>
        %dma_start3A_303 = tpu.memref_squeeze %dma_start3A_302 : memref<1x1x88xi32, #tpu.memory_space<hbm>> -> memref<1x88xi32, #tpu.memory_space<hbm>>
        %dma_start3A_304 = arith.constant 0 : i32
        %dma_start3A_305 = tpu.memref_slice %dma_start3A_303[%dma_start3A_285, %dma_start3A_304] : memref<1x88xi32, #tpu.memory_space<hbm>> -> memref<1x88xi32, #tpu.memory_space<hbm>>
        %dma_start3A_306 = tpu.memref_squeeze %dma_start3A_305 : memref<1x88xi32, #tpu.memory_space<hbm>> -> memref<88xi32, #tpu.memory_space<hbm>>
        tpu.enqueue_dma source(%dma_start3A_306 : memref<88xi32, #tpu.memory_space<hbm>>) target(%dma_start3A_299 : memref<88xi32, #tpu.memory_space<vmem>>) target_semaphore(%arg16 : memref<!tpu.dma_semaphore, #tpu.memory_space<semaphore_mem>>)
      } else {
      }
      %add3A_178 = arith.constant 1 : i32
      %add3A_179 = arith.addi %add3A_127, %add3A_178 : i32
      %dma_wait3A_180 = arith.constant 1 : i32
      %dma_wait3A_181 = arith.constant 0 : i32
      %dma_wait3A_182 = arith.constant 0 : i32
      %dma_wait3A_183 = tpu.memref_slice %arg9[%dma_wait3A_180, %dma_wait3A_181, %dma_wait3A_182] : memref<3x88x128xf32, #tpu.memory_space<vmem>> -> memref<1x88x128xf32, #tpu.memory_space<vmem>>
      %dma_wait3A_184 = tpu.memref_squeeze %dma_wait3A_183 : memref<1x88x128xf32, #tpu.memory_space<vmem>> -> memref<88x128xf32, #tpu.memory_space<vmem>>
      %dma_wait3A_185 = arith.constant 0 : i32
      %dma_wait3A_186 = tpu.memref_slice %arg7[%add3A_179, %dma_wait3A_185] : memref<114x88xi32, #tpu.memory_space<vmem>> -> memref<1x88xi32, #tpu.memory_space<vmem>>
      %dma_wait3A_187 = tpu.memref_squeeze %dma_wait3A_186 : memref<1x88xi32, #tpu.memory_space<vmem>> -> memref<88xi32, #tpu.memory_space<vmem>>
      %dma_wait3A_188 = arith.constant 0 : i32
      %dma_wait3A_189 = arith.constant 0 : i32
      %dma_wait3A_190 = tpu.memref_slice %arg2[%dma_wait3A_188, %dma_wait3A_189] : memref<10016x128xf32, #tpu.memory_space<hbm>> -> memref<10016x128xf32, #tpu.memory_space<hbm>>
      tpu.wait_indirect_dma semaphore(%arg12 : memref<!tpu.dma_semaphore, #tpu.memory_space<semaphore_mem>>) src(%dma_wait3A_190 : memref<10016x128xf32, #tpu.memory_space<hbm>>) dst(%dma_wait3A_184 : memref<88x128xf32, #tpu.memory_space<vmem>>)
      %add3A_191 = arith.constant 2 : i32
      %add3A_192 = arith.addi %add3A_179, %add3A_191 : i32
      %lt3A_193 = arith.constant 114 : i32
      %lt3A_194 = arith.cmpi slt, %add3A_192, %lt3A_193 : i32
      %convert_element_type3A_195 = arith.extui %lt3A_194 : i1 to i32
      %cond3A_196 = arith.constant 0 : i32
      %cond3A_197 = arith.cmpi ne, %convert_element_type3A_195, %cond3A_196 : i32
      scf.if %cond3A_197 {
        %add3A_282 = arith.constant 2 : i32
        %add3A_283 = arith.addi %add3A_179, %add3A_282 : i32
        %dma_start3A_284 = arith.constant 0 : i32
        %dma_start3A_285 = arith.constant 0 : i32
        %dma_start3A_286 = arith.constant 0 : i32
        %dma_start3A_287 = tpu.memref_slice %arg9[%dma_start3A_284, %dma_start3A_285, %dma_start3A_286] : memref<3x88x128xf32, #tpu.memory_space<vmem>> -> memref<1x88x128xf32, #tpu.memory_space<vmem>>
        %dma_start3A_288 = tpu.memref_squeeze %dma_start3A_287 : memref<1x88x128xf32, #tpu.memory_space<vmem>> -> memref<88x128xf32, #tpu.memory_space<vmem>>
        %dma_start3A_289 = arith.constant 0 : i32
        %dma_start3A_290 = tpu.memref_slice %arg7[%add3A_283, %dma_start3A_289] : memref<114x88xi32, #tpu.memory_space<vmem>> -> memref<1x88xi32, #tpu.memory_space<vmem>>
        %dma_start3A_291 = tpu.memref_squeeze %dma_start3A_290 : memref<1x88xi32, #tpu.memory_space<vmem>> -> memref<88xi32, #tpu.memory_space<vmem>>
        %dma_start3A_292 = arith.constant 0 : i32
        %dma_start3A_293 = arith.constant 0 : i32
        %dma_start3A_294 = tpu.memref_slice %arg2[%dma_start3A_292, %dma_start3A_293] : memref<10016x128xf32, #tpu.memory_space<hbm>> -> memref<10016x128xf32, #tpu.memory_space<hbm>>
        tpu.enqueue_indirect_dma source(%dma_start3A_294 : memref<10016x128xf32, #tpu.memory_space<hbm>>) target(%dma_start3A_288 : memref<88x128xf32, #tpu.memory_space<vmem>>) offsets(%dma_start3A_291 : memref<88xi32, #tpu.memory_space<vmem>>) semaphore(%arg11 : memref<!tpu.dma_semaphore, #tpu.memory_space<semaphore_mem>>)
      } else {
      }
      %add3A_198 = arith.addi %mul3A_2, %add3A_179 : i32
      %dma_wait3A_199 = arith.constant 0 : i32
      %dma_wait3A_200 = arith.constant 1 : i32
      %dma_wait3A_201 = arith.constant 0 : i32
      %dma_wait3A_202 = tpu.memref_slice %arg8[%dma_wait3A_200, %dma_wait3A_201] : memref<3x88xi32, #tpu.memory_space<vmem>> -> memref<1x88xi32, #tpu.memory_space<vmem>>
      %dma_wait3A_203 = tpu.memref_squeeze %dma_wait3A_202 : memref<1x88xi32, #tpu.memory_space<vmem>> -> memref<88xi32, #tpu.memory_space<vmem>>
      %dma_wait3A_204 = arith.constant 0 : i32
      %dma_wait3A_205 = arith.constant 0 : i32
      %dma_wait3A_206 = tpu.memref_slice %arg4[%add3A_198, %dma_wait3A_204, %dma_wait3A_205] : memref<3648x1x88xi32, #tpu.memory_space<hbm>> -> memref<1x1x88xi32, #tpu.memory_space<hbm>>
      %dma_wait3A_207 = tpu.memref_squeeze %dma_wait3A_206 : memref<1x1x88xi32, #tpu.memory_space<hbm>> -> memref<1x88xi32, #tpu.memory_space<hbm>>
      %dma_wait3A_208 = arith.constant 0 : i32
      %dma_wait3A_209 = tpu.memref_slice %dma_wait3A_207[%dma_wait3A_199, %dma_wait3A_208] : memref<1x88xi32, #tpu.memory_space<hbm>> -> memref<1x88xi32, #tpu.memory_space<hbm>>
      %dma_wait3A_210 = tpu.memref_squeeze %dma_wait3A_209 : memref<1x88xi32, #tpu.memory_space<hbm>> -> memref<88xi32, #tpu.memory_space<hbm>>
      %dma_wait3A_211 = arith.constant 0 : i32
      %dma_wait3A_212 = tpu.memref_slice %arg8[%dma_wait3A_200, %dma_wait3A_211] : memref<3x88xi32, #tpu.memory_space<vmem>> -> memref<1x88xi32, #tpu.memory_space<vmem>>
      %dma_wait3A_213 = tpu.memref_squeeze %dma_wait3A_212 : memref<1x88xi32, #tpu.memory_space<vmem>> -> memref<88xi32, #tpu.memory_space<vmem>>
      %dma_wait3A_214 = arith.constant 0 : i32
      %dma_wait3A_215 = arith.constant 0 : i32
      %dma_wait3A_216 = tpu.memref_slice %arg4[%add3A_198, %dma_wait3A_214, %dma_wait3A_215] : memref<3648x1x88xi32, #tpu.memory_space<hbm>> -> memref<1x1x88xi32, #tpu.memory_space<hbm>>
      %dma_wait3A_217 = tpu.memref_squeeze %dma_wait3A_216 : memref<1x1x88xi32, #tpu.memory_space<hbm>> -> memref<1x88xi32, #tpu.memory_space<hbm>>
      %dma_wait3A_218 = arith.constant 0 : i32
      %dma_wait3A_219 = tpu.memref_slice %dma_wait3A_217[%dma_wait3A_199, %dma_wait3A_218] : memref<1x88xi32, #tpu.memory_space<hbm>> -> memref<1x88xi32, #tpu.memory_space<hbm>>
      %dma_wait3A_220 = tpu.memref_squeeze %dma_wait3A_219 : memref<1x88xi32, #tpu.memory_space<hbm>> -> memref<88xi32, #tpu.memory_space<hbm>>
      tpu.wait_dma2 semaphore(%arg15 : memref<!tpu.dma_semaphore, #tpu.memory_space<semaphore_mem>>) src(%dma_wait3A_220 : memref<88xi32, #tpu.memory_space<hbm>>) dst(%dma_wait3A_213 : memref<88xi32, #tpu.memory_space<vmem>>)
      %run_scoped3A_221 = arith.constant 1 : i32
      %run_scoped3A_222 = arith.constant 1 : i32
      "tpu.region"() ({
        %run_scoped3A_282 = tpu.sem_alloc : memref<!tpu.dma_semaphore, #tpu.memory_space<semaphore_mem>>
        %dma_start3A_283 = arith.constant 0 : i32
        %dma_start3A_284 = arith.constant 0 : i32
        %dma_start3A_285 = tpu.memref_slice %arg9[%run_scoped3A_221, %dma_start3A_283, %dma_start3A_284] : memref<3x88x128xf32, #tpu.memory_space<vmem>> -> memref<1x88x128xf32, #tpu.memory_space<vmem>>
        %dma_start3A_286 = tpu.memref_squeeze %dma_start3A_285 : memref<1x88x128xf32, #tpu.memory_space<vmem>> -> memref<88x128xf32, #tpu.memory_space<vmem>>
        %dma_start3A_287 = arith.constant 0 : i32
        %dma_start3A_288 = tpu.memref_slice %arg8[%run_scoped3A_222, %dma_start3A_287] : memref<3x88xi32, #tpu.memory_space<vmem>> -> memref<1x88xi32, #tpu.memory_space<vmem>>
        %dma_start3A_289 = tpu.memref_squeeze %dma_start3A_288 : memref<1x88xi32, #tpu.memory_space<vmem>> -> memref<88xi32, #tpu.memory_space<vmem>>
        %dma_start3A_290 = arith.constant 0 : i32
        %dma_start3A_291 = arith.constant 0 : i32
        %dma_start3A_292 = tpu.memref_slice %arg10[%dma_start3A_290, %dma_start3A_291] : memref<10000x128xf32, #tpu.memory_space<vmem_shared>> -> memref<10000x128xf32, #tpu.memory_space<vmem_shared>>
        tpu.enqueue_indirect_dma source(%dma_start3A_286 : memref<88x128xf32, #tpu.memory_space<vmem>>) target(%dma_start3A_292 : memref<10000x128xf32, #tpu.memory_space<vmem_shared>>) offsets(%dma_start3A_289 : memref<88xi32, #tpu.memory_space<vmem>>) semaphore(%run_scoped3A_282 : memref<!tpu.dma_semaphore, #tpu.memory_space<semaphore_mem>>) {add = true}
        %dma_wait3A_293 = arith.constant 0 : i32
        %dma_wait3A_294 = arith.constant 0 : i32
        %dma_wait3A_295 = tpu.memref_slice %arg9[%run_scoped3A_221, %dma_wait3A_293, %dma_wait3A_294] : memref<3x88x128xf32, #tpu.memory_space<vmem>> -> memref<1x88x128xf32, #tpu.memory_space<vmem>>
        %dma_wait3A_296 = tpu.memref_squeeze %dma_wait3A_295 : memref<1x88x128xf32, #tpu.memory_space<vmem>> -> memref<88x128xf32, #tpu.memory_space<vmem>>
        %dma_wait3A_297 = arith.constant 0 : i32
        %dma_wait3A_298 = tpu.memref_slice %arg8[%run_scoped3A_222, %dma_wait3A_297] : memref<3x88xi32, #tpu.memory_space<vmem>> -> memref<1x88xi32, #tpu.memory_space<vmem>>
        %dma_wait3A_299 = tpu.memref_squeeze %dma_wait3A_298 : memref<1x88xi32, #tpu.memory_space<vmem>> -> memref<88xi32, #tpu.memory_space<vmem>>
        %dma_wait3A_300 = arith.constant 0 : i32
        %dma_wait3A_301 = arith.constant 0 : i32
        %dma_wait3A_302 = tpu.memref_slice %arg10[%dma_wait3A_300, %dma_wait3A_301] : memref<10000x128xf32, #tpu.memory_space<vmem_shared>> -> memref<10000x128xf32, #tpu.memory_space<vmem_shared>>
        tpu.wait_indirect_dma semaphore(%run_scoped3A_282 : memref<!tpu.dma_semaphore, #tpu.memory_space<semaphore_mem>>) src(%dma_wait3A_296 : memref<88x128xf32, #tpu.memory_space<vmem>>) dst(%dma_wait3A_302 : memref<10000x128xf32, #tpu.memory_space<vmem_shared>>)
        tpu.yield
      }) : () -> ()
      %add3A_223 = arith.constant 2 : i32
      %add3A_224 = arith.addi %add3A_179, %add3A_223 : i32
      %lt3A_225 = arith.constant 114 : i32
      %lt3A_226 = arith.cmpi slt, %add3A_224, %lt3A_225 : i32
      %convert_element_type3A_227 = arith.extui %lt3A_226 : i1 to i32
      %cond3A_228 = arith.constant 0 : i32
      %cond3A_229 = arith.cmpi ne, %convert_element_type3A_227, %cond3A_228 : i32
      scf.if %cond3A_229 {
        %add3A_282 = arith.addi %mul3A_2, %add3A_179 : i32
        %add3A_283 = arith.constant 2 : i32
        %add3A_284 = arith.addi %add3A_282, %add3A_283 : i32
        %dma_start3A_285 = arith.constant 0 : i32
        %dma_start3A_286 = arith.constant 0 : i32
        %dma_start3A_287 = arith.constant 0 : i32
        %dma_start3A_288 = tpu.memref_slice %arg8[%dma_start3A_286, %dma_start3A_287] : memref<3x88xi32, #tpu.memory_space<vmem>> -> memref<1x88xi32, #tpu.memory_space<vmem>>
        %dma_start3A_289 = tpu.memref_squeeze %dma_start3A_288 : memref<1x88xi32, #tpu.memory_space<vmem>> -> memref<88xi32, #tpu.memory_space<vmem>>
        %dma_start3A_290 = arith.constant 0 : i32
        %dma_start3A_291 = arith.constant 0 : i32
        %dma_start3A_292 = tpu.memref_slice %arg4[%add3A_284, %dma_start3A_290, %dma_start3A_291] : memref<3648x1x88xi32, #tpu.memory_space<hbm>> -> memref<1x1x88xi32, #tpu.memory_space<hbm>>
        %dma_start3A_293 = tpu.memref_squeeze %dma_start3A_292 : memref<1x1x88xi32, #tpu.memory_space<hbm>> -> memref<1x88xi32, #tpu.memory_space<hbm>>
        %dma_start3A_294 = arith.constant 0 : i32
        %dma_start3A_295 = tpu.memref_slice %dma_start3A_293[%dma_start3A_285, %dma_start3A_294] : memref<1x88xi32, #tpu.memory_space<hbm>> -> memref<1x88xi32, #tpu.memory_space<hbm>>
        %dma_start3A_296 = tpu.memref_squeeze %dma_start3A_295 : memref<1x88xi32, #tpu.memory_space<hbm>> -> memref<88xi32, #tpu.memory_space<hbm>>
        %dma_start3A_297 = arith.constant 0 : i32
        %dma_start3A_298 = tpu.memref_slice %arg8[%dma_start3A_286, %dma_start3A_297] : memref<3x88xi32, #tpu.memory_space<vmem>> -> memref<1x88xi32, #tpu.memory_space<vmem>>
        %dma_start3A_299 = tpu.memref_squeeze %dma_start3A_298 : memref<1x88xi32, #tpu.memory_space<vmem>> -> memref<88xi32, #tpu.memory_space<vmem>>
        %dma_start3A_300 = arith.constant 0 : i32
        %dma_start3A_301 = arith.constant 0 : i32
        %dma_start3A_302 = tpu.memref_slice %arg4[%add3A_284, %dma_start3A_300, %dma_start3A_301] : memref<3648x1x88xi32, #tpu.memory_space<hbm>> -> memref<1x1x88xi32, #tpu.memory_space<hbm>>
        %dma_start3A_303 = tpu.memref_squeeze %dma_start3A_302 : memref<1x1x88xi32, #tpu.memory_space<hbm>> -> memref<1x88xi32, #tpu.memory_space<hbm>>
        %dma_start3A_304 = arith.constant 0 : i32
        %dma_start3A_305 = tpu.memref_slice %dma_start3A_303[%dma_start3A_285, %dma_start3A_304] : memref<1x88xi32, #tpu.memory_space<hbm>> -> memref<1x88xi32, #tpu.memory_space<hbm>>
        %dma_start3A_306 = tpu.memref_squeeze %dma_start3A_305 : memref<1x88xi32, #tpu.memory_space<hbm>> -> memref<88xi32, #tpu.memory_space<hbm>>
        tpu.enqueue_dma source(%dma_start3A_306 : memref<88xi32, #tpu.memory_space<hbm>>) target(%dma_start3A_299 : memref<88xi32, #tpu.memory_space<vmem>>) target_semaphore(%arg14 : memref<!tpu.dma_semaphore, #tpu.memory_space<semaphore_mem>>)
      } else {
      }
      %add3A_230 = arith.constant 2 : i32
      %add3A_231 = arith.addi %add3A_127, %add3A_230 : i32
      %dma_wait3A_232 = arith.constant 2 : i32
      %dma_wait3A_233 = arith.constant 0 : i32
      %dma_wait3A_234 = arith.constant 0 : i32
      %dma_wait3A_235 = tpu.memref_slice %arg9[%dma_wait3A_232, %dma_wait3A_233, %dma_wait3A_234] : memref<3x88x128xf32, #tpu.memory_space<vmem>> -> memref<1x88x128xf32, #tpu.memory_space<vmem>>
      %dma_wait3A_236 = tpu.memref_squeeze %dma_wait3A_235 : memref<1x88x128xf32, #tpu.memory_space<vmem>> -> memref<88x128xf32, #tpu.memory_space<vmem>>
      %dma_wait3A_237 = arith.constant 0 : i32
      %dma_wait3A_238 = tpu.memref_slice %arg7[%add3A_231, %dma_wait3A_237] : memref<114x88xi32, #tpu.memory_space<vmem>> -> memref<1x88xi32, #tpu.memory_space<vmem>>
      %dma_wait3A_239 = tpu.memref_squeeze %dma_wait3A_238 : memref<1x88xi32, #tpu.memory_space<vmem>> -> memref<88xi32, #tpu.memory_space<vmem>>
      %dma_wait3A_240 = arith.constant 0 : i32
      %dma_wait3A_241 = arith.constant 0 : i32
      %dma_wait3A_242 = tpu.memref_slice %arg2[%dma_wait3A_240, %dma_wait3A_241] : memref<10016x128xf32, #tpu.memory_space<hbm>> -> memref<10016x128xf32, #tpu.memory_space<hbm>>
      tpu.wait_indirect_dma semaphore(%arg13 : memref<!tpu.dma_semaphore, #tpu.memory_space<semaphore_mem>>) src(%dma_wait3A_242 : memref<10016x128xf32, #tpu.memory_space<hbm>>) dst(%dma_wait3A_236 : memref<88x128xf32, #tpu.memory_space<vmem>>)
      %add3A_243 = arith.constant 2 : i32
      %add3A_244 = arith.addi %add3A_231, %add3A_243 : i32
      %lt3A_245 = arith.constant 114 : i32
      %lt3A_246 = arith.cmpi slt, %add3A_244, %lt3A_245 : i32
      %convert_element_type3A_247 = arith.extui %lt3A_246 : i1 to i32
      %cond3A_248 = arith.constant 0 : i32
      %cond3A_249 = arith.cmpi ne, %convert_element_type3A_247, %cond3A_248 : i32
      scf.if %cond3A_249 {
        %add3A_282 = arith.constant 2 : i32
        %add3A_283 = arith.addi %add3A_231, %add3A_282 : i32
        %dma_start3A_284 = arith.constant 1 : i32
        %dma_start3A_285 = arith.constant 0 : i32
        %dma_start3A_286 = arith.constant 0 : i32
        %dma_start3A_287 = tpu.memref_slice %arg9[%dma_start3A_284, %dma_start3A_285, %dma_start3A_286] : memref<3x88x128xf32, #tpu.memory_space<vmem>> -> memref<1x88x128xf32, #tpu.memory_space<vmem>>
        %dma_start3A_288 = tpu.memref_squeeze %dma_start3A_287 : memref<1x88x128xf32, #tpu.memory_space<vmem>> -> memref<88x128xf32, #tpu.memory_space<vmem>>
        %dma_start3A_289 = arith.constant 0 : i32
        %dma_start3A_290 = tpu.memref_slice %arg7[%add3A_283, %dma_start3A_289] : memref<114x88xi32, #tpu.memory_space<vmem>> -> memref<1x88xi32, #tpu.memory_space<vmem>>
        %dma_start3A_291 = tpu.memref_squeeze %dma_start3A_290 : memref<1x88xi32, #tpu.memory_space<vmem>> -> memref<88xi32, #tpu.memory_space<vmem>>
        %dma_start3A_292 = arith.constant 0 : i32
        %dma_start3A_293 = arith.constant 0 : i32
        %dma_start3A_294 = tpu.memref_slice %arg2[%dma_start3A_292, %dma_start3A_293] : memref<10016x128xf32, #tpu.memory_space<hbm>> -> memref<10016x128xf32, #tpu.memory_space<hbm>>
        tpu.enqueue_indirect_dma source(%dma_start3A_294 : memref<10016x128xf32, #tpu.memory_space<hbm>>) target(%dma_start3A_288 : memref<88x128xf32, #tpu.memory_space<vmem>>) offsets(%dma_start3A_291 : memref<88xi32, #tpu.memory_space<vmem>>) semaphore(%arg12 : memref<!tpu.dma_semaphore, #tpu.memory_space<semaphore_mem>>)
      } else {
      }
      %add3A_250 = arith.addi %mul3A_2, %add3A_231 : i32
      %dma_wait3A_251 = arith.constant 0 : i32
      %dma_wait3A_252 = arith.constant 2 : i32
      %dma_wait3A_253 = arith.constant 0 : i32
      %dma_wait3A_254 = tpu.memref_slice %arg8[%dma_wait3A_252, %dma_wait3A_253] : memref<3x88xi32, #tpu.memory_space<vmem>> -> memref<1x88xi32, #tpu.memory_space<vmem>>
      %dma_wait3A_255 = tpu.memref_squeeze %dma_wait3A_254 : memref<1x88xi32, #tpu.memory_space<vmem>> -> memref<88xi32, #tpu.memory_space<vmem>>
      %dma_wait3A_256 = arith.constant 0 : i32
      %dma_wait3A_257 = arith.constant 0 : i32
      %dma_wait3A_258 = tpu.memref_slice %arg4[%add3A_250, %dma_wait3A_256, %dma_wait3A_257] : memref<3648x1x88xi32, #tpu.memory_space<hbm>> -> memref<1x1x88xi32, #tpu.memory_space<hbm>>
      %dma_wait3A_259 = tpu.memref_squeeze %dma_wait3A_258 : memref<1x1x88xi32, #tpu.memory_space<hbm>> -> memref<1x88xi32, #tpu.memory_space<hbm>>
      %dma_wait3A_260 = arith.constant 0 : i32
      %dma_wait3A_261 = tpu.memref_slice %dma_wait3A_259[%dma_wait3A_251, %dma_wait3A_260] : memref<1x88xi32, #tpu.memory_space<hbm>> -> memref<1x88xi32, #tpu.memory_space<hbm>>
      %dma_wait3A_262 = tpu.memref_squeeze %dma_wait3A_261 : memref<1x88xi32, #tpu.memory_space<hbm>> -> memref<88xi32, #tpu.memory_space<hbm>>
      %dma_wait3A_263 = arith.constant 0 : i32
      %dma_wait3A_264 = tpu.memref_slice %arg8[%dma_wait3A_252, %dma_wait3A_263] : memref<3x88xi32, #tpu.memory_space<vmem>> -> memref<1x88xi32, #tpu.memory_space<vmem>>
      %dma_wait3A_265 = tpu.memref_squeeze %dma_wait3A_264 : memref<1x88xi32, #tpu.memory_space<vmem>> -> memref<88xi32, #tpu.memory_space<vmem>>
      %dma_wait3A_266 = arith.constant 0 : i32
      %dma_wait3A_267 = arith.constant 0 : i32
      %dma_wait3A_268 = tpu.memref_slice %arg4[%add3A_250, %dma_wait3A_266, %dma_wait3A_267] : memref<3648x1x88xi32, #tpu.memory_space<hbm>> -> memref<1x1x88xi32, #tpu.memory_space<hbm>>
      %dma_wait3A_269 = tpu.memref_squeeze %dma_wait3A_268 : memref<1x1x88xi32, #tpu.memory_space<hbm>> -> memref<1x88xi32, #tpu.memory_space<hbm>>
      %dma_wait3A_270 = arith.constant 0 : i32
      %dma_wait3A_271 = tpu.memref_slice %dma_wait3A_269[%dma_wait3A_251, %dma_wait3A_270] : memref<1x88xi32, #tpu.memory_space<hbm>> -> memref<1x88xi32, #tpu.memory_space<hbm>>
      %dma_wait3A_272 = tpu.memref_squeeze %dma_wait3A_271 : memref<1x88xi32, #tpu.memory_space<hbm>> -> memref<88xi32, #tpu.memory_space<hbm>>
      tpu.wait_dma2 semaphore(%arg16 : memref<!tpu.dma_semaphore, #tpu.memory_space<semaphore_mem>>) src(%dma_wait3A_272 : memref<88xi32, #tpu.memory_space<hbm>>) dst(%dma_wait3A_265 : memref<88xi32, #tpu.memory_space<vmem>>)
      %run_scoped3A_273 = arith.constant 2 : i32
      %run_scoped3A_274 = arith.constant 2 : i32
      "tpu.region"() ({
        %run_scoped3A_282 = tpu.sem_alloc : memref<!tpu.dma_semaphore, #tpu.memory_space<semaphore_mem>>
        %dma_start3A_283 = arith.constant 0 : i32
        %dma_start3A_284 = arith.constant 0 : i32
        %dma_start3A_285 = tpu.memref_slice %arg9[%run_scoped3A_273, %dma_start3A_283, %dma_start3A_284] : memref<3x88x128xf32, #tpu.memory_space<vmem>> -> memref<1x88x128xf32, #tpu.memory_space<vmem>>
        %dma_start3A_286 = tpu.memref_squeeze %dma_start3A_285 : memref<1x88x128xf32, #tpu.memory_space<vmem>> -> memref<88x128xf32, #tpu.memory_space<vmem>>
        %dma_start3A_287 = arith.constant 0 : i32
        %dma_start3A_288 = tpu.memref_slice %arg8[%run_scoped3A_274, %dma_start3A_287] : memref<3x88xi32, #tpu.memory_space<vmem>> -> memref<1x88xi32, #tpu.memory_space<vmem>>
        %dma_start3A_289 = tpu.memref_squeeze %dma_start3A_288 : memref<1x88xi32, #tpu.memory_space<vmem>> -> memref<88xi32, #tpu.memory_space<vmem>>
        %dma_start3A_290 = arith.constant 0 : i32
        %dma_start3A_291 = arith.constant 0 : i32
        %dma_start3A_292 = tpu.memref_slice %arg10[%dma_start3A_290, %dma_start3A_291] : memref<10000x128xf32, #tpu.memory_space<vmem_shared>> -> memref<10000x128xf32, #tpu.memory_space<vmem_shared>>
        tpu.enqueue_indirect_dma source(%dma_start3A_286 : memref<88x128xf32, #tpu.memory_space<vmem>>) target(%dma_start3A_292 : memref<10000x128xf32, #tpu.memory_space<vmem_shared>>) offsets(%dma_start3A_289 : memref<88xi32, #tpu.memory_space<vmem>>) semaphore(%run_scoped3A_282 : memref<!tpu.dma_semaphore, #tpu.memory_space<semaphore_mem>>) {add = true}
        %dma_wait3A_293 = arith.constant 0 : i32
        %dma_wait3A_294 = arith.constant 0 : i32
        %dma_wait3A_295 = tpu.memref_slice %arg9[%run_scoped3A_273, %dma_wait3A_293, %dma_wait3A_294] : memref<3x88x128xf32, #tpu.memory_space<vmem>> -> memref<1x88x128xf32, #tpu.memory_space<vmem>>
        %dma_wait3A_296 = tpu.memref_squeeze %dma_wait3A_295 : memref<1x88x128xf32, #tpu.memory_space<vmem>> -> memref<88x128xf32, #tpu.memory_space<vmem>>
        %dma_wait3A_297 = arith.constant 0 : i32
        %dma_wait3A_298 = tpu.memref_slice %arg8[%run_scoped3A_274, %dma_wait3A_297] : memref<3x88xi32, #tpu.memory_space<vmem>> -> memref<1x88xi32, #tpu.memory_space<vmem>>
        %dma_wait3A_299 = tpu.memref_squeeze %dma_wait3A_298 : memref<1x88xi32, #tpu.memory_space<vmem>> -> memref<88xi32, #tpu.memory_space<vmem>>
        %dma_wait3A_300 = arith.constant 0 : i32
        %dma_wait3A_301 = arith.constant 0 : i32
        %dma_wait3A_302 = tpu.memref_slice %arg10[%dma_wait3A_300, %dma_wait3A_301] : memref<10000x128xf32, #tpu.memory_space<vmem_shared>> -> memref<10000x128xf32, #tpu.memory_space<vmem_shared>>
        tpu.wait_indirect_dma semaphore(%run_scoped3A_282 : memref<!tpu.dma_semaphore, #tpu.memory_space<semaphore_mem>>) src(%dma_wait3A_296 : memref<88x128xf32, #tpu.memory_space<vmem>>) dst(%dma_wait3A_302 : memref<10000x128xf32, #tpu.memory_space<vmem_shared>>)
        tpu.yield
      }) : () -> ()
      %add3A_275 = arith.constant 2 : i32
      %add3A_276 = arith.addi %add3A_231, %add3A_275 : i32
      %lt3A_277 = arith.constant 114 : i32
      %lt3A_278 = arith.cmpi slt, %add3A_276, %lt3A_277 : i32
      %convert_element_type3A_279 = arith.extui %lt3A_278 : i1 to i32
      %cond3A_280 = arith.constant 0 : i32
      %cond3A_281 = arith.cmpi ne, %convert_element_type3A_279, %cond3A_280 : i32
      scf.if %cond3A_281 {
        %add3A_282 = arith.addi %mul3A_2, %add3A_231 : i32
        %add3A_283 = arith.constant 2 : i32
        %add3A_284 = arith.addi %add3A_282, %add3A_283 : i32
        %dma_start3A_285 = arith.constant 0 : i32
        %dma_start3A_286 = arith.constant 1 : i32
        %dma_start3A_287 = arith.constant 0 : i32
        %dma_start3A_288 = tpu.memref_slice %arg8[%dma_start3A_286, %dma_start3A_287] : memref<3x88xi32, #tpu.memory_space<vmem>> -> memref<1x88xi32, #tpu.memory_space<vmem>>
        %dma_start3A_289 = tpu.memref_squeeze %dma_start3A_288 : memref<1x88xi32, #tpu.memory_space<vmem>> -> memref<88xi32, #tpu.memory_space<vmem>>
        %dma_start3A_290 = arith.constant 0 : i32
        %dma_start3A_291 = arith.constant 0 : i32
        %dma_start3A_292 = tpu.memref_slice %arg4[%add3A_284, %dma_start3A_290, %dma_start3A_291] : memref<3648x1x88xi32, #tpu.memory_space<hbm>> -> memref<1x1x88xi32, #tpu.memory_space<hbm>>
        %dma_start3A_293 = tpu.memref_squeeze %dma_start3A_292 : memref<1x1x88xi32, #tpu.memory_space<hbm>> -> memref<1x88xi32, #tpu.memory_space<hbm>>
        %dma_start3A_294 = arith.constant 0 : i32
        %dma_start3A_295 = tpu.memref_slice %dma_start3A_293[%dma_start3A_285, %dma_start3A_294] : memref<1x88xi32, #tpu.memory_space<hbm>> -> memref<1x88xi32, #tpu.memory_space<hbm>>
        %dma_start3A_296 = tpu.memref_squeeze %dma_start3A_295 : memref<1x88xi32, #tpu.memory_space<hbm>> -> memref<88xi32, #tpu.memory_space<hbm>>
        %dma_start3A_297 = arith.constant 0 : i32
        %dma_start3A_298 = tpu.memref_slice %arg8[%dma_start3A_286, %dma_start3A_297] : memref<3x88xi32, #tpu.memory_space<vmem>> -> memref<1x88xi32, #tpu.memory_space<vmem>>
        %dma_start3A_299 = tpu.memref_squeeze %dma_start3A_298 : memref<1x88xi32, #tpu.memory_space<vmem>> -> memref<88xi32, #tpu.memory_space<vmem>>
        %dma_start3A_300 = arith.constant 0 : i32
        %dma_start3A_301 = arith.constant 0 : i32
        %dma_start3A_302 = tpu.memref_slice %arg4[%add3A_284, %dma_start3A_300, %dma_start3A_301] : memref<3648x1x88xi32, #tpu.memory_space<hbm>> -> memref<1x1x88xi32, #tpu.memory_space<hbm>>
        %dma_start3A_303 = tpu.memref_squeeze %dma_start3A_302 : memref<1x1x88xi32, #tpu.memory_space<hbm>> -> memref<1x88xi32, #tpu.memory_space<hbm>>
        %dma_start3A_304 = arith.constant 0 : i32
        %dma_start3A_305 = tpu.memref_slice %dma_start3A_303[%dma_start3A_285, %dma_start3A_304] : memref<1x88xi32, #tpu.memory_space<hbm>> -> memref<1x88xi32, #tpu.memory_space<hbm>>
        %dma_start3A_306 = tpu.memref_squeeze %dma_start3A_305 : memref<1x88xi32, #tpu.memory_space<hbm>> -> memref<88xi32, #tpu.memory_space<hbm>>
        tpu.enqueue_dma source(%dma_start3A_306 : memref<88xi32, #tpu.memory_space<hbm>>) target(%dma_start3A_299 : memref<88xi32, #tpu.memory_space<vmem>>) target_semaphore(%arg15 : memref<!tpu.dma_semaphore, #tpu.memory_space<semaphore_mem>>)
      } else {
      }
    }
    %scan3A_90 = arith.constant 38 : i32
    %barrier3A_91 = arith.constant 0 : index
    tpu.barrier barrier_id(%barrier3A_91)
    %eq3A_92 = arith.constant 0 : i32
    %eq3A_93 = arith.cmpi eq, %arg0, %eq3A_92 : i32
    %lt3A_94 = arith.constant 15 : i32
    %lt3A_95 = arith.cmpi slt, %arg1, %lt3A_94 : i32
    %and3A = arith.andi %eq3A_93, %lt3A_95 : i1
    %convert_element_type3A_96 = arith.extui %and3A : i1 to i32
    %cond3A_97 = arith.constant 0 : i32
    %cond3A_98 = arith.cmpi ne, %convert_element_type3A_96, %cond3A_97 : i32
    scf.if %cond3A_98 {
      "tpu.region"() ({
        %run_scoped3A = tpu.sem_alloc : memref<!tpu.dma_semaphore, #tpu.memory_space<semaphore_mem>>
        %dma_start3A_123 = arith.constant 0 : i32
        %dma_start3A_124 = tpu.memref_slice %arg5[%mul3A_4, %dma_start3A_123] : memref<10000x128xf32, #tpu.memory_space<hbm>> -> memref<632x128xf32, #tpu.memory_space<hbm>>
        %dma_start3A_125 = arith.constant 0 : i32
        %dma_start3A_126 = tpu.memref_slice %arg10[%mul3A_4, %dma_start3A_125] : memref<10000x128xf32, #tpu.memory_space<vmem_shared>> -> memref<632x128xf32, #tpu.memory_space<vmem_shared>>
        tpu.enqueue_dma source(%dma_start3A_126 : memref<632x128xf32, #tpu.memory_space<vmem_shared>>) target(%dma_start3A_124 : memref<632x128xf32, #tpu.memory_space<hbm>>) target_semaphore(%run_scoped3A : memref<!tpu.dma_semaphore, #tpu.memory_space<semaphore_mem>>)
        %dma_wait3A = arith.constant 0 : i32
        %dma_wait3A_127 = tpu.memref_slice %arg5[%mul3A_4, %dma_wait3A] : memref<10000x128xf32, #tpu.memory_space<hbm>> -> memref<632x128xf32, #tpu.memory_space<hbm>>
        %dma_wait3A_128 = arith.constant 0 : i32
        %dma_wait3A_129 = tpu.memref_slice %arg10[%mul3A_4, %dma_wait3A_128] : memref<10000x128xf32, #tpu.memory_space<vmem_shared>> -> memref<632x128xf32, #tpu.memory_space<vmem_shared>>
        tpu.wait_dma2 semaphore(%run_scoped3A : memref<!tpu.dma_semaphore, #tpu.memory_space<semaphore_mem>>) src(%dma_wait3A_129 : memref<632x128xf32, #tpu.memory_space<vmem_shared>>) dst(%dma_wait3A_127 : memref<632x128xf32, #tpu.memory_space<hbm>>)
        tpu.yield
      }) : () -> ()
    } else {
    }
    %eq3A_99 = arith.constant 0 : i32
    %eq3A_100 = arith.cmpi eq, %arg0, %eq3A_99 : i32
    %eq3A_101 = arith.constant 15 : i32
    %eq3A_102 = arith.cmpi eq, %arg1, %eq3A_101 : i32
    %and3A_103 = arith.andi %eq3A_100, %eq3A_102 : i1
    %convert_element_type3A_104 = arith.extui %and3A_103 : i1 to i32
    %cond3A_105 = arith.constant 0 : i32
    %cond3A_106 = arith.cmpi ne, %convert_element_type3A_104, %cond3A_105 : i32
    scf.if %cond3A_106 {
      "tpu.region"() ({
        %run_scoped3A = tpu.sem_alloc : memref<!tpu.dma_semaphore, #tpu.memory_space<semaphore_mem>>
        %dma_start3A_123 = arith.constant 0 : i32
        %dma_start3A_124 = tpu.memref_slice %arg5[%mul3A_4, %dma_start3A_123] : memref<10000x128xf32, #tpu.memory_space<hbm>> -> memref<520x128xf32, #tpu.memory_space<hbm>>
        %dma_start3A_125 = arith.constant 0 : i32
        %dma_start3A_126 = tpu.memref_slice %arg10[%mul3A_4, %dma_start3A_125] : memref<10000x128xf32, #tpu.memory_space<vmem_shared>> -> memref<520x128xf32, #tpu.memory_space<vmem_shared>>
        tpu.enqueue_dma source(%dma_start3A_126 : memref<520x128xf32, #tpu.memory_space<vmem_shared>>) target(%dma_start3A_124 : memref<520x128xf32, #tpu.memory_space<hbm>>) target_semaphore(%run_scoped3A : memref<!tpu.dma_semaphore, #tpu.memory_space<semaphore_mem>>)
        %dma_wait3A = arith.constant 0 : i32
        %dma_wait3A_127 = tpu.memref_slice %arg5[%mul3A_4, %dma_wait3A] : memref<10000x128xf32, #tpu.memory_space<hbm>> -> memref<520x128xf32, #tpu.memory_space<hbm>>
        %dma_wait3A_128 = arith.constant 0 : i32
        %dma_wait3A_129 = tpu.memref_slice %arg10[%mul3A_4, %dma_wait3A_128] : memref<10000x128xf32, #tpu.memory_space<vmem_shared>> -> memref<520x128xf32, #tpu.memory_space<vmem_shared>>
        tpu.wait_dma2 semaphore(%run_scoped3A : memref<!tpu.dma_semaphore, #tpu.memory_space<semaphore_mem>>) src(%dma_wait3A_129 : memref<520x128xf32, #tpu.memory_space<vmem_shared>>) dst(%dma_wait3A_127 : memref<520x128xf32, #tpu.memory_space<hbm>>)
        tpu.yield
      }) : () -> ()
    } else {
    }
    %eq3A_107 = arith.constant 1 : i32
    %eq3A_108 = arith.cmpi eq, %arg0, %eq3A_107 : i32
    %lt3A_109 = arith.constant 15 : i32
    %lt3A_110 = arith.cmpi slt, %arg1, %lt3A_109 : i32
    %and3A_111 = arith.andi %eq3A_108, %lt3A_110 : i1
    %convert_element_type3A_112 = arith.extui %and3A_111 : i1 to i32
    %cond3A_113 = arith.constant 0 : i32
    %cond3A_114 = arith.cmpi ne, %convert_element_type3A_112, %cond3A_113 : i32
    scf.if %cond3A_114 {
      "tpu.region"() ({
        %run_scoped3A = tpu.sem_alloc : memref<!tpu.dma_semaphore, #tpu.memory_space<semaphore_mem>>
        %dma_start3A_123 = arith.constant 0 : i32
        %dma_start3A_124 = tpu.memref_slice %arg6[%mul3A_4, %dma_start3A_123] : memref<10000x128xf32, #tpu.memory_space<hbm>> -> memref<632x128xf32, #tpu.memory_space<hbm>>
        %dma_start3A_125 = arith.constant 0 : i32
        %dma_start3A_126 = tpu.memref_slice %arg10[%mul3A_4, %dma_start3A_125] : memref<10000x128xf32, #tpu.memory_space<vmem_shared>> -> memref<632x128xf32, #tpu.memory_space<vmem_shared>>
        tpu.enqueue_dma source(%dma_start3A_126 : memref<632x128xf32, #tpu.memory_space<vmem_shared>>) target(%dma_start3A_124 : memref<632x128xf32, #tpu.memory_space<hbm>>) target_semaphore(%run_scoped3A : memref<!tpu.dma_semaphore, #tpu.memory_space<semaphore_mem>>)
        %dma_wait3A = arith.constant 0 : i32
        %dma_wait3A_127 = tpu.memref_slice %arg6[%mul3A_4, %dma_wait3A] : memref<10000x128xf32, #tpu.memory_space<hbm>> -> memref<632x128xf32, #tpu.memory_space<hbm>>
        %dma_wait3A_128 = arith.constant 0 : i32
        %dma_wait3A_129 = tpu.memref_slice %arg10[%mul3A_4, %dma_wait3A_128] : memref<10000x128xf32, #tpu.memory_space<vmem_shared>> -> memref<632x128xf32, #tpu.memory_space<vmem_shared>>
        tpu.wait_dma2 semaphore(%run_scoped3A : memref<!tpu.dma_semaphore, #tpu.memory_space<semaphore_mem>>) src(%dma_wait3A_129 : memref<632x128xf32, #tpu.memory_space<vmem_shared>>) dst(%dma_wait3A_127 : memref<632x128xf32, #tpu.memory_space<hbm>>)
        tpu.yield
      }) : () -> ()
    } else {
    }
    %eq3A_115 = arith.constant 1 : i32
    %eq3A_116 = arith.cmpi eq, %arg0, %eq3A_115 : i32
    %eq3A_117 = arith.constant 15 : i32
    %eq3A_118 = arith.cmpi eq, %arg1, %eq3A_117 : i32
    %and3A_119 = arith.andi %eq3A_116, %eq3A_118 : i1
    %convert_element_type3A_120 = arith.extui %and3A_119 : i1 to i32
    %cond3A_121 = arith.constant 0 : i32
    %cond3A_122 = arith.cmpi ne, %convert_element_type3A_120, %cond3A_121 : i32
    scf.if %cond3A_122 {
      "tpu.region"() ({
        %run_scoped3A = tpu.sem_alloc : memref<!tpu.dma_semaphore, #tpu.memory_space<semaphore_mem>>
        %dma_start3A_123 = arith.constant 0 : i32
        %dma_start3A_124 = tpu.memref_slice %arg6[%mul3A_4, %dma_start3A_123] : memref<10000x128xf32, #tpu.memory_space<hbm>> -> memref<520x128xf32, #tpu.memory_space<hbm>>
        %dma_start3A_125 = arith.constant 0 : i32
        %dma_start3A_126 = tpu.memref_slice %arg10[%mul3A_4, %dma_start3A_125] : memref<10000x128xf32, #tpu.memory_space<vmem_shared>> -> memref<520x128xf32, #tpu.memory_space<vmem_shared>>
        tpu.enqueue_dma source(%dma_start3A_126 : memref<520x128xf32, #tpu.memory_space<vmem_shared>>) target(%dma_start3A_124 : memref<520x128xf32, #tpu.memory_space<hbm>>) target_semaphore(%run_scoped3A : memref<!tpu.dma_semaphore, #tpu.memory_space<semaphore_mem>>)
        %dma_wait3A = arith.constant 0 : i32
        %dma_wait3A_127 = tpu.memref_slice %arg6[%mul3A_4, %dma_wait3A] : memref<10000x128xf32, #tpu.memory_space<hbm>> -> memref<520x128xf32, #tpu.memory_space<hbm>>
        %dma_wait3A_128 = arith.constant 0 : i32
        %dma_wait3A_129 = tpu.memref_slice %arg10[%mul3A_4, %dma_wait3A_128] : memref<10000x128xf32, #tpu.memory_space<vmem_shared>> -> memref<520x128xf32, #tpu.memory_space<vmem_shared>>
        tpu.wait_dma2 semaphore(%run_scoped3A : memref<!tpu.dma_semaphore, #tpu.memory_space<semaphore_mem>>) src(%dma_wait3A_129 : memref<520x128xf32, #tpu.memory_space<vmem_shared>>) dst(%dma_wait3A_127 : memref<520x128xf32, #tpu.memory_space<hbm>>)
        tpu.yield
      }) : () -> ()
    } else {
    }
    return
  }
}

module attributes {stable_mosaic.version = 14 : i64} {
  func.func @body(%arg0: i32, %arg1: memref<5008x128xf32, #tpu.memory_space<vmem>>, %arg2: memref<128x128xf32, #tpu.memory_space<vmem>>, %arg3: memref<128x128xf32, #tpu.memory_space<vmem>>, %arg4: memref<1x128xf32, #tpu.memory_space<vmem>>, %arg5: memref<5008x128xf32, #tpu.memory_space<vmem>>, %arg6: memref<5008x128xf32, #tpu.memory_space<vmem>>) attributes {dimension_semantics = [#tpu.dimension_semantics<arbitrary>], iteration_bounds = array<i64: 2>, scalar_prefetch = 0 : i64, scratch_operands = 0 : i64, tpu.core_type = #tpu.core_type<tc>, window_params = [{transform_indices = @transform_0, window_bounds = array<i64: 5008, 128>}, {pipeline_mode = #tpu.pipeline_mode<synchronous>, transform_indices = @transform_1, window_bounds = array<i64: 128, 128>}, {pipeline_mode = #tpu.pipeline_mode<synchronous>, transform_indices = @transform_2, window_bounds = array<i64: 128, 128>}, {pipeline_mode = #tpu.pipeline_mode<synchronous>, transform_indices = @transform_3, window_bounds = array<i64: 1, 128>}, {transform_indices = @transform_4, window_bounds = array<i64: 5008, 128>}, {transform_indices = @transform_5, window_bounds = array<i64: 5008, 128>}]} {
    %mul3A = arith.constant 5008 : i32
    %mul3A_0 = arith.muli %arg0, %mul3A : i32
    %iota3A = tpu.iota {dimensions = array<i32: 0>} : vector<5008x128xi32>
    %add3A = vector.broadcast %mul3A_0 : i32 to vector<5008x128xi32>
    %add3A_1 = arith.addi %add3A, %iota3A : vector<5008x128xi32>
    %lt3A = arith.constant 10000 : i32
    %lt3A_2 = vector.broadcast %lt3A : i32 to vector<5008x128xi32>
    %lt3A_3 = arith.cmpi slt, %add3A_1, %lt3A_2 : vector<5008x128xi32>
    %get3A = arith.constant 0 : index
    %get3A_4 = arith.constant 0 : index
    %get3A_5 = vector.load %arg1[%get3A, %get3A_4] : memref<5008x128xf32, #tpu.memory_space<vmem>>, vector<5008x128xf32>
    %jit3A = arith.constant 0.000000e+00 : f32
    %broadcast_in_dim3A = vector.broadcast %jit3A : f32 to vector<5008x128xf32>
    %select_n3A = arith.select %lt3A_3, %get3A_5, %broadcast_in_dim3A : vector<5008x128xi1>, vector<5008x128xf32>
    %get3A_6 = arith.constant 0 : index
    %get3A_7 = arith.constant 0 : index
    %get3A_8 = vector.load %arg2[%get3A_6, %get3A_7] : memref<128x128xf32, #tpu.memory_space<vmem>>, vector<128x128xf32>
    %dot_general3A = arith.constant dense<0.000000e+00> : vector<5008x128xf32>
    %dot_general3A_9 = tpu.matmul %select_n3A, %get3A_8, %dot_general3A {dimension_numbers = #tpu.dot_dimension_numbers<[1], [1], [0], [0], [0, 0, 1, 0], [], []>, precision = #tpu.contract_precision<fp32>, transpose_lhs_hint = false} : vector<5008x128xf32>, vector<128x128xf32>, vector<5008x128xf32> -> vector<5008x128xf32>
    %swap3A = arith.constant 0 : index
    %swap3A_10 = arith.constant 0 : index
    %swap3A_11 = vector.load %arg5[%swap3A, %swap3A_10] : memref<5008x128xf32, #tpu.memory_space<vmem>>, vector<5008x128xf32>
    tpu.vector_store %arg5[%swap3A, %swap3A_10], %dot_general3A_9 {strides = array<i32>} : memref<5008x128xf32, #tpu.memory_space<vmem>>, vector<5008x128xf32>,
    %get3A_12 = arith.constant 0 : index
    %get3A_13 = arith.constant 0 : index
    %get3A_14 = vector.load %arg3[%get3A_12, %get3A_13] : memref<128x128xf32, #tpu.memory_space<vmem>>, vector<128x128xf32>
    %dot_general3A_15 = arith.constant dense<0.000000e+00> : vector<5008x128xf32>
    %dot_general3A_16 = tpu.matmul %select_n3A, %get3A_14, %dot_general3A_15 {dimension_numbers = #tpu.dot_dimension_numbers<[1], [1], [0], [0], [0, 0, 1, 0], [], []>, precision = #tpu.contract_precision<fp32>, transpose_lhs_hint = false} : vector<5008x128xf32>, vector<128x128xf32>, vector<5008x128xf32> -> vector<5008x128xf32>
    %get3A_17 = arith.constant 0 : index
    %get3A_18 = arith.constant 0 : index
    %get3A_19 = vector.load %arg4[%get3A_17, %get3A_18] : memref<1x128xf32, #tpu.memory_space<vmem>>, vector<1x128xf32>
    %add3A_20 = vector.broadcast %get3A_19 : vector<1x128xf32> to vector<5008x128xf32>
    %add3A_21 = arith.addf %dot_general3A_16, %add3A_20 : vector<5008x128xf32>
    %swap3A_22 = arith.constant 0 : index
    %swap3A_23 = arith.constant 0 : index
    %swap3A_24 = vector.load %arg6[%swap3A_22, %swap3A_23] : memref<5008x128xf32, #tpu.memory_space<vmem>>, vector<5008x128xf32>
    tpu.vector_store %arg6[%swap3A_22, %swap3A_23], %add3A_21 {strides = array<i32>} : memref<5008x128xf32, #tpu.memory_space<vmem>>, vector<5008x128xf32>,
    return
  }
  func.func @transform_0(%arg0: i32) -> (i32, i32) {
    %c0_i32 = arith.constant 0 : i32
    %c0_i32_0 = arith.constant 0 : i32
    return %arg0, %c0_i32 : i32, i32
  }
  func.func @transform_1(%arg0: i32) -> (i32, i32) {
    %c0_i32 = arith.constant 0 : i32
    %c0_i32_0 = arith.constant 0 : i32
    %c0_i32_1 = arith.constant 0 : i32
    return %c0_i32, %c0_i32_0 : i32, i32
  }
  func.func @transform_2(%arg0: i32) -> (i32, i32) {
    %c0_i32 = arith.constant 0 : i32
    %c0_i32_0 = arith.constant 0 : i32
    %c0_i32_1 = arith.constant 0 : i32
    return %c0_i32, %c0_i32_0 : i32, i32
  }
  func.func @transform_3(%arg0: i32) -> (i32, i32) {
    %c0_i32 = arith.constant 0 : i32
    %c0_i32_0 = arith.constant 0 : i32
    %c0_i32_1 = arith.constant 0 : i32
    return %c0_i32, %c0_i32_0 : i32, i32
  }
  func.func @transform_4(%arg0: i32) -> (i32, i32) {
    %c0_i32 = arith.constant 0 : i32
    %c0_i32_0 = arith.constant 0 : i32
    return %arg0, %c0_i32 : i32, i32
  }
  func.func @transform_5(%arg0: i32) -> (i32, i32) {
    %c0_i32 = arith.constant 0 : i32
    %c0_i32_0 = arith.constant 0 : i32
    return %arg0, %c0_i32 : i32, i32
  }
}

module attributes {stable_mosaic.version = 14 : i64} {
  func.func @body(%arg0: i32, %arg1: memref<5008x128xf32, #tpu.memory_space<vmem>>, %arg2: memref<5008x128xf32, #tpu.memory_space<vmem>>, %arg3: memref<5008x128xf32, #tpu.memory_space<vmem>>, %arg4: memref<128x128xf32, #tpu.memory_space<vmem>>, %arg5: memref<128x128xf32, #tpu.memory_space<vmem>>, %arg6: memref<1x128xf32, #tpu.memory_space<vmem>>, %arg7: memref<5008x128xf32, #tpu.memory_space<vmem>>, %arg8: memref<5008x128xf32, #tpu.memory_space<vmem>>) attributes {dimension_semantics = [#tpu.dimension_semantics<arbitrary>], iteration_bounds = array<i64: 2>, scalar_prefetch = 0 : i64, scratch_operands = 0 : i64, tpu.core_type = #tpu.core_type<tc>, window_params = [{transform_indices = @transform_0, window_bounds = array<i64: 5008, 128>}, {transform_indices = @transform_1, window_bounds = array<i64: 5008, 128>}, {transform_indices = @transform_2, window_bounds = array<i64: 5008, 128>}, {pipeline_mode = #tpu.pipeline_mode<synchronous>, transform_indices = @transform_3, window_bounds = array<i64: 128, 128>}, {pipeline_mode = #tpu.pipeline_mode<synchronous>, transform_indices = @transform_4, window_bounds = array<i64: 128, 128>}, {pipeline_mode = #tpu.pipeline_mode<synchronous>, transform_indices = @transform_5, window_bounds = array<i64: 1, 128>}, {transform_indices = @transform_6, window_bounds = array<i64: 5008, 128>}, {transform_indices = @transform_7, window_bounds = array<i64: 5008, 128>}]} {
    %get3A = arith.constant 0 : index
    %get3A_0 = arith.constant 0 : index
    %get3A_1 = vector.load %arg1[%get3A, %get3A_0] : memref<5008x128xf32, #tpu.memory_space<vmem>>, vector<5008x128xf32>
    %get3A_2 = arith.constant 0 : index
    %get3A_3 = arith.constant 0 : index
    %get3A_4 = vector.load %arg2[%get3A_2, %get3A_3] : memref<5008x128xf32, #tpu.memory_space<vmem>>, vector<5008x128xf32>
    %add3A = arith.addf %get3A_1, %get3A_4 : vector<5008x128xf32>
    %get3A_5 = arith.constant 0 : index
    %get3A_6 = arith.constant 0 : index
    %get3A_7 = vector.load %arg3[%get3A_5, %get3A_6] : memref<5008x128xf32, #tpu.memory_space<vmem>>, vector<5008x128xf32>
    %add3A_8 = arith.addf %add3A, %get3A_7 : vector<5008x128xf32>
    %max3A = arith.constant 0.000000e+00 : f32
    %max3A_9 = vector.broadcast %max3A : f32 to vector<5008x128xf32>
    %max3A_10 = arith.maximumf %add3A_8, %max3A_9 : vector<5008x128xf32>
    %mul3A = arith.constant 5008 : i32
    %mul3A_11 = arith.muli %arg0, %mul3A : i32
    %iota3A = tpu.iota {dimensions = array<i32: 0>} : vector<5008x128xi32>
    %add3A_12 = vector.broadcast %mul3A_11 : i32 to vector<5008x128xi32>
    %add3A_13 = arith.addi %add3A_12, %iota3A : vector<5008x128xi32>
    %lt3A = arith.constant 10000 : i32
    %lt3A_14 = vector.broadcast %lt3A : i32 to vector<5008x128xi32>
    %lt3A_15 = arith.cmpi slt, %add3A_13, %lt3A_14 : vector<5008x128xi32>
    %jit3A = arith.constant 0.000000e+00 : f32
    %broadcast_in_dim3A = vector.broadcast %jit3A : f32 to vector<5008x128xf32>
    %select_n3A = arith.select %lt3A_15, %max3A_10, %broadcast_in_dim3A : vector<5008x128xi1>, vector<5008x128xf32>
    %get3A_16 = arith.constant 0 : index
    %get3A_17 = arith.constant 0 : index
    %get3A_18 = vector.load %arg4[%get3A_16, %get3A_17] : memref<128x128xf32, #tpu.memory_space<vmem>>, vector<128x128xf32>
    %dot_general3A = arith.constant dense<0.000000e+00> : vector<5008x128xf32>
    %dot_general3A_19 = tpu.matmul %select_n3A, %get3A_18, %dot_general3A {dimension_numbers = #tpu.dot_dimension_numbers<[1], [1], [0], [0], [0, 0, 1, 0], [], []>, precision = #tpu.contract_precision<fp32>, transpose_lhs_hint = false} : vector<5008x128xf32>, vector<128x128xf32>, vector<5008x128xf32> -> vector<5008x128xf32>
    %swap3A = arith.constant 0 : index
    %swap3A_20 = arith.constant 0 : index
    %swap3A_21 = vector.load %arg7[%swap3A, %swap3A_20] : memref<5008x128xf32, #tpu.memory_space<vmem>>, vector<5008x128xf32>
    tpu.vector_store %arg7[%swap3A, %swap3A_20], %dot_general3A_19 {strides = array<i32>} : memref<5008x128xf32, #tpu.memory_space<vmem>>, vector<5008x128xf32>,
    %get3A_22 = arith.constant 0 : index
    %get3A_23 = arith.constant 0 : index
    %get3A_24 = vector.load %arg5[%get3A_22, %get3A_23] : memref<128x128xf32, #tpu.memory_space<vmem>>, vector<128x128xf32>
    %dot_general3A_25 = arith.constant dense<0.000000e+00> : vector<5008x128xf32>
    %dot_general3A_26 = tpu.matmul %select_n3A, %get3A_24, %dot_general3A_25 {dimension_numbers = #tpu.dot_dimension_numbers<[1], [1], [0], [0], [0, 0, 1, 0], [], []>, precision = #tpu.contract_precision<fp32>, transpose_lhs_hint = false} : vector<5008x128xf32>, vector<128x128xf32>, vector<5008x128xf32> -> vector<5008x128xf32>
    %get3A_27 = arith.constant 0 : index
    %get3A_28 = arith.constant 0 : index
    %get3A_29 = vector.load %arg6[%get3A_27, %get3A_28] : memref<1x128xf32, #tpu.memory_space<vmem>>, vector<1x128xf32>
    %add3A_30 = vector.broadcast %get3A_29 : vector<1x128xf32> to vector<5008x128xf32>
    %add3A_31 = arith.addf %dot_general3A_26, %add3A_30 : vector<5008x128xf32>
    %swap3A_32 = arith.constant 0 : index
    %swap3A_33 = arith.constant 0 : index
    %swap3A_34 = vector.load %arg8[%swap3A_32, %swap3A_33] : memref<5008x128xf32, #tpu.memory_space<vmem>>, vector<5008x128xf32>
    tpu.vector_store %arg8[%swap3A_32, %swap3A_33], %add3A_31 {strides = array<i32>} : memref<5008x128xf32, #tpu.memory_space<vmem>>, vector<5008x128xf32>,
    return
  }
  func.func @transform_0(%arg0: i32) -> (i32, i32) {
    %c0_i32 = arith.constant 0 : i32
    %c0_i32_0 = arith.constant 0 : i32
    return %arg0, %c0_i32 : i32, i32
  }
  func.func @transform_1(%arg0: i32) -> (i32, i32) {
    %c0_i32 = arith.constant 0 : i32
    %c0_i32_0 = arith.constant 0 : i32
    return %arg0, %c0_i32 : i32, i32
  }
  func.func @transform_2(%arg0: i32) -> (i32, i32) {
    %c0_i32 = arith.constant 0 : i32
    %c0_i32_0 = arith.constant 0 : i32
    return %arg0, %c0_i32 : i32, i32
  }
  func.func @transform_3(%arg0: i32) -> (i32, i32) {
    %c0_i32 = arith.constant 0 : i32
    %c0_i32_0 = arith.constant 0 : i32
    %c0_i32_1 = arith.constant 0 : i32
    return %c0_i32, %c0_i32_0 : i32, i32
  }
  func.func @transform_4(%arg0: i32) -> (i32, i32) {
    %c0_i32 = arith.constant 0 : i32
    %c0_i32_0 = arith.constant 0 : i32
    %c0_i32_1 = arith.constant 0 : i32
    return %c0_i32, %c0_i32_0 : i32, i32
  }
  func.func @transform_5(%arg0: i32) -> (i32, i32) {
    %c0_i32 = arith.constant 0 : i32
    %c0_i32_0 = arith.constant 0 : i32
    %c0_i32_1 = arith.constant 0 : i32
    return %c0_i32, %c0_i32_0 : i32, i32
  }
  func.func @transform_6(%arg0: i32) -> (i32, i32) {
    %c0_i32 = arith.constant 0 : i32
    %c0_i32_0 = arith.constant 0 : i32
    return %arg0, %c0_i32 : i32, i32
  }
  func.func @transform_7(%arg0: i32) -> (i32, i32) {
    %c0_i32 = arith.constant 0 : i32
    %c0_i32_0 = arith.constant 0 : i32
    return %arg0, %c0_i32 : i32, i32
  }
}

module attributes {stable_mosaic.version = 14 : i64} {
  func.func @body(%arg0: memref<10000x128xf32, #tpu.memory_space<vmem>>, %arg1: memref<10000x128xf32, #tpu.memory_space<vmem>>, %arg2: memref<10000x128xf32, #tpu.memory_space<vmem>>, %arg3: memref<10000x128xf32, #tpu.memory_space<vmem>>) attributes {dimension_semantics = [], scalar_prefetch = 0 : i64, scratch_operands = 0 : i64, tpu.core_type = #tpu.core_type<tc>} {
    %get3A = arith.constant 0 : index
    %get3A_0 = arith.constant 0 : index
    %get3A_1 = vector.load %arg0[%get3A, %get3A_0] : memref<10000x128xf32, #tpu.memory_space<vmem>>, vector<10000x128xf32>
    %get3A_2 = arith.constant 0 : index
    %get3A_3 = arith.constant 0 : index
    %get3A_4 = vector.load %arg1[%get3A_2, %get3A_3] : memref<10000x128xf32, #tpu.memory_space<vmem>>, vector<10000x128xf32>
    %add3A = arith.addf %get3A_1, %get3A_4 : vector<10000x128xf32>
    %get3A_5 = arith.constant 0 : index
    %get3A_6 = arith.constant 0 : index
    %get3A_7 = vector.load %arg2[%get3A_5, %get3A_6] : memref<10000x128xf32, #tpu.memory_space<vmem>>, vector<10000x128xf32>
    %add3A_8 = arith.addf %add3A, %get3A_7 : vector<10000x128xf32>
    %swap3A = arith.constant 0 : index
    %swap3A_9 = arith.constant 0 : index
    %swap3A_10 = vector.load %arg3[%swap3A, %swap3A_9] : memref<10000x128xf32, #tpu.memory_space<vmem>>, vector<10000x128xf32>
    tpu.vector_store %arg3[%swap3A, %swap3A_9], %add3A_8 {strides = array<i32>} : memref<10000x128xf32, #tpu.memory_space<vmem>>, vector<10000x128xf32>,
    return
  }
}

</mosaic_0001>

<sc_bundles>
// kernel: kernel.10.cloned.1.call-start
scs
__scs_entry_jumppad:
0x0: {  	(pc) =	sbr.rel $0x88, $3  }
0x1: {  	(tag) =	ssettag $0x0;
	lr =	simm.s32 $0x1  }
0x2: {  	[smem:$0x3F99] =	sst lr;
	_ =	strace $0xD0000000  }
0x3: {  	_ = 	snop  }
0x4: {  	_ = 	snop  }
0x5: {  	_ = 	snop  }
0x6: {  	_ = 	snop  }
0x7: {  	_ = 	snop  }
__scs_overlays_trampoline_lowered:
0x8: {  	[smem:$0x3FA8] =	sst s0  }
0x9: {  	[smem:$0x3FA9] =	sst s1  }
0xa: {  	[smem:$0x3FAA] =	sst s2  }
0xb: {  	[smem:$0x3FAB] =	sst s3  }
0xc: {  	[smem:$0x3FAC] =	sst s4  }
0xd: {  	[smem:$0x3FAD] =	sst s5  }
0xe: {  	[smem:$0x3FAE] =	sst s6  }
0xf: {  	[smem:$0x3FAF] =	sst s7  }
0x10: {  	[smem:$0x3FB0] =	sst s8  }
0x11: {  	[smem:$0x3FB1] =	sst s9;
	s0 =	simm.s32 @!p0 $0x0  }
0x12: {  	s1 =	sld [smem:$0x3F97];
	s0 =	simm.s32 @p0 $0x1  }
0x13: {  	[smem:$0x3FB2] =	sst s0;
	s0 =	simm.s32 @!p1 $0x0  }
0x14: {  	s2 =	sld [smem:$0x3F96];
	s0 =	simm.s32 @p1 $0x1  }
0x15: {  	[smem:$0x3FB3] =	sst s0;
	s0 =	simm.s32 @!p2 $0x0  }
0x16: {  	s3 =	sld [smem:$0x3FDB];
	s0 =	simm.s32 @p2 $0x1  }
0x17: {  	s4 =	simm.s32 $0x1BF5;
	[smem:$0x3FB5] =	sst s0  }
0x18: {  	s0 =	sld [smem:$0x3F98];
	_ =	swait.ge [sflag:s4], $0x0  }
0x19: {  	s7 =	sld [smem:$0x3F99]  }
0x1a: {  	s8 =	sadd.s32 $0xFFFFE003, lr  }
0x1b: {  	s9 =	sadd.s32 $0xFFFFFEF7, lr;
	s5 =	simm.s32 $0xFFFFFFFF;
	p2 =	slt.u32 s8, $0xFFFFF086  }
0x1c: {  	p1 =	slt.u32 s9, $0xF7A;
	s5 =	simm.s32 @!p2 $0x0  }
0x1d: {  	s5 =	simm.s32 @p1 $0x1;
	p0 =	seq.s32 s7, s2  }
0x1e: {  	s7 =	smul.u32 @!p0 $0xF7A, s2;
	p2 =	seq.s32 @!p0 s5, $0x0  }
0x1f: {  	s9 =	smul.u32 $0xF7A, s1;
	s8 =	simm.s32 @!p0 $0x1BF5;
	p2 =	por !p2, p0  }
0x20: {  	[sflag:s8] =	ssyncset.s32 @!p0 $0xFFFFF086;
	s6 =	sadd.s32 @!p0 s3, s7;
	s7 =	simm.s32 @!p0 $0x108  }
0x21: {  	s3 =	sadd.s32 s3, s9;
	s6 =	sadd.s32 @!p0 $0x88, s6;
	s7 =	simm.s32 @p2 $0x1082  }
0x22: {  	[simem:s7], [sflag:s8] =	dma.local @!p0 [hbm:s6], $0xF7A  }
0x23: {  	s9 =	sor.u32 $0xD0000000, s2;
	s6 =	simm.s32 $0x108;
	_ =	swait.ge @!p0 [sflag:s8], $0x0  }
0x24: {  	s3 =	sadd.s32 $0x88, s3;
	s6 =	simm.s32 @!p1 $0x1082;
	[sflag:s4] =	ssyncset.s32 $0xFFFFF086  }
0x25: {  	[simem:s6], [sflag:s4] =	dma.local [hbm:s3], $0xF7A  }
0x26: {  	[smem:$0x3F99] =	sst s1;
	(tag) =	ssettag s2;
	_ =	strace s9  }
0x27: {  	s1 =	sld [smem:$0x3FA9]  }
0x28: {  	s2 =	sld [smem:$0x3FAA]  }
0x29: {  	s4 =	sld [smem:$0x3FAC]  }
0x2a: {  	p0 =	seq.s32 s5, $0x0;
	s5 =	sld [smem:$0x3FAD]  }
0x2b: {  	s6 =	sld [smem:$0x3FAE]  }
0x2c: {  	s7 =	sld [smem:$0x3FAF]  }
0x2d: {  	s3 =	simm.s32 $0x108;
	s8 =	sld [smem:$0x3FB0]  }
0x2e: {  	s3 =	simm.s32 @!p0 $0x1082;
	s9 =	sld [smem:$0x3FB1]  }
0x2f: {  	lr =	sadd.s32 s0, s3;
	s0 =	sld [smem:$0x3FA8]  }
0x30: {  	s3 =	sld [smem:$0x3FAB]  }
0x31: {  	[smem:$0x3FB4] =	sst s10  }
0x32: {  	s10 =	sld [smem:$0x3FB2];
	_ =	sdelay $0x3  }
0x33: {  	p0 =	seq.s32 s10, $0x1;
	s10 =	sld [smem:$0x3FB4];
	_ =	sdelay $0x3  }
0x34: {  	[smem:$0x3FB4] =	sst s10  }
0x35: {  	s10 =	sld [smem:$0x3FB3];
	_ =	sdelay $0x3  }
0x36: {  	p1 =	seq.s32 s10, $0x1;
	s10 =	sld [smem:$0x3FB4];
	_ =	sdelay $0x3  }
0x37: {  	[smem:$0x3FB4] =	sst s10  }
0x38: {  	s10 =	sld [smem:$0x3FB5]  }
0x39: {  	_ = 	snop;
	(pc) =	sbr.ind lr, $3  }
0x3a: {  	_ = 	snop  }
0x3b: {  	_ = 	snop  }
0x3c: {  	p2 =	seq.s32 s10, $0x1;
	s10 =	sld [smem:$0x3FB4]  }
0x3d: {  	_ =	shalt  }
0x3e: {  	_ =	shalt  }
0x3f: {  	_ =	shalt  }
0x40: {  	_ =	shalt  }
0x41: {  	_ =	shalt  }
0x42: {  	_ =	shalt  }
0x43: {  	_ =	shalt  }
0x44: {  	_ =	shalt  }
0x45: {  	_ =	shalt  }
0x46: {  	_ =	shalt  }
0x47: {  	_ =	shalt  }
0x48: {  	_ =	shalt  }
0x49: {  	_ =	shalt  }
0x4a: {  	_ =	shalt  }
0x4b: {  	_ =	shalt  }
0x4c: {  	_ =	shalt  }
0x4d: {  	_ =	shalt  }
0x4e: {  	_ =	shalt  }
0x4f: {  	_ =	shalt  }
0x50: {  	_ =	shalt  }
0x51: {  	_ =	shalt  }
0x52: {  	_ =	shalt  }
0x53: {  	_ =	shalt  }
0x54: {  	_ =	shalt  }
0x55: {  	_ =	shalt  }
0x56: {  	_ =	shalt  }
0x57: {  	_ =	shalt  }
0x58: {  	_ =	shalt  }
0x59: {  	_ =	shalt  }
0x5a: {  	_ =	shalt  }
0x5b: {  	_ =	shalt  }
0x5c: {  	_ =	shalt  }
0x5d: {  	_ =	shalt  }
0x5e: {  	_ =	shalt  }
0x5f: {  	_ =	shalt  }
0x60: {  	_ =	shalt  }
0x61: {  	_ =	shalt  }
0x62: {  	_ =	shalt  }
0x63: {  	_ =	shalt  }
0x64: {  	_ =	shalt  }
0x65: {  	_ =	shalt  }
0x66: {  	_ =	shalt  }
0x67: {  	_ =	shalt  }
0x68: {  	_ =	shalt  }
0x69: {  	_ =	shalt  }
0x6a: {  	_ =	shalt  }
0x6b: {  	_ =	shalt  }
0x6c: {  	_ =	shalt  }
0x6d: {  	_ =	shalt  }
0x6e: {  	_ =	shalt  }
0x6f: {  	_ =	shalt  }
0x70: {  	_ =	shalt  }
0x71: {  	_ =	shalt  }
0x72: {  	_ =	shalt  }
0x73: {  	_ =	shalt  }
0x74: {  	_ =	shalt  }
0x75: {  	_ =	shalt  }
0x76: {  	_ =	shalt  }
0x77: {  	_ =	shalt  }
0x78: {  	_ =	shalt  }
0x79: {  	_ =	shalt  }
0x7a: {  	_ =	shalt  }
0x7b: {  	_ =	shalt  }
0x7c: {  	_ =	shalt  }
0x7d: {  	_ =	shalt  }
0x7e: {  	_ =	shalt  }
0x7f: {  	_ =	shalt  }
0x80: {  	_ =	shalt  }
0x81: {  	_ =	shalt  }
0x82: {  	_ =	shalt  }
0x83: {  	_ =	shalt  }
0x84: {  	_ =	shalt  }
0x85: {  	_ =	shalt  }
0x86: {  	_ =	shalt  }
0x87: {  	_ =	shalt  }
.Lfunc_end0:
.L_simem_size_0:
called_computation.1_lowered:
.L_overlay_start_0:
0x88: {  	s2 =	sld [smem:$0x3FD9]  }
0x89: {  	s3 =	sld [smem:$0x3FFE];
	_ =	sdelay $0x1  }
0x8a: {  	s1 =	srdreg.scid  }
0x8b: {  	s0 =	sand.u32 $0x1, s1  }
0x8c: {  	s17 =	sshll.u32 s0, $0xA;
	s2 =	sadd.s32 s3, s2  }
0x8d: {  	s2 =	sadd.s32 s2, s17  }
0x8e: {  	[smem:$0x3FC0] =	sst s2  }
0x8f: {  	_ = 	snop  }
0x90: {  	s2 =	sld [smem:$0x3FD0];
	(tm) =	ssettm $0x1  }
0x91: {  	s18 =	sld [smem:$0x3FFB];
	_ =	sdelay $0x3  }
0x92: {  	_ =	strace s18  }
0x93: {  	s3 =	sld [smem:$0x3FFC];
	_ =	sdelay $0x3  }
0x94: {  	_ =	strace s3  }
0x95: {  	s3 =	sld [smem:$0x3FFD];
	_ =	sdelay $0x3  }
0x96: {  	_ =	strace s3  }
0x97: {  	_ =	strace $0x8FFFFFFF  }
0x98: {  	s19 =	sld [smem:$0x3FDB];
	_ =	sdelay $0x1  }
0x99: {  	s4 =	simm.s32 $_scs_section_size  }
0x9a: {  	s5 =	simm.s32 $_size__tile_overlayer_lowered;
	s6 =	simm.s32 $_tile_overlayer_lowered  }
0x9b: {  	s22 =	simm.s32 $0x1BFF;
	s21 =	sshll.u32 s6, $0x1;
	s3 =	sadd.s32 s4, s19  }
0x9c: {  	s7 =	simm.s32 $0x0;
	s20 =	sshll.u32 s5, $0x1;
	s5 =	sadd.s32 s21, s3  }
0x9d: {  	[timem:s7], [sflag:s22] =	dma.local [hbm:s5], s20  }
0x9e: {  	_ =	swait.ge [sflag:s22], s20  }
0x9f: {  	s4 =	ssub.s32 $0x0, s20;
	[sflag:s22] =	ssyncset.done $0x0  }
0xa0: {  	[sflag:s22] =	ssyncadd.s32 s4;
	_ =	sdelay $0x1  }
0xa1: {  	s23 =	simm.s32 $0x1B8B  }
0xa2: {  	_ =	swait.ge [sflag:s23], $0x1  }
0xa3: {  	[sflag:s23] =	ssyncset.done $0x0  }
0xa4: {  	s25 =	simm.s32 $0x1B8E;
	s24 =	sld [smem:$0x3FFE];
	[sflag:s23] =	ssyncadd.s32 $0xFFFFFFFF  }
0xa5: {  	s26 =	simm.s32 $execute0_lowered;
	[smem:$0x3FD2] =	sst s25  }
0xa6: {  	s5 =	sshll.u32 s26, $0x1;
	_ =	strace $0x80000049;
	[dreg:$0x1] =	wrdreg $0xFFFFFFFF  }
0xa7: {  	s28 =	simm.s32 $_size_execute0_lowered;
	s3 =	sadd.s32 s3, s5;
	[dreg:$0x0] =	wrdreg $0x0  }
0xa8: {  	s5 =	sshll.u32 s28, $0x1;
	[dreg:$0x2] =	wrdreg s3  }
0xa9: {  	[dreg:$0x3] =	wrdreg s5  }
0xaa: {  	[dreg:$0x4] =	wrdreg $0xC0  }
0xab: {  	_ =	task [dreg:s7], $0x5FFFF  }
0xac: {  	[dreg:$0x1] =	wrdreg $0xFFFFFFFF  }
0xad: {  	[dreg:$0x0] =	wrdreg $0x60  }
0xae: {  	[dreg:$0x2] =	wrdreg s24  }
0xaf: {  	[dreg:$0x3] =	wrdreg s2  }
0xb0: {  	[dreg:$0x4] =	wrdreg $0xC2000  }
0xb1: {  	[dreg:$0x5] =	wrdreg $0x9  }
0xb2: {  	_ =	task.clear_ibuf [dreg:s7], $0x6FFFF;
	_ =	strace $0x90000049  }
0xb3: {  	s29 =	simm.s32 $0x9;
	_ =	strace $0x8000004B  }
0xb4: {  	_ =	swait.ge [sflag:s29], $0x1  }
0xb5: {  	[sflag:s29] =	ssyncadd.s32 $0xFFFFFFFF  }
0xb6: {  	_ =	strace $0x9000004B  }
0xb7: {  	_ =	sfence  }
0xb8: {  	s30 =	sld [smem:$0x0];
	_ =	sdelay $0x2  }
0xb9: {  	s31 =	sshll.u32 s1, $0xD;
	s1 =	sshrl.u32 s1, $0x2  }
0xba: {  	s3 =	sand.u32 $0x4000, s31;
	s1 =	sadd.s32 s1, s30  }
0xbb: {  	s0 =	sor.u32 s3, s0;
	s1 =	sshll.u32 s1, $0x11  }
0xbc: {  	s0 =	sor.u32 s1, s0  }
0xbd: {  	s0 =	sadd.s32 $0x8F2B, s0  }
0xbe: {  	[sflag:s0] =	ssyncadd.remote.s32 $0x1  }
0xbf: {  	_ =	sfence.sel $0xFFFF  }
0xc0: {  	[dreg:$0x0] =	wrdreg $0xFFFFFFFF;
	(pc) =	sbr.abs _section_cstart, $3  }
0xc1: {  	[dreg:$0x1] =	wrdreg $0xFFFFFFFF  }
0xc2: {  	_ =	task.clear_ibuf [dreg:s7], $0x2FFFF;
	_ =	strace $0x9FFFFFFF  }
0xc3: {  	(tm) =	ssettm $0x7FFFFFFF  }
tec
execute0_lowered:
.L_overlay_start_1:
0x0: {  	(tag) =	ssettag $0x1  }
0x1: {  	s0 =	rddreg [dreg:$0x0]  }
0x2: {  	s1 =	srdreg.scid;
	s6 =	rddreg [dreg:$0x1]  }
0x3: {  	s2 =	rddreg [dreg:$0x2];
	s15 =	stileid.u32;
	s3 =	simm.s32 $0x0  }
0x4: {  	s29 =	simm.s32 $0x7;
	s30 =	simm.s32 $0x3C00;
	s31 =	simm.s32 $0x58  }
0x5: {  	s1 =	sand.u32 $0x1, s1;
	[smem:$0x7FF] =	sst s3;
	s8 =	smul.u32 $0x4F000, s15  }
0x6: {  	s10 =	smul.u32 $0x2780, s15;
	s12 =	sadd.s32 $0x2A00, s0;
	p3 =	sne.s32 s15, $0xF  }
0x7: {  	p0 =	seq.s32 s15, $0xF;
	s16 =	sadd.s32 $0x136000, s2;
	s18 =	sadd.s32 $0x25080, s6  }
0x8: {  	s21 =	sadd.s32 $0x12DC00, s2;
	_ =	strace $0x8000004A;
	[dreg:$0x5] =	wrdreg s16  }
0x9: {  	s22 =	sadd.s32 $0x130800, s2;
	s23 =	sadd.s32 $0x12B000, s2;
	[dreg:$0x9] =	wrdreg s18  }
0xa: {  	s24 =	sadd.s32 $0x133400, s2;
	s26 =	smul.u32 $0x720, s15;
	[dreg:$0xe] =	wrdreg s21  }
0xb: {  	s4 =	sshll.u32 s1, $0x4;
	s14 =	ssub.s32 $0x2, s1;
	[dreg:$0xf] =	wrdreg s22  }
0xc: {  	p2 =	seq.s32 s1, $0x0;
	p4 =	seq.s32 s1, $0x1;
	[dreg:$0x10] =	wrdreg s23  }
0xd: {  	[dreg:$0x11] =	wrdreg s24;
	s25 =	smul.u32 $0x7200, s1;
	s1 =	simm.s32 $0x1  }
0xe: {  	s16 =	simm.s32 $0x0;
	s7 =	sor.u32 s15, s4;
	s4 =	sadd.s32 $0x1FE00, s0  }
0xf: {  	s11 =	sshrl.u32 s14, $0x1;
	s8 =	sshrl.u32 s8, $0x2;
	s13 =	sadd.s32 s10, s0  }
0x10: {  	p1 =	por !p2, !p3;
	p2 =	por !p2, !p0;
	s6 =	sadd.s32 s6, s10  }
0x11: {  	p3 =	por !p3, !p4;
	p4 =	por !p0, !p4;
	s15 =	simm.s32 $0x4  }
0x12: {  	s10 =	simm.s32 $0x3;
	s5 =	smul.u32 $0x780, s7;
	s14 =	ssub.s32 s14, s11  }
0x13: {  	s7 =	smul.u32 $0x720, s7;
	p1 =	por !p1, !p1;
	p2 =	por !p2, !p2  }
0x14: {  	s11 =	sadd.s32 $0x128400, s2;
	[dreg:$0xa] =	wrdreg s6;
	p3 =	por !p3, !p3  }
0x15: {  	s19 =	sadd.s32 $0x47000, s13;
	p4 =	por !p4, !p4;
	s13 =	simm.s32 $0x6A00  }
0x16: {  	s6 =	simm.s32 $0x3D00;
	[dreg:$0xc] =	wrdreg s19;
	s20 =	smax.u32 s14, $0x1  }
0x17: {  	p4 =	por !p4, p3;
	s14 =	simm.s32 $0x9600;
	s9 =	sadd.s32 s5, s0  }
0x18: {  	s5 =	sadd.s32 s8, s2;
	s7 =	sadd.s32 s12, s7;
	[dreg:$0xd] =	wrdreg s20  }
0x19: {  	s0 =	sadd.s32 $0x6C080, s0;
	s8 =	sadd.s32 $0x13400, s5;
	[dreg:$0x7] =	wrdreg s7  }
0x1a: {  	s17 =	sadd.s32 $0x10E00, s9;
	s7 =	sadd.s32 $0x10, s7;
	[dreg:$0xb] =	wrdreg s0  }
0x1b: {  	s21 =	sadd.s32 $0x2C00, s5;
	s22 =	sadd.s32 $0x5800, s5;
	s0 =	sadd.s32 s25, s12  }
.Ltmp0:
0x1c: {  	s23 =	sadd.s32 $0x8400, s5;
	[dreg:$0x4] =	wrdreg s8;
	(pc) =	sbr.rel .LBB2_1-.Ltmp0, $4  }
0x1d: {  	s24 =	sadd.s32 $0xB000, s5;
	s28 =	sadd.s32 $0x10800, s5;
	[dreg:$0x6] =	wrdreg s17  }
0x1e: {  	s12 =	simm.s32 $0x3C80;
	s9 =	simm.s32 $0x6;
	[dreg:$0x8] =	wrdreg s7  }
0x1f: {  	s0 =	sadd.s32 s26, s0;
	s26 =	sadd.s32 $0xDC00, s5;
	s7 =	simm.s32 $0x2  }
0x20: {  	v0 =	vimm.f32 $0.0e+00;
	s8 =	simm.s32 $0x5;
	s18 =	sadd.s32 $0x20, s0;
	s0 =	simm.s32 $0x3E00  }
.LBB2_10:
0x21: {  	s17 =	sshrl.u32 s11, $0x3;
	s19 =	rddreg [dreg:$0x9];
	s20 =	simm.s32 $0x1FC7  }
0x22: {  	[hbm:s19], [sflag:s20] =	dma.local [spmem:s17], $0x2080  }
0x23: {  	_ =	swait.ge [sflag:s29], $0x2080  }
0x24: {  	[sflag:s29] =	ssyncset.done $0x0  }
0x25: {  	[sflag:s29] =	ssyncadd.s32 $0xFFFFDF80  }
.LBB2_11:
0x26: {  	s16 =	sadd.s32 $0x1, s16;
	s17 =	rddreg [dreg:$0xd]  }
0x27: {  	p5 =	sne.s32 s16, s17  }
.Ltmp1:
0x28: {  	_ = 	snop;
	(pc) =	sbr.rel @!p5 .LBB2_12-.Ltmp1, $1  }
0x29: {  	_ =	sdelay $0x3  }
.LBB2_1:
0x2a: {  	s17 =	simm.s32 $0x70;
	s19 =	simm.s32 $0x3C0  }
.LBB2_2:
0x2b: {  	p5 =	sne.s32 s19, $0xAFC0;
	[tilespmem:s17+$0x3E00] =	vst v0  }
0x2c: {  	[tilespmem:s17+$0x3D90] =	vst v0  }
0x2d: {  	[tilespmem:s17+$0x3DA0] =	vst v0  }
.Ltmp2:
0x2e: {  	[tilespmem:s17+$0x3DB0] =	vst v0;
	(pc) =	sbr.rel @p5 .LBB2_2-.Ltmp2, $4  }
0x2f: {  	[tilespmem:s17+$0x3DC0] =	vst v0  }
0x30: {  	[tilespmem:s17+$0x3DD0] =	vst v0  }
0x31: {  	[tilespmem:s17+$0x3DE0] =	vst v0  }
0x32: {  	[tilespmem:s17+$0x3DF0] =	vst v0;
	s17 =	sshra.s32 s19, $0x2;
	s19 =	sadd.s32 $0x200, s19  }
0x33: {  	[tilespmem:s17+$0x3E00] =	vst v0  }
0x34: {  	[tilespmem:s17+$0x3D90] =	vst v0  }
0x35: {  	[tilespmem:s17+$0x3DA0] =	vst v0  }
0x36: {  	[tilespmem:s17+$0x3DB0] =	vst v0  }
0x37: {  	[tilespmem:s17+$0x3DC0] =	vst v0  }
0x38: {  	[tilespmem:s17+$0x3DD0] =	vst v0  }
0x39: {  	[tilespmem:s17+$0x3DE0] =	vst v0  }
0x3a: {  	[tilespmem:s17+$0x3DF0] =	vst v0;
	s17 =	simm.s32 @p0 $0x3E00;
	s19 =	simm.s32 @p0 $0x7  }
0x3b: {  	[spmem:s11] =	stream.linear.scatter @p0 [tilespmem:s17], [sflag:$0x7], $0x2C00, $0x38;
	[tilespmem:$0x1FA80] =	vst v63  }
0x3c: {  	_ =	swait.ge @p0 [sflag:s19], $0x2C00  }
0x3d: {  	[sflag:s19] =	ssyncset.done @p0 $0x0  }
0x3e: {  	s20 =	rddreg [dreg:$0x10];
	[sflag:s19] =	ssyncadd.s32 @p0 $0xFFFFD400  }
0x3f: {  	[spmem:s20] =	stream.linear.scatter @p0 [tilespmem:s17], [sflag:$0x7], $0x2C00, $0x38;
	[tilespmem:$0x1FA80] =	vst v63  }
0x40: {  	_ =	swait.ge @p0 [sflag:s19], $0x2C00  }
0x41: {  	[sflag:s19] =	ssyncset.done @p0 $0x0  }
0x42: {  	s20 =	rddreg [dreg:$0xe];
	[sflag:s19] =	ssyncadd.s32 @p0 $0xFFFFD400  }
0x43: {  	[spmem:s20] =	stream.linear.scatter @p0 [tilespmem:s17], [sflag:$0x7], $0x2C00, $0x38;
	[tilespmem:$0x1FA80] =	vst v63  }
0x44: {  	_ =	swait.ge @p0 [sflag:s19], $0x2C00  }
0x45: {  	[sflag:s19] =	ssyncset.done @p0 $0x0  }
0x46: {  	s20 =	rddreg [dreg:$0xf];
	[sflag:s19] =	ssyncadd.s32 @p0 $0xFFFFD400  }
0x47: {  	[spmem:s20] =	stream.linear.scatter @p0 [tilespmem:s17], [sflag:$0x7], $0x2C00, $0x38;
	[tilespmem:$0x1FA80] =	vst v63  }
0x48: {  	_ =	swait.ge @p0 [sflag:s19], $0x2C00  }
0x49: {  	[sflag:s19] =	ssyncset.done @p0 $0x0  }
0x4a: {  	s20 =	rddreg [dreg:$0x11];
	[sflag:s19] =	ssyncadd.s32 @p0 $0xFFFFD400  }
0x4b: {  	[spmem:s20] =	stream.linear.scatter @p0 [tilespmem:s17], [sflag:$0x7], $0x2C00, $0x38;
	[tilespmem:$0x1FA80] =	vst v63  }
0x4c: {  	_ =	swait.ge @p0 [sflag:s19], $0x2C00  }
0x4d: {  	[sflag:s19] =	ssyncset.done @p0 $0x0  }
0x4e: {  	s20 =	rddreg [dreg:$0x5];
	[sflag:s19] =	ssyncadd.s32 @p0 $0xFFFFD400  }
0x4f: {  	[spmem:s20] =	stream.linear.scatter @p0 [tilespmem:s17], [sflag:$0x7], $0x2800, $0x38;
	[tilespmem:$0x1FA80] =	vst v63  }
0x50: {  	_ =	swait.ge @p0 [sflag:s19], $0x2800  }
0x51: {  	[sflag:s19] =	ssyncset.done @p0 $0x0  }
0x52: {  	s17 =	simm.s32 @!p0 $0x3E00;
	[sflag:s19] =	ssyncadd.s32 @p0 $0xFFFFD800;
	s19 =	simm.s32 @!p0 $0x7  }
0x53: {  	[spmem:s5] =	stream.linear.scatter @!p0 [tilespmem:s17], [sflag:$0x7], $0x2C00, $0x38;
	[tilespmem:$0x1FA80] =	vst v63  }
0x54: {  	_ =	swait.ge @!p0 [sflag:s19], $0x2C00  }
0x55: {  	[sflag:s19] =	ssyncset.done @!p0 $0x0  }
0x56: {  	[sflag:s19] =	ssyncadd.s32 @!p0 $0xFFFFD400  }
0x57: {  	[spmem:s21] =	stream.linear.scatter @!p0 [tilespmem:s17], [sflag:$0x7], $0x2C00, $0x38;
	[tilespmem:$0x1FA80] =	vst v63  }
0x58: {  	_ =	swait.ge @!p0 [sflag:s19], $0x2C00  }
0x59: {  	[sflag:s19] =	ssyncset.done @!p0 $0x0  }
0x5a: {  	[sflag:s19] =	ssyncadd.s32 @!p0 $0xFFFFD400  }
0x5b: {  	[spmem:s22] =	stream.linear.scatter @!p0 [tilespmem:s17], [sflag:$0x7], $0x2C00, $0x38;
	[tilespmem:$0x1FA80] =	vst v63  }
0x5c: {  	_ =	swait.ge @!p0 [sflag:s19], $0x2C00  }
0x5d: {  	[sflag:s19] =	ssyncset.done @!p0 $0x0  }
0x5e: {  	[sflag:s19] =	ssyncadd.s32 @!p0 $0xFFFFD400  }
0x5f: {  	[spmem:s23] =	stream.linear.scatter @!p0 [tilespmem:s17], [sflag:$0x7], $0x2C00, $0x38;
	[tilespmem:$0x1FA80] =	vst v63  }
0x60: {  	_ =	swait.ge @!p0 [sflag:s19], $0x2C00  }
0x61: {  	[sflag:s19] =	ssyncset.done @!p0 $0x0  }
0x62: {  	[sflag:s19] =	ssyncadd.s32 @!p0 $0xFFFFD400  }
0x63: {  	[spmem:s24] =	stream.linear.scatter @!p0 [tilespmem:s17], [sflag:$0x7], $0x2C00, $0x38;
	[tilespmem:$0x1FA80] =	vst v63  }
0x64: {  	_ =	swait.ge @!p0 [sflag:s19], $0x2C00  }
0x65: {  	[sflag:s19] =	ssyncset.done @!p0 $0x0  }
0x66: {  	[sflag:s19] =	ssyncadd.s32 @!p0 $0xFFFFD400  }
0x67: {  	[spmem:s26] =	stream.linear.scatter @!p0 [tilespmem:s17], [sflag:$0x7], $0x2C00, $0x38;
	[tilespmem:$0x1FA80] =	vst v63  }
0x68: {  	_ =	swait.ge @!p0 [sflag:s19], $0x2C00  }
0x69: {  	[sflag:s19] =	ssyncset.done @!p0 $0x0  }
0x6a: {  	[sflag:s19] =	ssyncadd.s32 @!p0 $0xFFFFD400  }
0x6b: {  	[spmem:s28] =	stream.linear.scatter @!p0 [tilespmem:s17], [sflag:$0x7], $0x2C00, $0x38;
	[tilespmem:$0x1FA80] =	vst v63  }
0x6c: {  	_ =	swait.ge @!p0 [sflag:s19], $0x2C00  }
0x6d: {  	[sflag:s19] =	ssyncset.done @!p0 $0x0  }
0x6e: {  	s20 =	rddreg [dreg:$0x4];
	[sflag:s19] =	ssyncadd.s32 @!p0 $0xFFFFD400  }
0x6f: {  	[spmem:s20] =	stream.linear.scatter @!p0 [tilespmem:s17], [sflag:$0x7], $0x800, $0x38;
	[tilespmem:$0x1FA80] =	vst v63  }
0x70: {  	_ =	swait.ge @!p0 [sflag:s19], $0x800  }
0x71: {  	[sflag:s19] =	ssyncset.done @!p0 $0x0  }
0x72: {  	s17 =	simm.s32 $0x0;
	s20 =	rddreg [dreg:$0x6];
	[sflag:s19] =	ssyncadd.s32 @!p0 $0xFFFFF800  }
0x73: {  	[tilespmem:s17], [sflag:$0x7] =	stream.linear.gather [hbm4b:s20+s17], $0x3900, $0x38;
	[tilespmem:$0x1FA80] =	vst v63  }
0x74: {  	_ =	swait.ge [sflag:s29], $0x3900  }
0x75: {  	[sflag:s29] =	ssyncset.done $0x0  }
0x76: {  	s25 =	rddreg [dreg:$0x7];
	[sflag:s29] =	ssyncadd.s32 $0xFFFFC700  }
0x77: {  	[tilespmem:s30], [sflag:$0x4] =	stream.linear.gather [hbm4b:s25+s17], $0x80, $0x38;
	[tilespmem:$0x1FA80] =	vst v63  }
0x78: {  	_ = 	snop  }
0x79: {  	[tilespmem:s0], [sflag:$0x1] =	stream.indirect.gather [hbm4b:s4+s31], $0x80, s17, s31, $0xb8;
	[tilespmem:$0x1FA80] =	vst v63  }
0x7a: {  	s20 =	rddreg [dreg:$0x8]  }
0x7b: {  	[tilespmem:s12], [sflag:$0x5] =	stream.linear.gather [hbm4b:s20+s17], $0x80, $0x38;
	[tilespmem:$0x1FA80] =	vst v63  }
0x7c: {  	s25 =	simm.s32 $0x80  }
0x7d: {  	[tilespmem:s13], [sflag:$0x2] =	stream.indirect.gather [hbm4b:s4+s31], $0x80, s25, s31, $0xb8;
	[tilespmem:$0x1FA80] =	vst v63  }
0x7e: {  	s25 =	smov.u32 s18;
	[bflag:$0x0] =	sbarrier.arrive $0xFFFF  }
.LBB2_4:
0x7f: {  	_ =	swait.ge [sflag:s1], $0x2C00  }
0x80: {  	s19 =	sshra.s32 s17, $0x2;
	[sflag:s1] =	ssyncset.done $0x0  }
0x81: {  	s20 =	sadd.s32 $0x100, s19;
	[sflag:s1] =	ssyncadd.s32 $0xFFFFD400  }
0x82: {  	[tilespmem:s14], [sflag:$0x3] =	stream.indirect.gather [hbm4b:s4+s31], $0x80, s20, s31, $0xb8;
	[tilespmem:$0x1FA80] =	vst v63  }
0x83: {  	_ =	swait.ge [sflag:s15], $0x80  }
0x84: {  	[sflag:s15] =	ssyncset.done $0x0  }
0x85: {  	[sflag:s15] =	ssyncadd.s32 $0xFFFFFF80  }
0x86: {  	[spmem:s2] =	stream.indirect.scatter.add.f32 [tilespmem:s0], [sflag:$0x7], $0x80, s30, s31, $0xb8;
	[tilespmem:$0x1FA80] =	vst v63  }
0x87: {  	_ =	swait.ge [sflag:s29], $0x2C00  }
0x88: {  	p5 =	seq.s32 s17, $0xDE00;
	[sflag:s29] =	ssyncset.done $0x0  }
.Ltmp3:
0x89: {  	[sflag:s29] =	ssyncadd.s32 $0xFFFFD400;
	(pc) =	sbr.rel @p5 .LBB2_6-.Ltmp3, $4  }
0x8a: {  	[tilespmem:s6], [sflag:$0x6] =	stream.linear.gather [hbm4b:s25+s3], $0x80, $0x38;
	[tilespmem:$0x1FA80] =	vst v63  }
0x8b: {  	_ =	swait.ge [sflag:s7], $0x2C00  }
0x8c: {  	[sflag:s7] =	ssyncset.done $0x0  }
0x8d: {  	[sflag:s7] =	ssyncadd.s32 $0xFFFFD400  }
0x8e: {  	s20 =	sadd.s32 $0x180, s19  }
0x8f: {  	[tilespmem:s0], [sflag:$0x1] =	stream.indirect.gather [hbm4b:s4+s31], $0x80, s20, s31, $0xb8;
	[tilespmem:$0x1FA80] =	vst v63  }
0x90: {  	_ =	swait.ge [sflag:s8], $0x80  }
0x91: {  	[sflag:s8] =	ssyncset.done $0x0  }
0x92: {  	[sflag:s8] =	ssyncadd.s32 $0xFFFFFF80  }
0x93: {  	[spmem:s2] =	stream.indirect.scatter.add.f32 [tilespmem:s13], [sflag:$0x7], $0x80, s12, s31, $0xb8;
	[tilespmem:$0x1FA80] =	vst v63  }
0x94: {  	_ =	swait.ge [sflag:s29], $0x2C00  }
0x95: {  	[sflag:s29] =	ssyncset.done $0x0  }
0x96: {  	s20 =	sadd.s32 $0x10, s25;
	[sflag:s29] =	ssyncadd.s32 $0xFFFFD400  }
0x97: {  	[tilespmem:s30], [sflag:$0x4] =	stream.linear.gather [hbm4b:s20+s3], $0x80, $0x38;
	[tilespmem:$0x1FA80] =	vst v63  }
0x98: {  	_ =	swait.ge [sflag:s10], $0x2C00  }
0x99: {  	[sflag:s10] =	ssyncset.done $0x0  }
0x9a: {  	s20 =	sadd.s32 $0x200, s19;
	[sflag:s10] =	ssyncadd.s32 $0xFFFFD400  }
0x9b: {  	[tilespmem:s13], [sflag:$0x2] =	stream.indirect.gather [hbm4b:s4+s31], $0x80, s20, s31, $0xb8;
	[tilespmem:$0x1FA80] =	vst v63  }
0x9c: {  	_ =	swait.ge [sflag:s9], $0x80  }
0x9d: {  	[sflag:s9] =	ssyncset.done $0x0  }
0x9e: {  	[sflag:s9] =	ssyncadd.s32 $0xFFFFFF80  }
0x9f: {  	[spmem:s2] =	stream.indirect.scatter.add.f32 [tilespmem:s14], [sflag:$0x7], $0x80, s6, s31, $0xb8;
	[tilespmem:$0x1FA80] =	vst v63  }
.Ltmp4:
0xa0: {  	_ = 	snop;
	(pc) =	sbr.rel .LBB2_4-.Ltmp4, $4  }
0xa1: {  	_ =	swait.ge [sflag:s29], $0x2C00  }
0xa2: {  	s17 =	sadd.s32 $0x600, s17;
	[sflag:s29] =	ssyncset.done $0x0  }
0xa3: {  	s20 =	sadd.s32 $0x20, s25;
	s25 =	sadd.s32 $0x30, s25;
	[sflag:s29] =	ssyncadd.s32 $0xFFFFD400  }
0xa4: {  	[tilespmem:s12], [sflag:$0x5] =	stream.linear.gather [hbm4b:s20+s3], $0x80, $0x38;
	[tilespmem:$0x1FA80] =	vst v63  }
.LBB2_6:
0xa5: {  	_ =	swait.ge [sflag:s8], $0x80  }
0xa6: {  	[sflag:s8] =	ssyncset.done $0x0  }
0xa7: {  	[sflag:s8] =	ssyncadd.s32 $0xFFFFFF80  }
0xa8: {  	[spmem:s2] =	stream.indirect.scatter.add.f32 [tilespmem:s13], [sflag:$0x7], $0x80, s12, s31, $0xb8;
	[tilespmem:$0x1FA80] =	vst v63  }
0xa9: {  	_ =	swait.ge [sflag:s29], $0x2C00  }
0xaa: {  	[sflag:s29] =	ssyncset.done $0x0  }
0xab: {  	[sflag:s29] =	ssyncadd.s32 $0xFFFFD400  }
0xac: {  	_ =	swait.ge [sflag:s10], $0x2C00  }
0xad: {  	[sflag:s10] =	ssyncset.done $0x0  }
0xae: {  	[sflag:s10] =	ssyncadd.s32 $0xFFFFD400  }
0xaf: {  	_ =	swait.ge [sflag:s9], $0x80  }
0xb0: {  	[sflag:s9] =	ssyncset.done $0x0  }
0xb1: {  	[sflag:s9] =	ssyncadd.s32 $0xFFFFFF80  }
0xb2: {  	[spmem:s2] =	stream.indirect.scatter.add.f32 [tilespmem:s14], [sflag:$0x7], $0x80, s6, s31, $0xb8;
	[tilespmem:$0x1FA80] =	vst v63  }
.Ltmp5:
0xb3: {  	_ =	swait.ge [sflag:s29], $0x2C00;
	(pc) =	sbr.rel @!p1 .LBB2_9-.Ltmp5, $3  }
0xb4: {  	[sflag:s29] =	ssyncset.done $0x0  }
0xb5: {  	[sflag:s29] =	ssyncadd.s32 $0xFFFFD400  }
0xb6: {  	[bflag:$0x0] =	sbarrier.arrive $0xFFFF;
	_ =	sdelay $0x1  }
0xb7: {  	s17 =	stileid.u32  }
0xb8: {  	s19 =	sshrl.u32 s5, $0x3;
	s17 =	sshll.u32 s17, $0x6  }
.Ltmp6:
0xb9: {  	s20 =	rddreg [dreg:$0xa];
	s17 =	sor.u32 $0x1C07, s17;
	(pc) =	sbr.rel .LBB2_8-.Ltmp6, $4  }
0xba: {  	[hbm:s20], [sflag:s17] =	dma.local [spmem:s19], $0x2780  }
0xbb: {  	_ =	swait.ge [sflag:s29], $0x2780  }
0xbc: {  	[sflag:s29] =	ssyncset.done $0x0  }
0xbd: {  	[sflag:s29] =	ssyncadd.s32 $0xFFFFD880  }
.LBB2_9:
.Ltmp7:
0xbe: {  	(pc) =	sbr.rel @p2 .LBB2_10-.Ltmp7, $1  }
0xbf: {  	_ =	sdelay $0x3  }
.LBB2_8:
0xc0: {  	s17 =	sshrl.u32 @!p4 s11, $0x3;
	s19 =	simm.s32 @!p4 $0x1FC7;
	s20 =	rddreg [dreg:$0xb]  }
0xc1: {  	[hbm:s20], [sflag:s19] =	dma.local @!p4 [spmem:s17], $0x2080  }
0xc2: {  	s17 =	simm.s32 @!p4 $0x7  }
0xc3: {  	s19 =	stileid.u32;
	_ =	swait.ge @!p4 [sflag:s17], $0x2080  }
0xc4: {  	s19 =	sshll.u32 @p3 s19, $0x6;
	[sflag:s17] =	ssyncset.done @!p4 $0x0;
	s20 =	rddreg [dreg:$0xc]  }
0xc5: {  	[sflag:s17] =	ssyncadd.s32 @!p4 $0xFFFFDF80;
	s17 =	sor.u32 @p3 $0x1C07, s19;
	s19 =	sshrl.u32 @p3 s5, $0x3  }
0xc6: {  	[hbm:s20], [sflag:s17] =	dma.local @p3 [spmem:s19], $0x2780  }
.Ltmp8:
0xc7: {  	_ = 	snop;
	(pc) =	sbr.rel .LBB2_11-.Ltmp8, $4  }
0xc8: {  	s17 =	simm.s32 @p3 $0x7  }
0xc9: {  	_ =	swait.ge @p3 [sflag:s17], $0x2780  }
0xca: {  	[sflag:s17] =	ssyncset.done @p3 $0x0  }
0xcb: {  	[sflag:s17] =	ssyncadd.s32 @p3 $0xFFFFD880  }
.LBB2_12:
0xcc: {  	_ =	sfence.sel $0x180000  }
0xcd: {  	[bflag:$0x0] =	sbarrier.arrive $0xFFFF  }
0xce: {  	_ =	strace $0x9000004A  }
0xcf: {  	s0 =	stileid.u32;
	[bflag:$0x2] =	sbarrier.arrive $0xFFFF  }
0xd0: {  	p0 =	sne.s32 s0, $0x0;
	s0 =	rddreg [dreg:$0x3]  }
0xd1: {  	s0 =	sadd.s32 @!p0 $0x100000, s0  }
0xd2: {  	[sflag:s0] =	ssyncadd.tile.s32 @!p0 $0x1;
	_ =	shalt  }
.Lfunc_end2:
_tile_overlayer_lowered:
.L_overlay_start_2:
0xd3: {  	(tag) =	ssettag $0x2  }
0xd4: {  	s0 =	rddreg [dreg:$0x0];
	s2 =	stileid.u32  }
0xd5: {  	s1 =	rddreg [dreg:$0x1];
	p0 =	sne.s32 s2, $0x0  }
0xd6: {  	s3 =	rddreg [dreg:$0x2];
	[bflag:$0x3] =	sbarrier.arrive $0xFFFF;
	s2 =	simm.s32 @!p0 $0x1C07  }
0xd7: {  	[timem:s3], [sflag:s2] =	dma.local @!p0 [hbm:s0], s1  }
0xd8: {  	s0 =	simm.s32 @!p0 $0x7  }
0xd9: {  	_ =	swait.ge @!p0 [sflag:s0], s1  }
0xda: {  	s1 =	ssub.s32 @!p0 $0x0, s1;
	[sflag:s0] =	ssyncset.done @!p0 $0x0  }
0xdb: {  	[sflag:s0] =	ssyncadd.s32 @!p0 s1  }
0xdc: {  	[bflag:$0x3] =	sbarrier.arrive $0xFFFF  }
0xdd: {  	_ =	shalt  }

// kernel: kernel.7.cloned.1.call-start
scs
__scs_entry_jumppad:
0x0: {  	(pc) =	sbr.rel $0x88, $3  }
0x1: {  	(tag) =	ssettag $0x0;
	lr =	simm.s32 $0x1  }
0x2: {  	[smem:$0x3F99] =	sst lr;
	_ =	strace $0xD0000000  }
0x3: {  	_ = 	snop  }
0x4: {  	_ = 	snop  }
0x5: {  	_ = 	snop  }
0x6: {  	_ = 	snop  }
0x7: {  	_ = 	snop  }
__scs_overlays_trampoline_lowered:
0x8: {  	[smem:$0x3FA8] =	sst s0  }
0x9: {  	[smem:$0x3FA9] =	sst s1  }
0xa: {  	[smem:$0x3FAA] =	sst s2  }
0xb: {  	[smem:$0x3FAB] =	sst s3  }
0xc: {  	[smem:$0x3FAC] =	sst s4  }
0xd: {  	[smem:$0x3FAD] =	sst s5  }
0xe: {  	[smem:$0x3FAE] =	sst s6  }
0xf: {  	[smem:$0x3FAF] =	sst s7  }
0x10: {  	[smem:$0x3FB0] =	sst s8  }
0x11: {  	[smem:$0x3FB1] =	sst s9;
	s0 =	simm.s32 @!p0 $0x0  }
0x12: {  	s1 =	sld [smem:$0x3F97];
	s0 =	simm.s32 @p0 $0x1  }
0x13: {  	[smem:$0x3FB2] =	sst s0;
	s0 =	simm.s32 @!p1 $0x0  }
0x14: {  	s2 =	sld [smem:$0x3F96];
	s0 =	simm.s32 @p1 $0x1  }
0x15: {  	[smem:$0x3FB3] =	sst s0;
	s0 =	simm.s32 @!p2 $0x0  }
0x16: {  	s3 =	sld [smem:$0x3FDB];
	s0 =	simm.s32 @p2 $0x1  }
0x17: {  	s4 =	simm.s32 $0x1BF5;
	[smem:$0x3FB5] =	sst s0  }
0x18: {  	s0 =	sld [smem:$0x3F98];
	_ =	swait.ge [sflag:s4], $0x0  }
0x19: {  	s7 =	sld [smem:$0x3F99]  }
0x1a: {  	s8 =	sadd.s32 $0xFFFFE003, lr  }
0x1b: {  	s9 =	sadd.s32 $0xFFFFFEF7, lr;
	s5 =	simm.s32 $0xFFFFFFFF;
	p2 =	slt.u32 s8, $0xFFFFF086  }
0x1c: {  	p1 =	slt.u32 s9, $0xF7A;
	s5 =	simm.s32 @!p2 $0x0  }
0x1d: {  	s5 =	simm.s32 @p1 $0x1;
	p0 =	seq.s32 s7, s2  }
0x1e: {  	s7 =	smul.u32 @!p0 $0xF7A, s2;
	p2 =	seq.s32 @!p0 s5, $0x0  }
0x1f: {  	s9 =	smul.u32 $0xF7A, s1;
	s8 =	simm.s32 @!p0 $0x1BF5;
	p2 =	por !p2, p0  }
0x20: {  	[sflag:s8] =	ssyncset.s32 @!p0 $0xFFFFF086;
	s6 =	sadd.s32 @!p0 s3, s7;
	s7 =	simm.s32 @!p0 $0x108  }
0x21: {  	s3 =	sadd.s32 s3, s9;
	s6 =	sadd.s32 @!p0 $0x88, s6;
	s7 =	simm.s32 @p2 $0x1082  }
0x22: {  	[simem:s7], [sflag:s8] =	dma.local @!p0 [hbm:s6], $0xF7A  }
0x23: {  	s9 =	sor.u32 $0xD0000000, s2;
	s6 =	simm.s32 $0x108;
	_ =	swait.ge @!p0 [sflag:s8], $0x0  }
0x24: {  	s3 =	sadd.s32 $0x88, s3;
	s6 =	simm.s32 @!p1 $0x1082;
	[sflag:s4] =	ssyncset.s32 $0xFFFFF086  }
0x25: {  	[simem:s6], [sflag:s4] =	dma.local [hbm:s3], $0xF7A  }
0x26: {  	[smem:$0x3F99] =	sst s1;
	(tag) =	ssettag s2;
	_ =	strace s9  }
0x27: {  	s1 =	sld [smem:$0x3FA9]  }
0x28: {  	s2 =	sld [smem:$0x3FAA]  }
0x29: {  	s4 =	sld [smem:$0x3FAC]  }
0x2a: {  	p0 =	seq.s32 s5, $0x0;
	s5 =	sld [smem:$0x3FAD]  }
0x2b: {  	s6 =	sld [smem:$0x3FAE]  }
0x2c: {  	s7 =	sld [smem:$0x3FAF]  }
0x2d: {  	s3 =	simm.s32 $0x108;
	s8 =	sld [smem:$0x3FB0]  }
0x2e: {  	s3 =	simm.s32 @!p0 $0x1082;
	s9 =	sld [smem:$0x3FB1]  }
0x2f: {  	lr =	sadd.s32 s0, s3;
	s0 =	sld [smem:$0x3FA8]  }
0x30: {  	s3 =	sld [smem:$0x3FAB]  }
0x31: {  	[smem:$0x3FB4] =	sst s10  }
0x32: {  	s10 =	sld [smem:$0x3FB2];
	_ =	sdelay $0x3  }
0x33: {  	p0 =	seq.s32 s10, $0x1;
	s10 =	sld [smem:$0x3FB4];
	_ =	sdelay $0x3  }
0x34: {  	[smem:$0x3FB4] =	sst s10  }
0x35: {  	s10 =	sld [smem:$0x3FB3];
	_ =	sdelay $0x3  }
0x36: {  	p1 =	seq.s32 s10, $0x1;
	s10 =	sld [smem:$0x3FB4];
	_ =	sdelay $0x3  }
0x37: {  	[smem:$0x3FB4] =	sst s10  }
0x38: {  	s10 =	sld [smem:$0x3FB5]  }
0x39: {  	_ = 	snop;
	(pc) =	sbr.ind lr, $3  }
0x3a: {  	_ = 	snop  }
0x3b: {  	_ = 	snop  }
0x3c: {  	p2 =	seq.s32 s10, $0x1;
	s10 =	sld [smem:$0x3FB4]  }
0x3d: {  	_ =	shalt  }
0x3e: {  	_ =	shalt  }
0x3f: {  	_ =	shalt  }
0x40: {  	_ =	shalt  }
0x41: {  	_ =	shalt  }
0x42: {  	_ =	shalt  }
0x43: {  	_ =	shalt  }
0x44: {  	_ =	shalt  }
0x45: {  	_ =	shalt  }
0x46: {  	_ =	shalt  }
0x47: {  	_ =	shalt  }
0x48: {  	_ =	shalt  }
0x49: {  	_ =	shalt  }
0x4a: {  	_ =	shalt  }
0x4b: {  	_ =	shalt  }
0x4c: {  	_ =	shalt  }
0x4d: {  	_ =	shalt  }
0x4e: {  	_ =	shalt  }
0x4f: {  	_ =	shalt  }
0x50: {  	_ =	shalt  }
0x51: {  	_ =	shalt  }
0x52: {  	_ =	shalt  }
0x53: {  	_ =	shalt  }
0x54: {  	_ =	shalt  }
0x55: {  	_ =	shalt  }
0x56: {  	_ =	shalt  }
0x57: {  	_ =	shalt  }
0x58: {  	_ =	shalt  }
0x59: {  	_ =	shalt  }
0x5a: {  	_ =	shalt  }
0x5b: {  	_ =	shalt  }
0x5c: {  	_ =	shalt  }
0x5d: {  	_ =	shalt  }
0x5e: {  	_ =	shalt  }
0x5f: {  	_ =	shalt  }
0x60: {  	_ =	shalt  }
0x61: {  	_ =	shalt  }
0x62: {  	_ =	shalt  }
0x63: {  	_ =	shalt  }
0x64: {  	_ =	shalt  }
0x65: {  	_ =	shalt  }
0x66: {  	_ =	shalt  }
0x67: {  	_ =	shalt  }
0x68: {  	_ =	shalt  }
0x69: {  	_ =	shalt  }
0x6a: {  	_ =	shalt  }
0x6b: {  	_ =	shalt  }
0x6c: {  	_ =	shalt  }
0x6d: {  	_ =	shalt  }
0x6e: {  	_ =	shalt  }
0x6f: {  	_ =	shalt  }
0x70: {  	_ =	shalt  }
0x71: {  	_ =	shalt  }
0x72: {  	_ =	shalt  }
0x73: {  	_ =	shalt  }
0x74: {  	_ =	shalt  }
0x75: {  	_ =	shalt  }
0x76: {  	_ =	shalt  }
0x77: {  	_ =	shalt  }
0x78: {  	_ =	shalt  }
0x79: {  	_ =	shalt  }
0x7a: {  	_ =	shalt  }
0x7b: {  	_ =	shalt  }
0x7c: {  	_ =	shalt  }
0x7d: {  	_ =	shalt  }
0x7e: {  	_ =	shalt  }
0x7f: {  	_ =	shalt  }
0x80: {  	_ =	shalt  }
0x81: {  	_ =	shalt  }
0x82: {  	_ =	shalt  }
0x83: {  	_ =	shalt  }
0x84: {  	_ =	shalt  }
0x85: {  	_ =	shalt  }
0x86: {  	_ =	shalt  }
0x87: {  	_ =	shalt  }
.Lfunc_end0:
.L_simem_size_0:
called_computation_lowered:
.L_overlay_start_0:
0x88: {  	s2 =	sld [smem:$0x3FD9]  }
0x89: {  	s3 =	sld [smem:$0x3FFE];
	_ =	sdelay $0x1  }
0x8a: {  	s1 =	srdreg.scid  }
0x8b: {  	s0 =	sand.u32 $0x1, s1  }
0x8c: {  	s17 =	sshll.u32 s0, $0xA;
	s2 =	sadd.s32 s3, s2  }
0x8d: {  	s2 =	sadd.s32 s2, s17  }
0x8e: {  	[smem:$0x3FC0] =	sst s2  }
0x8f: {  	_ = 	snop  }
0x90: {  	s2 =	sld [smem:$0x3FD0];
	(tm) =	ssettm $0x1  }
0x91: {  	s18 =	sld [smem:$0x3FFB];
	_ =	sdelay $0x3  }
0x92: {  	_ =	strace s18  }
0x93: {  	s3 =	sld [smem:$0x3FFC];
	_ =	sdelay $0x3  }
0x94: {  	_ =	strace s3  }
0x95: {  	s3 =	sld [smem:$0x3FFD];
	_ =	sdelay $0x3  }
0x96: {  	_ =	strace s3  }
0x97: {  	_ =	strace $0x8FFFFFFF  }
0x98: {  	s19 =	sld [smem:$0x3FDB];
	_ =	sdelay $0x1  }
0x99: {  	s4 =	simm.s32 $_scs_section_size  }
0x9a: {  	s5 =	simm.s32 $_size__tile_overlayer_lowered;
	s6 =	simm.s32 $_tile_overlayer_lowered  }
0x9b: {  	s22 =	simm.s32 $0x1BFF;
	s21 =	sshll.u32 s6, $0x1;
	s3 =	sadd.s32 s4, s19  }
0x9c: {  	s7 =	simm.s32 $0x0;
	s20 =	sshll.u32 s5, $0x1;
	s5 =	sadd.s32 s21, s3  }
0x9d: {  	[timem:s7], [sflag:s22] =	dma.local [hbm:s5], s20  }
0x9e: {  	_ =	swait.ge [sflag:s22], s20  }
0x9f: {  	s4 =	ssub.s32 $0x0, s20;
	[sflag:s22] =	ssyncset.done $0x0  }
0xa0: {  	[sflag:s22] =	ssyncadd.s32 s4;
	_ =	sdelay $0x1  }
0xa1: {  	s23 =	simm.s32 $0x1B8B  }
0xa2: {  	_ =	swait.ge [sflag:s23], $0x1  }
0xa3: {  	[sflag:s23] =	ssyncset.done $0x0  }
0xa4: {  	s25 =	simm.s32 $0x1B8E;
	s24 =	sld [smem:$0x3FFE];
	[sflag:s23] =	ssyncadd.s32 $0xFFFFFFFF  }
0xa5: {  	s26 =	simm.s32 $execute0_lowered;
	[smem:$0x3FD2] =	sst s25  }
0xa6: {  	s5 =	sshll.u32 s26, $0x1;
	_ =	strace $0x80000046;
	[dreg:$0x1] =	wrdreg $0xFFFFFFFF  }
0xa7: {  	s28 =	simm.s32 $_size_execute0_lowered;
	s3 =	sadd.s32 s3, s5;
	[dreg:$0x0] =	wrdreg $0x0  }
0xa8: {  	s5 =	sshll.u32 s28, $0x1;
	[dreg:$0x2] =	wrdreg s3  }
0xa9: {  	[dreg:$0x3] =	wrdreg s5  }
0xaa: {  	[dreg:$0x4] =	wrdreg $0xC0  }
0xab: {  	_ =	task [dreg:s7], $0x5FFFF  }
0xac: {  	[dreg:$0x1] =	wrdreg $0xFFFFFFFF  }
0xad: {  	[dreg:$0x0] =	wrdreg $0x60  }
0xae: {  	[dreg:$0x2] =	wrdreg s24  }
0xaf: {  	[dreg:$0x3] =	wrdreg s2  }
0xb0: {  	[dreg:$0x4] =	wrdreg $0xC2000  }
0xb1: {  	[dreg:$0x5] =	wrdreg $0x9  }
0xb2: {  	_ =	task.clear_ibuf [dreg:s7], $0x6FFFF;
	_ =	strace $0x90000046  }
0xb3: {  	s29 =	simm.s32 $0x9;
	_ =	strace $0x80000048  }
0xb4: {  	_ =	swait.ge [sflag:s29], $0x1  }
0xb5: {  	[sflag:s29] =	ssyncadd.s32 $0xFFFFFFFF  }
0xb6: {  	_ =	strace $0x90000048  }
0xb7: {  	_ =	sfence  }
0xb8: {  	s30 =	sld [smem:$0x0];
	_ =	sdelay $0x2  }
0xb9: {  	s31 =	sshll.u32 s1, $0xD;
	s1 =	sshrl.u32 s1, $0x2  }
0xba: {  	s3 =	sand.u32 $0x4000, s31;
	s1 =	sadd.s32 s1, s30  }
0xbb: {  	s0 =	sor.u32 s3, s0;
	s1 =	sshll.u32 s1, $0x11  }
0xbc: {  	s0 =	sor.u32 s1, s0  }
0xbd: {  	s0 =	sadd.s32 $0x8F2B, s0  }
0xbe: {  	[sflag:s0] =	ssyncadd.remote.s32 $0x1  }
0xbf: {  	_ =	sfence.sel $0xFFFF  }
0xc0: {  	[dreg:$0x0] =	wrdreg $0xFFFFFFFF;
	(pc) =	sbr.abs _section_cstart, $3  }
0xc1: {  	[dreg:$0x1] =	wrdreg $0xFFFFFFFF  }
0xc2: {  	_ =	task.clear_ibuf [dreg:s7], $0x2FFFF;
	_ =	strace $0x9FFFFFFF  }
0xc3: {  	(tm) =	ssettm $0x7FFFFFFF  }
tec
execute0_lowered:
.L_overlay_start_1:
0x0: {  	(tag) =	ssettag $0x1  }
0x1: {  	s0 =	rddreg [dreg:$0x0]  }
0x2: {  	s1 =	srdreg.scid;
	s6 =	rddreg [dreg:$0x1]  }
0x3: {  	s2 =	rddreg [dreg:$0x2];
	s15 =	stileid.u32;
	s3 =	simm.s32 $0x0  }
0x4: {  	s29 =	simm.s32 $0x7;
	s30 =	simm.s32 $0x3C00;
	s31 =	simm.s32 $0x58  }
0x5: {  	s1 =	sand.u32 $0x1, s1;
	[smem:$0x7FF] =	sst s3;
	s8 =	smul.u32 $0x4F000, s15  }
0x6: {  	s10 =	smul.u32 $0x2780, s15;
	s12 =	sadd.s32 $0x2A00, s0;
	p3 =	sne.s32 s15, $0xF  }
0x7: {  	p0 =	seq.s32 s15, $0xF;
	s16 =	sadd.s32 $0x136000, s2;
	s18 =	sadd.s32 $0x25080, s6  }
0x8: {  	s21 =	sadd.s32 $0x12DC00, s2;
	_ =	strace $0x80000047;
	[dreg:$0x5] =	wrdreg s16  }
0x9: {  	s22 =	sadd.s32 $0x130800, s2;
	s23 =	sadd.s32 $0x12B000, s2;
	[dreg:$0x9] =	wrdreg s18  }
0xa: {  	s24 =	sadd.s32 $0x133400, s2;
	s26 =	smul.u32 $0x720, s15;
	[dreg:$0xe] =	wrdreg s21  }
0xb: {  	s4 =	sshll.u32 s1, $0x4;
	s14 =	ssub.s32 $0x2, s1;
	[dreg:$0xf] =	wrdreg s22  }
0xc: {  	p2 =	seq.s32 s1, $0x0;
	p4 =	seq.s32 s1, $0x1;
	[dreg:$0x10] =	wrdreg s23  }
0xd: {  	[dreg:$0x11] =	wrdreg s24;
	s25 =	smul.u32 $0x7200, s1;
	s1 =	simm.s32 $0x1  }
0xe: {  	s16 =	simm.s32 $0x0;
	s7 =	sor.u32 s15, s4;
	s4 =	sadd.s32 $0x1FE00, s0  }
0xf: {  	s11 =	sshrl.u32 s14, $0x1;
	s8 =	sshrl.u32 s8, $0x2;
	s13 =	sadd.s32 s10, s0  }
0x10: {  	p1 =	por !p2, !p3;
	p2 =	por !p2, !p0;
	s6 =	sadd.s32 s6, s10  }
0x11: {  	p3 =	por !p3, !p4;
	p4 =	por !p0, !p4;
	s15 =	simm.s32 $0x4  }
0x12: {  	s10 =	simm.s32 $0x3;
	s5 =	smul.u32 $0x780, s7;
	s14 =	ssub.s32 s14, s11  }
0x13: {  	s7 =	smul.u32 $0x720, s7;
	p1 =	por !p1, !p1;
	p2 =	por !p2, !p2  }
0x14: {  	s11 =	sadd.s32 $0x128400, s2;
	[dreg:$0xa] =	wrdreg s6;
	p3 =	por !p3, !p3  }
0x15: {  	s19 =	sadd.s32 $0x47000, s13;
	p4 =	por !p4, !p4;
	s13 =	simm.s32 $0x6A00  }
0x16: {  	s6 =	simm.s32 $0x3D00;
	[dreg:$0xc] =	wrdreg s19;
	s20 =	smax.u32 s14, $0x1  }
0x17: {  	p4 =	por !p4, p3;
	s14 =	simm.s32 $0x9600;
	s9 =	sadd.s32 s5, s0  }
0x18: {  	s5 =	sadd.s32 s8, s2;
	s7 =	sadd.s32 s12, s7;
	[dreg:$0xd] =	wrdreg s20  }
0x19: {  	s0 =	sadd.s32 $0x6C080, s0;
	s8 =	sadd.s32 $0x13400, s5;
	[dreg:$0x7] =	wrdreg s7  }
0x1a: {  	s17 =	sadd.s32 $0x10E00, s9;
	s7 =	sadd.s32 $0x10, s7;
	[dreg:$0xb] =	wrdreg s0  }
0x1b: {  	s21 =	sadd.s32 $0x2C00, s5;
	s22 =	sadd.s32 $0x5800, s5;
	s0 =	sadd.s32 s25, s12  }
.Ltmp0:
0x1c: {  	s23 =	sadd.s32 $0x8400, s5;
	[dreg:$0x4] =	wrdreg s8;
	(pc) =	sbr.rel .LBB2_1-.Ltmp0, $4  }
0x1d: {  	s24 =	sadd.s32 $0xB000, s5;
	s28 =	sadd.s32 $0x10800, s5;
	[dreg:$0x6] =	wrdreg s17  }
0x1e: {  	s12 =	simm.s32 $0x3C80;
	s9 =	simm.s32 $0x6;
	[dreg:$0x8] =	wrdreg s7  }
0x1f: {  	s0 =	sadd.s32 s26, s0;
	s26 =	sadd.s32 $0xDC00, s5;
	s7 =	simm.s32 $0x2  }
0x20: {  	v0 =	vimm.f32 $0.0e+00;
	s8 =	simm.s32 $0x5;
	s18 =	sadd.s32 $0x20, s0;
	s0 =	simm.s32 $0x3E00  }
.LBB2_10:
0x21: {  	s17 =	sshrl.u32 s11, $0x3;
	s19 =	rddreg [dreg:$0x9];
	s20 =	simm.s32 $0x1FC7  }
0x22: {  	[hbm:s19], [sflag:s20] =	dma.local [spmem:s17], $0x2080  }
0x23: {  	_ =	swait.ge [sflag:s29], $0x2080  }
0x24: {  	[sflag:s29] =	ssyncset.done $0x0  }
0x25: {  	[sflag:s29] =	ssyncadd.s32 $0xFFFFDF80  }
.LBB2_11:
0x26: {  	s16 =	sadd.s32 $0x1, s16;
	s17 =	rddreg [dreg:$0xd]  }
0x27: {  	p5 =	sne.s32 s16, s17  }
.Ltmp1:
0x28: {  	_ = 	snop;
	(pc) =	sbr.rel @!p5 .LBB2_12-.Ltmp1, $1  }
0x29: {  	_ =	sdelay $0x3  }
.LBB2_1:
0x2a: {  	s17 =	simm.s32 $0x70;
	s19 =	simm.s32 $0x3C0  }
.LBB2_2:
0x2b: {  	p5 =	sne.s32 s19, $0xAFC0;
	[tilespmem:s17+$0x3E00] =	vst v0  }
0x2c: {  	[tilespmem:s17+$0x3D90] =	vst v0  }
0x2d: {  	[tilespmem:s17+$0x3DA0] =	vst v0  }
.Ltmp2:
0x2e: {  	[tilespmem:s17+$0x3DB0] =	vst v0;
	(pc) =	sbr.rel @p5 .LBB2_2-.Ltmp2, $4  }
0x2f: {  	[tilespmem:s17+$0x3DC0] =	vst v0  }
0x30: {  	[tilespmem:s17+$0x3DD0] =	vst v0  }
0x31: {  	[tilespmem:s17+$0x3DE0] =	vst v0  }
0x32: {  	[tilespmem:s17+$0x3DF0] =	vst v0;
	s17 =	sshra.s32 s19, $0x2;
	s19 =	sadd.s32 $0x200, s19  }
0x33: {  	[tilespmem:s17+$0x3E00] =	vst v0  }
0x34: {  	[tilespmem:s17+$0x3D90] =	vst v0  }
0x35: {  	[tilespmem:s17+$0x3DA0] =	vst v0  }
0x36: {  	[tilespmem:s17+$0x3DB0] =	vst v0  }
0x37: {  	[tilespmem:s17+$0x3DC0] =	vst v0  }
0x38: {  	[tilespmem:s17+$0x3DD0] =	vst v0  }
0x39: {  	[tilespmem:s17+$0x3DE0] =	vst v0  }
0x3a: {  	[tilespmem:s17+$0x3DF0] =	vst v0;
	s17 =	simm.s32 @p0 $0x3E00;
	s19 =	simm.s32 @p0 $0x7  }
0x3b: {  	[spmem:s11] =	stream.linear.scatter @p0 [tilespmem:s17], [sflag:$0x7], $0x2C00, $0x38;
	[tilespmem:$0x1FA80] =	vst v63  }
0x3c: {  	_ =	swait.ge @p0 [sflag:s19], $0x2C00  }
0x3d: {  	[sflag:s19] =	ssyncset.done @p0 $0x0  }
0x3e: {  	s20 =	rddreg [dreg:$0x10];
	[sflag:s19] =	ssyncadd.s32 @p0 $0xFFFFD400  }
0x3f: {  	[spmem:s20] =	stream.linear.scatter @p0 [tilespmem:s17], [sflag:$0x7], $0x2C00, $0x38;
	[tilespmem:$0x1FA80] =	vst v63  }
0x40: {  	_ =	swait.ge @p0 [sflag:s19], $0x2C00  }
0x41: {  	[sflag:s19] =	ssyncset.done @p0 $0x0  }
0x42: {  	s20 =	rddreg [dreg:$0xe];
	[sflag:s19] =	ssyncadd.s32 @p0 $0xFFFFD400  }
0x43: {  	[spmem:s20] =	stream.linear.scatter @p0 [tilespmem:s17], [sflag:$0x7], $0x2C00, $0x38;
	[tilespmem:$0x1FA80] =	vst v63  }
0x44: {  	_ =	swait.ge @p0 [sflag:s19], $0x2C00  }
0x45: {  	[sflag:s19] =	ssyncset.done @p0 $0x0  }
0x46: {  	s20 =	rddreg [dreg:$0xf];
	[sflag:s19] =	ssyncadd.s32 @p0 $0xFFFFD400  }
0x47: {  	[spmem:s20] =	stream.linear.scatter @p0 [tilespmem:s17], [sflag:$0x7], $0x2C00, $0x38;
	[tilespmem:$0x1FA80] =	vst v63  }
0x48: {  	_ =	swait.ge @p0 [sflag:s19], $0x2C00  }
0x49: {  	[sflag:s19] =	ssyncset.done @p0 $0x0  }
0x4a: {  	s20 =	rddreg [dreg:$0x11];
	[sflag:s19] =	ssyncadd.s32 @p0 $0xFFFFD400  }
0x4b: {  	[spmem:s20] =	stream.linear.scatter @p0 [tilespmem:s17], [sflag:$0x7], $0x2C00, $0x38;
	[tilespmem:$0x1FA80] =	vst v63  }
0x4c: {  	_ =	swait.ge @p0 [sflag:s19], $0x2C00  }
0x4d: {  	[sflag:s19] =	ssyncset.done @p0 $0x0  }
0x4e: {  	s20 =	rddreg [dreg:$0x5];
	[sflag:s19] =	ssyncadd.s32 @p0 $0xFFFFD400  }
0x4f: {  	[spmem:s20] =	stream.linear.scatter @p0 [tilespmem:s17], [sflag:$0x7], $0x2800, $0x38;
	[tilespmem:$0x1FA80] =	vst v63  }
0x50: {  	_ =	swait.ge @p0 [sflag:s19], $0x2800  }
0x51: {  	[sflag:s19] =	ssyncset.done @p0 $0x0  }
0x52: {  	s17 =	simm.s32 @!p0 $0x3E00;
	[sflag:s19] =	ssyncadd.s32 @p0 $0xFFFFD800;
	s19 =	simm.s32 @!p0 $0x7  }
0x53: {  	[spmem:s5] =	stream.linear.scatter @!p0 [tilespmem:s17], [sflag:$0x7], $0x2C00, $0x38;
	[tilespmem:$0x1FA80] =	vst v63  }
0x54: {  	_ =	swait.ge @!p0 [sflag:s19], $0x2C00  }
0x55: {  	[sflag:s19] =	ssyncset.done @!p0 $0x0  }
0x56: {  	[sflag:s19] =	ssyncadd.s32 @!p0 $0xFFFFD400  }
0x57: {  	[spmem:s21] =	stream.linear.scatter @!p0 [tilespmem:s17], [sflag:$0x7], $0x2C00, $0x38;
	[tilespmem:$0x1FA80] =	vst v63  }
0x58: {  	_ =	swait.ge @!p0 [sflag:s19], $0x2C00  }
0x59: {  	[sflag:s19] =	ssyncset.done @!p0 $0x0  }
0x5a: {  	[sflag:s19] =	ssyncadd.s32 @!p0 $0xFFFFD400  }
0x5b: {  	[spmem:s22] =	stream.linear.scatter @!p0 [tilespmem:s17], [sflag:$0x7], $0x2C00, $0x38;
	[tilespmem:$0x1FA80] =	vst v63  }
0x5c: {  	_ =	swait.ge @!p0 [sflag:s19], $0x2C00  }
0x5d: {  	[sflag:s19] =	ssyncset.done @!p0 $0x0  }
0x5e: {  	[sflag:s19] =	ssyncadd.s32 @!p0 $0xFFFFD400  }
0x5f: {  	[spmem:s23] =	stream.linear.scatter @!p0 [tilespmem:s17], [sflag:$0x7], $0x2C00, $0x38;
	[tilespmem:$0x1FA80] =	vst v63  }
0x60: {  	_ =	swait.ge @!p0 [sflag:s19], $0x2C00  }
0x61: {  	[sflag:s19] =	ssyncset.done @!p0 $0x0  }
0x62: {  	[sflag:s19] =	ssyncadd.s32 @!p0 $0xFFFFD400  }
0x63: {  	[spmem:s24] =	stream.linear.scatter @!p0 [tilespmem:s17], [sflag:$0x7], $0x2C00, $0x38;
	[tilespmem:$0x1FA80] =	vst v63  }
0x64: {  	_ =	swait.ge @!p0 [sflag:s19], $0x2C00  }
0x65: {  	[sflag:s19] =	ssyncset.done @!p0 $0x0  }
0x66: {  	[sflag:s19] =	ssyncadd.s32 @!p0 $0xFFFFD400  }
0x67: {  	[spmem:s26] =	stream.linear.scatter @!p0 [tilespmem:s17], [sflag:$0x7], $0x2C00, $0x38;
	[tilespmem:$0x1FA80] =	vst v63  }
0x68: {  	_ =	swait.ge @!p0 [sflag:s19], $0x2C00  }
0x69: {  	[sflag:s19] =	ssyncset.done @!p0 $0x0  }
0x6a: {  	[sflag:s19] =	ssyncadd.s32 @!p0 $0xFFFFD400  }
0x6b: {  	[spmem:s28] =	stream.linear.scatter @!p0 [tilespmem:s17], [sflag:$0x7], $0x2C00, $0x38;
	[tilespmem:$0x1FA80] =	vst v63  }
0x6c: {  	_ =	swait.ge @!p0 [sflag:s19], $0x2C00  }
0x6d: {  	[sflag:s19] =	ssyncset.done @!p0 $0x0  }
0x6e: {  	s20 =	rddreg [dreg:$0x4];
	[sflag:s19] =	ssyncadd.s32 @!p0 $0xFFFFD400  }
0x6f: {  	[spmem:s20] =	stream.linear.scatter @!p0 [tilespmem:s17], [sflag:$0x7], $0x800, $0x38;
	[tilespmem:$0x1FA80] =	vst v63  }
0x70: {  	_ =	swait.ge @!p0 [sflag:s19], $0x800  }
0x71: {  	[sflag:s19] =	ssyncset.done @!p0 $0x0  }
0x72: {  	s17 =	simm.s32 $0x0;
	s20 =	rddreg [dreg:$0x6];
	[sflag:s19] =	ssyncadd.s32 @!p0 $0xFFFFF800  }
0x73: {  	[tilespmem:s17], [sflag:$0x7] =	stream.linear.gather [hbm4b:s20+s17], $0x3900, $0x38;
	[tilespmem:$0x1FA80] =	vst v63  }
0x74: {  	_ =	swait.ge [sflag:s29], $0x3900  }
0x75: {  	[sflag:s29] =	ssyncset.done $0x0  }
0x76: {  	s25 =	rddreg [dreg:$0x7];
	[sflag:s29] =	ssyncadd.s32 $0xFFFFC700  }
0x77: {  	[tilespmem:s30], [sflag:$0x4] =	stream.linear.gather [hbm4b:s25+s17], $0x80, $0x38;
	[tilespmem:$0x1FA80] =	vst v63  }
0x78: {  	_ = 	snop  }
0x79: {  	[tilespmem:s0], [sflag:$0x1] =	stream.indirect.gather [hbm4b:s4+s31], $0x80, s17, s31, $0xb8;
	[tilespmem:$0x1FA80] =	vst v63  }
0x7a: {  	s20 =	rddreg [dreg:$0x8]  }
0x7b: {  	[tilespmem:s12], [sflag:$0x5] =	stream.linear.gather [hbm4b:s20+s17], $0x80, $0x38;
	[tilespmem:$0x1FA80] =	vst v63  }
0x7c: {  	s25 =	simm.s32 $0x80  }
0x7d: {  	[tilespmem:s13], [sflag:$0x2] =	stream.indirect.gather [hbm4b:s4+s31], $0x80, s25, s31, $0xb8;
	[tilespmem:$0x1FA80] =	vst v63  }
0x7e: {  	s25 =	smov.u32 s18;
	[bflag:$0x0] =	sbarrier.arrive $0xFFFF  }
.LBB2_4:
0x7f: {  	_ =	swait.ge [sflag:s1], $0x2C00  }
0x80: {  	s19 =	sshra.s32 s17, $0x2;
	[sflag:s1] =	ssyncset.done $0x0  }
0x81: {  	s20 =	sadd.s32 $0x100, s19;
	[sflag:s1] =	ssyncadd.s32 $0xFFFFD400  }
0x82: {  	[tilespmem:s14], [sflag:$0x3] =	stream.indirect.gather [hbm4b:s4+s31], $0x80, s20, s31, $0xb8;
	[tilespmem:$0x1FA80] =	vst v63  }
0x83: {  	_ =	swait.ge [sflag:s15], $0x80  }
0x84: {  	[sflag:s15] =	ssyncset.done $0x0  }
0x85: {  	[sflag:s15] =	ssyncadd.s32 $0xFFFFFF80  }
0x86: {  	[spmem:s2] =	stream.indirect.scatter.add.f32 [tilespmem:s0], [sflag:$0x7], $0x80, s30, s31, $0xb8;
	[tilespmem:$0x1FA80] =	vst v63  }
0x87: {  	_ =	swait.ge [sflag:s29], $0x2C00  }
0x88: {  	p5 =	seq.s32 s17, $0xDE00;
	[sflag:s29] =	ssyncset.done $0x0  }
.Ltmp3:
0x89: {  	[sflag:s29] =	ssyncadd.s32 $0xFFFFD400;
	(pc) =	sbr.rel @p5 .LBB2_6-.Ltmp3, $4  }
0x8a: {  	[tilespmem:s6], [sflag:$0x6] =	stream.linear.gather [hbm4b:s25+s3], $0x80, $0x38;
	[tilespmem:$0x1FA80] =	vst v63  }
0x8b: {  	_ =	swait.ge [sflag:s7], $0x2C00  }
0x8c: {  	[sflag:s7] =	ssyncset.done $0x0  }
0x8d: {  	[sflag:s7] =	ssyncadd.s32 $0xFFFFD400  }
0x8e: {  	s20 =	sadd.s32 $0x180, s19  }
0x8f: {  	[tilespmem:s0], [sflag:$0x1] =	stream.indirect.gather [hbm4b:s4+s31], $0x80, s20, s31, $0xb8;
	[tilespmem:$0x1FA80] =	vst v63  }
0x90: {  	_ =	swait.ge [sflag:s8], $0x80  }
0x91: {  	[sflag:s8] =	ssyncset.done $0x0  }
0x92: {  	[sflag:s8] =	ssyncadd.s32 $0xFFFFFF80  }
0x93: {  	[spmem:s2] =	stream.indirect.scatter.add.f32 [tilespmem:s13], [sflag:$0x7], $0x80, s12, s31, $0xb8;
	[tilespmem:$0x1FA80] =	vst v63  }
0x94: {  	_ =	swait.ge [sflag:s29], $0x2C00  }
0x95: {  	[sflag:s29] =	ssyncset.done $0x0  }
0x96: {  	s20 =	sadd.s32 $0x10, s25;
	[sflag:s29] =	ssyncadd.s32 $0xFFFFD400  }
0x97: {  	[tilespmem:s30], [sflag:$0x4] =	stream.linear.gather [hbm4b:s20+s3], $0x80, $0x38;
	[tilespmem:$0x1FA80] =	vst v63  }
0x98: {  	_ =	swait.ge [sflag:s10], $0x2C00  }
0x99: {  	[sflag:s10] =	ssyncset.done $0x0  }
0x9a: {  	s20 =	sadd.s32 $0x200, s19;
	[sflag:s10] =	ssyncadd.s32 $0xFFFFD400  }
0x9b: {  	[tilespmem:s13], [sflag:$0x2] =	stream.indirect.gather [hbm4b:s4+s31], $0x80, s20, s31, $0xb8;
	[tilespmem:$0x1FA80] =	vst v63  }
0x9c: {  	_ =	swait.ge [sflag:s9], $0x80  }
0x9d: {  	[sflag:s9] =	ssyncset.done $0x0  }
0x9e: {  	[sflag:s9] =	ssyncadd.s32 $0xFFFFFF80  }
0x9f: {  	[spmem:s2] =	stream.indirect.scatter.add.f32 [tilespmem:s14], [sflag:$0x7], $0x80, s6, s31, $0xb8;
	[tilespmem:$0x1FA80] =	vst v63  }
.Ltmp4:
0xa0: {  	_ = 	snop;
	(pc) =	sbr.rel .LBB2_4-.Ltmp4, $4  }
0xa1: {  	_ =	swait.ge [sflag:s29], $0x2C00  }
0xa2: {  	s17 =	sadd.s32 $0x600, s17;
	[sflag:s29] =	ssyncset.done $0x0  }
0xa3: {  	s20 =	sadd.s32 $0x20, s25;
	s25 =	sadd.s32 $0x30, s25;
	[sflag:s29] =	ssyncadd.s32 $0xFFFFD400  }
0xa4: {  	[tilespmem:s12], [sflag:$0x5] =	stream.linear.gather [hbm4b:s20+s3], $0x80, $0x38;
	[tilespmem:$0x1FA80] =	vst v63  }
.LBB2_6:
0xa5: {  	_ =	swait.ge [sflag:s8], $0x80  }
0xa6: {  	[sflag:s8] =	ssyncset.done $0x0  }
0xa7: {  	[sflag:s8] =	ssyncadd.s32 $0xFFFFFF80  }
0xa8: {  	[spmem:s2] =	stream.indirect.scatter.add.f32 [tilespmem:s13], [sflag:$0x7], $0x80, s12, s31, $0xb8;
	[tilespmem:$0x1FA80] =	vst v63  }
0xa9: {  	_ =	swait.ge [sflag:s29], $0x2C00  }
0xaa: {  	[sflag:s29] =	ssyncset.done $0x0  }
0xab: {  	[sflag:s29] =	ssyncadd.s32 $0xFFFFD400  }
0xac: {  	_ =	swait.ge [sflag:s10], $0x2C00  }
0xad: {  	[sflag:s10] =	ssyncset.done $0x0  }
0xae: {  	[sflag:s10] =	ssyncadd.s32 $0xFFFFD400  }
0xaf: {  	_ =	swait.ge [sflag:s9], $0x80  }
0xb0: {  	[sflag:s9] =	ssyncset.done $0x0  }
0xb1: {  	[sflag:s9] =	ssyncadd.s32 $0xFFFFFF80  }
0xb2: {  	[spmem:s2] =	stream.indirect.scatter.add.f32 [tilespmem:s14], [sflag:$0x7], $0x80, s6, s31, $0xb8;
	[tilespmem:$0x1FA80] =	vst v63  }
.Ltmp5:
0xb3: {  	_ =	swait.ge [sflag:s29], $0x2C00;
	(pc) =	sbr.rel @!p1 .LBB2_9-.Ltmp5, $3  }
0xb4: {  	[sflag:s29] =	ssyncset.done $0x0  }
0xb5: {  	[sflag:s29] =	ssyncadd.s32 $0xFFFFD400  }
0xb6: {  	[bflag:$0x0] =	sbarrier.arrive $0xFFFF;
	_ =	sdelay $0x1  }
0xb7: {  	s17 =	stileid.u32  }
0xb8: {  	s19 =	sshrl.u32 s5, $0x3;
	s17 =	sshll.u32 s17, $0x6  }
.Ltmp6:
0xb9: {  	s20 =	rddreg [dreg:$0xa];
	s17 =	sor.u32 $0x1C07, s17;
	(pc) =	sbr.rel .LBB2_8-.Ltmp6, $4  }
0xba: {  	[hbm:s20], [sflag:s17] =	dma.local [spmem:s19], $0x2780  }
0xbb: {  	_ =	swait.ge [sflag:s29], $0x2780  }
0xbc: {  	[sflag:s29] =	ssyncset.done $0x0  }
0xbd: {  	[sflag:s29] =	ssyncadd.s32 $0xFFFFD880  }
.LBB2_9:
.Ltmp7:
0xbe: {  	(pc) =	sbr.rel @p2 .LBB2_10-.Ltmp7, $1  }
0xbf: {  	_ =	sdelay $0x3  }
.LBB2_8:
0xc0: {  	s17 =	sshrl.u32 @!p4 s11, $0x3;
	s19 =	simm.s32 @!p4 $0x1FC7;
	s20 =	rddreg [dreg:$0xb]  }
0xc1: {  	[hbm:s20], [sflag:s19] =	dma.local @!p4 [spmem:s17], $0x2080  }
0xc2: {  	s17 =	simm.s32 @!p4 $0x7  }
0xc3: {  	s19 =	stileid.u32;
	_ =	swait.ge @!p4 [sflag:s17], $0x2080  }
0xc4: {  	s19 =	sshll.u32 @p3 s19, $0x6;
	[sflag:s17] =	ssyncset.done @!p4 $0x0;
	s20 =	rddreg [dreg:$0xc]  }
0xc5: {  	[sflag:s17] =	ssyncadd.s32 @!p4 $0xFFFFDF80;
	s17 =	sor.u32 @p3 $0x1C07, s19;
	s19 =	sshrl.u32 @p3 s5, $0x3  }
0xc6: {  	[hbm:s20], [sflag:s17] =	dma.local @p3 [spmem:s19], $0x2780  }
.Ltmp8:
0xc7: {  	_ = 	snop;
	(pc) =	sbr.rel .LBB2_11-.Ltmp8, $4  }
0xc8: {  	s17 =	simm.s32 @p3 $0x7  }
0xc9: {  	_ =	swait.ge @p3 [sflag:s17], $0x2780  }
0xca: {  	[sflag:s17] =	ssyncset.done @p3 $0x0  }
0xcb: {  	[sflag:s17] =	ssyncadd.s32 @p3 $0xFFFFD880  }
.LBB2_12:
0xcc: {  	_ =	sfence.sel $0x180000  }
0xcd: {  	[bflag:$0x0] =	sbarrier.arrive $0xFFFF  }
0xce: {  	_ =	strace $0x90000047  }
0xcf: {  	s0 =	stileid.u32;
	[bflag:$0x2] =	sbarrier.arrive $0xFFFF  }
0xd0: {  	p0 =	sne.s32 s0, $0x0;
	s0 =	rddreg [dreg:$0x3]  }
0xd1: {  	s0 =	sadd.s32 @!p0 $0x100000, s0  }
0xd2: {  	[sflag:s0] =	ssyncadd.tile.s32 @!p0 $0x1;
	_ =	shalt  }
.Lfunc_end2:
_tile_overlayer_lowered:
.L_overlay_start_2:
0xd3: {  	(tag) =	ssettag $0x2  }
0xd4: {  	s0 =	rddreg [dreg:$0x0];
	s2 =	stileid.u32  }
0xd5: {  	s1 =	rddreg [dreg:$0x1];
	p0 =	sne.s32 s2, $0x0  }
0xd6: {  	s3 =	rddreg [dreg:$0x2];
	[bflag:$0x3] =	sbarrier.arrive $0xFFFF;
	s2 =	simm.s32 @!p0 $0x1C07  }
0xd7: {  	[timem:s3], [sflag:s2] =	dma.local @!p0 [hbm:s0], s1  }
0xd8: {  	s0 =	simm.s32 @!p0 $0x7  }
0xd9: {  	_ =	swait.ge @!p0 [sflag:s0], s1  }
0xda: {  	s1 =	ssub.s32 @!p0 $0x0, s1;
	[sflag:s0] =	ssyncset.done @!p0 $0x0  }
0xdb: {  	[sflag:s0] =	ssyncadd.s32 @!p0 s1  }
0xdc: {  	[bflag:$0x3] =	sbarrier.arrive $0xFFFF  }
0xdd: {  	_ =	shalt  }

</sc_bundles>
